<compile_context>
chip_gen: v7x
topology: tpu7x:2x2x1
jax: 0.10.2.dev20260603
libtpu: 0.0.44.dev20260713+nightly
codegen_flags: <defaults>
</compile_context>

<pallas_src>
import functools

import jax
import jax.numpy as jnp
from jax import lax
from jax.experimental import pallas as pl
from jax.experimental.pallas import tpu as pltpu
from jax.experimental.pallas import tpu_sc as plsc

_CAT = (119, 9, 12, 12, 10, 6, 6, 2, 2)
_D = 128
_N = 100000
_NC = 2
_NS = 16
_NW = _NC * _NS
_C = 64
_PT = 3200
_NP = _NW * _PT
_CHUNKS = _PT // _C
_GROUPS = _PT // 16

_RA = (_CAT[0] + 1) * (_CAT[1] + 1)
_RB = (_CAT[2] + 1) * (_CAT[3] + 1) * (_CAT[4] + 1)
_RC = (_CAT[5] + 1) * (_CAT[6] + 1) * (_CAT[7] + 1) * (_CAT[8] + 1)
_RT = _RA + _RB + _RC


def _sc_body(xT, tbl, out, xi, ia, ib, ic, ra, rb, rc, shd, sg0, sg1, so0, so1):
    wid = lax.axis_index("s") * _NC + lax.axis_index("c")
    base = wid * _PT
    sg = (sg0, sg1)
    so = (so0, so1)

    @pl.when(lax.axis_index("s") == 0)
    def _stage():
        pltpu.sync_copy(tbl, shd)

    pltpu.sync_copy(xT.at[:, pl.ds(base, _PT)], xi)
    plsc.subcore_barrier()

    def compute_idx(ci, p):
        for g in range(_C // 16):
            sl = pl.ds(ci * _C + g * 16, 16)
            v = [xi[f, sl] for f in range(9)]
            c = [jnp.where((v[f] < 0) | (v[f] >= _CAT[f]), _CAT[f], v[f]) for f in range(9)]
            a = c[0] * (_CAT[1] + 1) + c[1]
            b = (c[2] * (_CAT[3] + 1) + c[3]) * (_CAT[4] + 1) + c[4] + _RA
            cc = (
                ((c[5] * (_CAT[6] + 1) + c[6]) * (_CAT[7] + 1) + c[7]) * (_CAT[8] + 1)
                + c[8]
                + (_RA + _RB)
            )
            sd = pl.ds(g * 16, 16)
            ia[p, sd] = a
            ib[p, sd] = b
            ic[p, sd] = cc

    def fire_gathers(p):
        pltpu.async_copy(shd.at[ia.at[p]], ra.at[p], sg[p])
        pltpu.async_copy(shd.at[ib.at[p]], rb.at[p], sg[p])
        pltpu.async_copy(shd.at[ic.at[p]], rc.at[p], sg[p])

    def drain_gathers(p):
        pltpu.make_async_copy(shd.at[ia.at[p]], ra.at[p], sg[p]).wait()
        pltpu.make_async_copy(shd.at[ib.at[p]], rb.at[p], sg[p]).wait()
        pltpu.make_async_copy(shd.at[ic.at[p]], rc.at[p], sg[p]).wait()

    def out_slice(ci):
        return out.at[pl.ds(base + ci * _C, _C)]

    def process(ci, p):
        drain_gathers(p)

        def srow(j, carry2):
            for k in range(8):
                sl = pl.ds(k * 16, 16)
                ra[p, j, sl] = ra[p, j, sl] + rb[p, j, sl] + rc[p, j, sl]
            return carry2

        lax.fori_loop(0, _C, srow, 0)
        pltpu.async_copy(ra.at[p], out_slice(ci), so[p])

    compute_idx(0, 0)
    fire_gathers(0)

    def pair(k, carry):
        compute_idx(2 * k + 1, 1)

        @pl.when(k >= 1)
        def _wo1():
            pltpu.make_async_copy(ra.at[1], out_slice(2 * k - 1), so[1]).wait()

        fire_gathers(1)
        process(2 * k, 0)

        @pl.when(k < _CHUNKS // 2 - 1)
        def _pf0():
            compute_idx(2 * k + 2, 0)
            pltpu.make_async_copy(ra.at[0], out_slice(2 * k), so[0]).wait()
            fire_gathers(0)

        @pl.when(k == _CHUNKS // 2 - 1)
        def _wo0():
            pltpu.make_async_copy(ra.at[0], out_slice(2 * k), so[0]).wait()

        process(2 * k + 1, 1)
        return carry

    lax.fori_loop(0, _CHUNKS // 2, pair, 0)
    pltpu.make_async_copy(ra.at[1], out_slice(_CHUNKS - 1), so[1]).wait()


_sc_gather = functools.partial(
    pl.kernel,
    mesh=plsc.VectorSubcoreMesh(core_axis_name="c", subcore_axis_name="s"),
    out_type=jax.ShapeDtypeStruct((_NP, _D), jnp.float32),
    scratch_types=[
        pltpu.VMEM((9, _PT), jnp.int32),
        pltpu.VMEM((2, _C), jnp.int32),
        pltpu.VMEM((2, _C), jnp.int32),
        pltpu.VMEM((2, _C), jnp.int32),
        pltpu.VMEM((2, _C, _D), jnp.float32),
        pltpu.VMEM((2, _C, _D), jnp.float32),
        pltpu.VMEM((2, _C, _D), jnp.float32),
        pltpu.VMEM_SHARED((_RT, _D), jnp.float32),
        pltpu.SemaphoreType.DMA,
        pltpu.SemaphoreType.DMA,
        pltpu.SemaphoreType.DMA,
        pltpu.SemaphoreType.DMA,
    ],
)(_sc_body)


_BM = 800


def _tc_body(a_ref, t_ref, w_ref, b_ref, o_ref):
    o_ref[...] = (
        a_ref[...]
        + jnp.dot(t_ref[...], w_ref[...], preferred_element_type=jnp.float32)
        + b_ref[...]
    )


def _tc_call(acc, t, w2, b):
    return pl.pallas_call(
        _tc_body,
        grid=(_N // _BM,),
        in_specs=[
            pl.BlockSpec((_BM, _D), lambda i: (i, 0)),
            pl.BlockSpec((_BM, _D), lambda i: (i, 0)),
            pl.BlockSpec((_D, _D), lambda i: (0, 0)),
            pl.BlockSpec((1, _D), lambda i: (0, 0)),
        ],
        out_specs=pl.BlockSpec((_BM, _D), lambda i: (i, 0)),
        out_shape=jax.ShapeDtypeStruct((_N, _D), jnp.float32),
    )(acc, t, w2, b)


def kernel(x, time_features, emb0, emb1, emb2, emb3, emb4, emb5, emb6, emb7, emb8, W_t, b_t):
    w1 = W_t[:_D] * (1.0 / 3.0)
    w2 = W_t[_D:]
    pa = (emb0[:, None, :] + emb1[None, :, :]).reshape(_RA, _D)
    pb = (emb2[:, None, None, :] + emb3[None, :, None, :] + emb4[None, None, :, :]).reshape(_RB, _D)
    pc = (
        emb5[:, None, None, None, :]
        + emb6[None, :, None, None, :]
        + emb7[None, None, :, None, :]
        + emb8[None, None, None, :, :]
    ).reshape(_RC, _D)
    tbl = jnp.concatenate([pa, pb, pc], axis=0) @ w1
    xT = jnp.pad(x, ((0, _NP - _N), (0, 0))).T
    acc = _sc_gather(xT, tbl)
    return _tc_call(acc, time_features, w2, jnp.reshape(b_t, (1, _D)))

# --- scband reference (transcript-rebuilt; emitter-appended) ---
"""Pipeline reference for scband-atom-diffusion-encoder-19112604467707 (READ-ONLY COPY).

The authoritative reference and input builder live on the scoring server;
editing this copy changes nothing except your own understanding.
"""

import jax, jax.numpy as jnp
import numpy as np

CAT_DIMS = [119, 9, 12, 12, 10, 6, 6, 2, 2]
EMB_DIM = 128
T_EMB_DIM = 128
N = 100000


def setup_inputs(seed: int = 0) -> dict:
    key = jax.random.key(seed)
    ks = jax.random.split(key, 16)
    inp = {}
    inp["x"] = jax.random.randint(ks[0], (N, len(CAT_DIMS)), 0, 119, dtype=jnp.int32)
    inp["time_features"] = jax.random.normal(ks[1], (N, T_EMB_DIM), dtype=jnp.float32)
    for i, d in enumerate(CAT_DIMS):
        a = float(np.sqrt(6.0 / (d + 1 + EMB_DIM)))
        inp[f"emb{i}"] = jax.random.uniform(ks[2 + i], (d + 1, EMB_DIM), minval=-a, maxval=a, dtype=jnp.float32)
    a = float(np.sqrt(1.0 / (EMB_DIM + T_EMB_DIM)))
    inp["W_t"] = jax.random.uniform(ks[11], (EMB_DIM + T_EMB_DIM, EMB_DIM), minval=-a, maxval=a, dtype=jnp.float32)
    inp["b_t"] = jax.random.uniform(ks[12], (EMB_DIM,), minval=-a, maxval=a, dtype=jnp.float32)
    return inp


def reference(x, time_features, emb0, emb1, emb2, emb3, emb4, emb5, emb6, emb7, emb8, W_t, b_t):
    tables = [emb0, emb1, emb2, emb3, emb4, emb5, emb6, emb7, emb8]
    acc = jnp.zeros((x.shape[0], EMB_DIM), dtype=jnp.float32)
    for i, d in enumerate(CAT_DIMS):
        idx = x[:, i]
        idx = jnp.where((idx < 0) | (idx >= d), d, idx)
        acc = acc + jnp.take(tables[i], idx, axis=0)
    acc = acc / jnp.sqrt(jnp.asarray(float(len(CAT_DIMS)), dtype=jnp.float32))
    h = jnp.concatenate([acc, time_features], axis=1)
    return h @ W_t + b_t

if __name__ == "__main__":
    import jax
    _d = setup_inputs()
    print(jax.jit(kernel)(*tuple(_d.values())))

</pallas_src>

<mosaic_0001>
#map = affine_map<(d0, d1) -> (0, 0)>
module attributes {stable_mosaic.version = 14 : i64} {
  func.func @_sc_body(%arg0: i32, %arg1: i32, %arg2: memref<9x102400xi32, #tpu.memory_space<hbm>>, %arg3: memref<3500x128xf32, #tpu.memory_space<hbm>>, %arg4: memref<102400x128xf32, #tpu.memory_space<hbm>>, %arg5: memref<9x3200xi32, #tpu.memory_space<vmem>>, %arg6: memref<2x64xi32, #tpu.memory_space<vmem>>, %arg7: memref<2x64xi32, #tpu.memory_space<vmem>>, %arg8: memref<2x64xi32, #tpu.memory_space<vmem>>, %arg9: memref<2x64x128xf32, #tpu.memory_space<vmem>>, %arg10: memref<2x64x128xf32, #tpu.memory_space<vmem>>, %arg11: memref<2x64x128xf32, #tpu.memory_space<vmem>>, %arg12: memref<3500x128xf32, #tpu.memory_space<vmem_shared>>, %arg13: memref<!tpu.dma_semaphore, #tpu.memory_space<semaphore_mem>>, %arg14: memref<!tpu.dma_semaphore, #tpu.memory_space<semaphore_mem>>, %arg15: memref<!tpu.dma_semaphore, #tpu.memory_space<semaphore_mem>>, %arg16: memref<!tpu.dma_semaphore, #tpu.memory_space<semaphore_mem>>) attributes {dimension_semantics = [#tpu.dimension_semantics<core_parallel>, #tpu.dimension_semantics<subcore_parallel>], iteration_bounds = array<i64: 2, 16>, scalar_prefetch = 0 : i64, scratch_operands = 12 : i64, tpu.core_type = #tpu.core_type<sc_vector_subcore>, window_params = [{transform_indices = #map}, {transform_indices = #map}, {transform_indices = #map}]} {
    %mul3A = arith.constant 2 : i32
    %mul3A_0 = arith.muli %arg1, %mul3A : i32
    %add3A = arith.addi %mul3A_0, %arg0 : i32
    %mul3A_1 = arith.constant 3200 : i32
    %mul3A_2 = arith.muli %add3A, %mul3A_1 : i32
    %eq3A = arith.constant 0 : i32
    %eq3A_3 = arith.cmpi eq, %arg1, %eq3A : i32
    %convert_element_type3A = arith.extui %eq3A_3 : i1 to i32
    %cond3A = arith.constant 0 : i32
    %cond3A_4 = arith.cmpi ne, %convert_element_type3A, %cond3A : i32
    scf.if %cond3A_4 {
      "tpu.region"() ({
        %run_scoped3A = tpu.sem_alloc : memref<!tpu.dma_semaphore, #tpu.memory_space<semaphore_mem>>
        tpu.enqueue_dma source(%arg3 : memref<3500x128xf32, #tpu.memory_space<hbm>>) target(%arg12 : memref<3500x128xf32, #tpu.memory_space<vmem_shared>>) target_semaphore(%run_scoped3A : memref<!tpu.dma_semaphore, #tpu.memory_space<semaphore_mem>>)
        tpu.wait_dma2 semaphore(%run_scoped3A : memref<!tpu.dma_semaphore, #tpu.memory_space<semaphore_mem>>) src(%arg3 : memref<3500x128xf32, #tpu.memory_space<hbm>>) dst(%arg12 : memref<3500x128xf32, #tpu.memory_space<vmem_shared>>)
        tpu.yield
      }) : () -> ()
    } else {
    }
    "tpu.region"() ({
      %run_scoped3A = tpu.sem_alloc : memref<!tpu.dma_semaphore, #tpu.memory_space<semaphore_mem>>
      %dma_start3A_783 = arith.constant 0 : i32
      %dma_start3A_784 = tpu.memref_slice %arg2[%dma_start3A_783, %mul3A_2] : memref<9x102400xi32, #tpu.memory_space<hbm>> -> memref<9x3200xi32, #tpu.memory_space<hbm>>
      %dma_start3A_785 = arith.constant 0 : i32
      %dma_start3A_786 = tpu.memref_slice %arg2[%dma_start3A_785, %mul3A_2] : memref<9x102400xi32, #tpu.memory_space<hbm>> -> memref<9x3200xi32, #tpu.memory_space<hbm>>
      tpu.enqueue_dma source(%dma_start3A_786 : memref<9x3200xi32, #tpu.memory_space<hbm>>) target(%arg5 : memref<9x3200xi32, #tpu.memory_space<vmem>>) target_semaphore(%run_scoped3A : memref<!tpu.dma_semaphore, #tpu.memory_space<semaphore_mem>>)
      %dma_wait3A_787 = arith.constant 0 : i32
      %dma_wait3A_788 = tpu.memref_slice %arg2[%dma_wait3A_787, %mul3A_2] : memref<9x102400xi32, #tpu.memory_space<hbm>> -> memref<9x3200xi32, #tpu.memory_space<hbm>>
      %dma_wait3A_789 = arith.constant 0 : i32
      %dma_wait3A_790 = tpu.memref_slice %arg2[%dma_wait3A_789, %mul3A_2] : memref<9x102400xi32, #tpu.memory_space<hbm>> -> memref<9x3200xi32, #tpu.memory_space<hbm>>
      tpu.wait_dma2 semaphore(%run_scoped3A : memref<!tpu.dma_semaphore, #tpu.memory_space<semaphore_mem>>) src(%dma_wait3A_790 : memref<9x3200xi32, #tpu.memory_space<hbm>>) dst(%arg5 : memref<9x3200xi32, #tpu.memory_space<vmem>>)
      tpu.yield
    }) : () -> ()
    %barrier3A = arith.constant 0 : index
    tpu.barrier barrier_id(%barrier3A)
    %get3A = arith.constant 0 : i32
    %get3A_5 = arith.index_cast %get3A : i32 to index
    %get3A_6 = arith.constant 0 : index
    %get3A_7 = tpu.vector_load %arg5[%get3A_5, %get3A_6] {strides = array<i32>} : memref<9x3200xi32, #tpu.memory_space<vmem>>, vector<1x16xi32>,
    %get3A_8 = vector.shape_cast %get3A_7 : vector<1x16xi32> to vector<16xi32>
    %get3A_9 = arith.constant 1 : i32
    %get3A_10 = arith.index_cast %get3A_9 : i32 to index
    %get3A_11 = arith.constant 0 : index
    %get3A_12 = tpu.vector_load %arg5[%get3A_10, %get3A_11] {strides = array<i32>} : memref<9x3200xi32, #tpu.memory_space<vmem>>, vector<1x16xi32>,
    %get3A_13 = vector.shape_cast %get3A_12 : vector<1x16xi32> to vector<16xi32>
    %get3A_14 = arith.constant 2 : i32
    %get3A_15 = arith.index_cast %get3A_14 : i32 to index
    %get3A_16 = arith.constant 0 : index
    %get3A_17 = tpu.vector_load %arg5[%get3A_15, %get3A_16] {strides = array<i32>} : memref<9x3200xi32, #tpu.memory_space<vmem>>, vector<1x16xi32>,
    %get3A_18 = vector.shape_cast %get3A_17 : vector<1x16xi32> to vector<16xi32>
    %get3A_19 = arith.constant 3 : i32
    %get3A_20 = arith.index_cast %get3A_19 : i32 to index
    %get3A_21 = arith.constant 0 : index
    %get3A_22 = tpu.vector_load %arg5[%get3A_20, %get3A_21] {strides = array<i32>} : memref<9x3200xi32, #tpu.memory_space<vmem>>, vector<1x16xi32>,
    %get3A_23 = vector.shape_cast %get3A_22 : vector<1x16xi32> to vector<16xi32>
    %get3A_24 = arith.constant 4 : i32
    %get3A_25 = arith.index_cast %get3A_24 : i32 to index
    %get3A_26 = arith.constant 0 : index
    %get3A_27 = tpu.vector_load %arg5[%get3A_25, %get3A_26] {strides = array<i32>} : memref<9x3200xi32, #tpu.memory_space<vmem>>, vector<1x16xi32>,
    %get3A_28 = vector.shape_cast %get3A_27 : vector<1x16xi32> to vector<16xi32>
    %get3A_29 = arith.constant 5 : i32
    %get3A_30 = arith.index_cast %get3A_29 : i32 to index
    %get3A_31 = arith.constant 0 : index
    %get3A_32 = tpu.vector_load %arg5[%get3A_30, %get3A_31] {strides = array<i32>} : memref<9x3200xi32, #tpu.memory_space<vmem>>, vector<1x16xi32>,
    %get3A_33 = vector.shape_cast %get3A_32 : vector<1x16xi32> to vector<16xi32>
    %get3A_34 = arith.constant 6 : i32
    %get3A_35 = arith.index_cast %get3A_34 : i32 to index
    %get3A_36 = arith.constant 0 : index
    %get3A_37 = tpu.vector_load %arg5[%get3A_35, %get3A_36] {strides = array<i32>} : memref<9x3200xi32, #tpu.memory_space<vmem>>, vector<1x16xi32>,
    %get3A_38 = vector.shape_cast %get3A_37 : vector<1x16xi32> to vector<16xi32>
    %get3A_39 = arith.constant 7 : i32
    %get3A_40 = arith.index_cast %get3A_39 : i32 to index
    %get3A_41 = arith.constant 0 : index
    %get3A_42 = tpu.vector_load %arg5[%get3A_40, %get3A_41] {strides = array<i32>} : memref<9x3200xi32, #tpu.memory_space<vmem>>, vector<1x16xi32>,
    %get3A_43 = vector.shape_cast %get3A_42 : vector<1x16xi32> to vector<16xi32>
    %get3A_44 = arith.constant 8 : i32
    %get3A_45 = arith.index_cast %get3A_44 : i32 to index
    %get3A_46 = arith.constant 0 : index
    %get3A_47 = tpu.vector_load %arg5[%get3A_45, %get3A_46] {strides = array<i32>} : memref<9x3200xi32, #tpu.memory_space<vmem>>, vector<1x16xi32>,
    %get3A_48 = vector.shape_cast %get3A_47 : vector<1x16xi32> to vector<16xi32>
    %lt3A = arith.constant 0 : i32
    %lt3A_49 = vector.broadcast %lt3A : i32 to vector<16xi32>
    %lt3A_50 = arith.cmpi slt, %get3A_8, %lt3A_49 : vector<16xi32>
    %ge3A = arith.constant 119 : i32
    %ge3A_51 = vector.broadcast %ge3A : i32 to vector<16xi32>
    %ge3A_52 = arith.cmpi sge, %get3A_8, %ge3A_51 : vector<16xi32>
    %or3A = arith.ori %lt3A_50, %ge3A_52 : vector<16xi1>
    %jit3A = arith.constant 119 : i32
    %broadcast_in_dim3A = vector.broadcast %jit3A : i32 to vector<16xi32>
    %select_n3A = arith.select %or3A, %broadcast_in_dim3A, %get3A_8 : vector<16xi1>, vector<16xi32>
    %lt3A_53 = arith.constant 0 : i32
    %lt3A_54 = vector.broadcast %lt3A_53 : i32 to vector<16xi32>
    %lt3A_55 = arith.cmpi slt, %get3A_13, %lt3A_54 : vector<16xi32>
    %ge3A_56 = arith.constant 9 : i32
    %ge3A_57 = vector.broadcast %ge3A_56 : i32 to vector<16xi32>
    %ge3A_58 = arith.cmpi sge, %get3A_13, %ge3A_57 : vector<16xi32>
    %or3A_59 = arith.ori %lt3A_55, %ge3A_58 : vector<16xi1>
    %jit3A_60 = arith.constant 9 : i32
    %broadcast_in_dim3A_61 = vector.broadcast %jit3A_60 : i32 to vector<16xi32>
    %select_n3A_62 = arith.select %or3A_59, %broadcast_in_dim3A_61, %get3A_13 : vector<16xi1>, vector<16xi32>
    %lt3A_63 = arith.constant 0 : i32
    %lt3A_64 = vector.broadcast %lt3A_63 : i32 to vector<16xi32>
    %lt3A_65 = arith.cmpi slt, %get3A_18, %lt3A_64 : vector<16xi32>
    %ge3A_66 = arith.constant 12 : i32
    %ge3A_67 = vector.broadcast %ge3A_66 : i32 to vector<16xi32>
    %ge3A_68 = arith.cmpi sge, %get3A_18, %ge3A_67 : vector<16xi32>
    %or3A_69 = arith.ori %lt3A_65, %ge3A_68 : vector<16xi1>
    %jit3A_70 = arith.constant 12 : i32
    %broadcast_in_dim3A_71 = vector.broadcast %jit3A_70 : i32 to vector<16xi32>
    %select_n3A_72 = arith.select %or3A_69, %broadcast_in_dim3A_71, %get3A_18 : vector<16xi1>, vector<16xi32>
    %lt3A_73 = arith.constant 0 : i32
    %lt3A_74 = vector.broadcast %lt3A_73 : i32 to vector<16xi32>
    %lt3A_75 = arith.cmpi slt, %get3A_23, %lt3A_74 : vector<16xi32>
    %ge3A_76 = arith.constant 12 : i32
    %ge3A_77 = vector.broadcast %ge3A_76 : i32 to vector<16xi32>
    %ge3A_78 = arith.cmpi sge, %get3A_23, %ge3A_77 : vector<16xi32>
    %or3A_79 = arith.ori %lt3A_75, %ge3A_78 : vector<16xi1>
    %jit3A_80 = arith.constant 12 : i32
    %broadcast_in_dim3A_81 = vector.broadcast %jit3A_80 : i32 to vector<16xi32>
    %select_n3A_82 = arith.select %or3A_79, %broadcast_in_dim3A_81, %get3A_23 : vector<16xi1>, vector<16xi32>
    %lt3A_83 = arith.constant 0 : i32
    %lt3A_84 = vector.broadcast %lt3A_83 : i32 to vector<16xi32>
    %lt3A_85 = arith.cmpi slt, %get3A_28, %lt3A_84 : vector<16xi32>
    %ge3A_86 = arith.constant 10 : i32
    %ge3A_87 = vector.broadcast %ge3A_86 : i32 to vector<16xi32>
    %ge3A_88 = arith.cmpi sge, %get3A_28, %ge3A_87 : vector<16xi32>
    %or3A_89 = arith.ori %lt3A_85, %ge3A_88 : vector<16xi1>
    %jit3A_90 = arith.constant 10 : i32
    %broadcast_in_dim3A_91 = vector.broadcast %jit3A_90 : i32 to vector<16xi32>
    %select_n3A_92 = arith.select %or3A_89, %broadcast_in_dim3A_91, %get3A_28 : vector<16xi1>, vector<16xi32>
    %lt3A_93 = arith.constant 0 : i32
    %lt3A_94 = vector.broadcast %lt3A_93 : i32 to vector<16xi32>
    %lt3A_95 = arith.cmpi slt, %get3A_33, %lt3A_94 : vector<16xi32>
    %ge3A_96 = arith.constant 6 : i32
    %ge3A_97 = vector.broadcast %ge3A_96 : i32 to vector<16xi32>
    %ge3A_98 = arith.cmpi sge, %get3A_33, %ge3A_97 : vector<16xi32>
    %or3A_99 = arith.ori %lt3A_95, %ge3A_98 : vector<16xi1>
    %jit3A_100 = arith.constant 6 : i32
    %broadcast_in_dim3A_101 = vector.broadcast %jit3A_100 : i32 to vector<16xi32>
    %select_n3A_102 = arith.select %or3A_99, %broadcast_in_dim3A_101, %get3A_33 : vector<16xi1>, vector<16xi32>
    %lt3A_103 = arith.constant 0 : i32
    %lt3A_104 = vector.broadcast %lt3A_103 : i32 to vector<16xi32>
    %lt3A_105 = arith.cmpi slt, %get3A_38, %lt3A_104 : vector<16xi32>
    %ge3A_106 = arith.constant 6 : i32
    %ge3A_107 = vector.broadcast %ge3A_106 : i32 to vector<16xi32>
    %ge3A_108 = arith.cmpi sge, %get3A_38, %ge3A_107 : vector<16xi32>
    %or3A_109 = arith.ori %lt3A_105, %ge3A_108 : vector<16xi1>
    %jit3A_110 = arith.constant 6 : i32
    %broadcast_in_dim3A_111 = vector.broadcast %jit3A_110 : i32 to vector<16xi32>
    %select_n3A_112 = arith.select %or3A_109, %broadcast_in_dim3A_111, %get3A_38 : vector<16xi1>, vector<16xi32>
    %lt3A_113 = arith.constant 0 : i32
    %lt3A_114 = vector.broadcast %lt3A_113 : i32 to vector<16xi32>
    %lt3A_115 = arith.cmpi slt, %get3A_43, %lt3A_114 : vector<16xi32>
    %ge3A_116 = arith.constant 2 : i32
    %ge3A_117 = vector.broadcast %ge3A_116 : i32 to vector<16xi32>
    %ge3A_118 = arith.cmpi sge, %get3A_43, %ge3A_117 : vector<16xi32>
    %or3A_119 = arith.ori %lt3A_115, %ge3A_118 : vector<16xi1>
    %jit3A_120 = arith.constant 2 : i32
    %broadcast_in_dim3A_121 = vector.broadcast %jit3A_120 : i32 to vector<16xi32>
    %select_n3A_122 = arith.select %or3A_119, %broadcast_in_dim3A_121, %get3A_43 : vector<16xi1>, vector<16xi32>
    %lt3A_123 = arith.constant 0 : i32
    %lt3A_124 = vector.broadcast %lt3A_123 : i32 to vector<16xi32>
    %lt3A_125 = arith.cmpi slt, %get3A_48, %lt3A_124 : vector<16xi32>
    %ge3A_126 = arith.constant 2 : i32
    %ge3A_127 = vector.broadcast %ge3A_126 : i32 to vector<16xi32>
    %ge3A_128 = arith.cmpi sge, %get3A_48, %ge3A_127 : vector<16xi32>
    %or3A_129 = arith.ori %lt3A_125, %ge3A_128 : vector<16xi1>
    %jit3A_130 = arith.constant 2 : i32
    %broadcast_in_dim3A_131 = vector.broadcast %jit3A_130 : i32 to vector<16xi32>
    %select_n3A_132 = arith.select %or3A_129, %broadcast_in_dim3A_131, %get3A_48 : vector<16xi1>, vector<16xi32>
    %mul3A_133 = arith.constant 10 : i32
    %mul3A_134 = vector.broadcast %mul3A_133 : i32 to vector<16xi32>
    %mul3A_135 = arith.muli %select_n3A, %mul3A_134 : vector<16xi32>
    %add3A_136 = arith.addi %mul3A_135, %select_n3A_62 : vector<16xi32>
    %mul3A_137 = arith.constant 13 : i32
    %mul3A_138 = vector.broadcast %mul3A_137 : i32 to vector<16xi32>
    %mul3A_139 = arith.muli %select_n3A_72, %mul3A_138 : vector<16xi32>
    %add3A_140 = arith.addi %mul3A_139, %select_n3A_82 : vector<16xi32>
    %mul3A_141 = arith.constant 11 : i32
    %mul3A_142 = vector.broadcast %mul3A_141 : i32 to vector<16xi32>
    %mul3A_143 = arith.muli %add3A_140, %mul3A_142 : vector<16xi32>
    %add3A_144 = arith.addi %mul3A_143, %select_n3A_92 : vector<16xi32>
    %add3A_145 = arith.constant 1200 : i32
    %add3A_146 = vector.broadcast %add3A_145 : i32 to vector<16xi32>
    %add3A_147 = arith.addi %add3A_144, %add3A_146 : vector<16xi32>
    %mul3A_148 = arith.constant 7 : i32
    %mul3A_149 = vector.broadcast %mul3A_148 : i32 to vector<16xi32>
    %mul3A_150 = arith.muli %select_n3A_102, %mul3A_149 : vector<16xi32>
    %add3A_151 = arith.addi %mul3A_150, %select_n3A_112 : vector<16xi32>
    %mul3A_152 = arith.constant 3 : i32
    %mul3A_153 = vector.broadcast %mul3A_152 : i32 to vector<16xi32>
    %mul3A_154 = arith.muli %add3A_151, %mul3A_153 : vector<16xi32>
    %add3A_155 = arith.addi %mul3A_154, %select_n3A_122 : vector<16xi32>
    %mul3A_156 = arith.constant 3 : i32
    %mul3A_157 = vector.broadcast %mul3A_156 : i32 to vector<16xi32>
    %mul3A_158 = arith.muli %add3A_155, %mul3A_157 : vector<16xi32>
    %add3A_159 = arith.addi %mul3A_158, %select_n3A_132 : vector<16xi32>
    %add3A_160 = arith.constant 3059 : i32
    %add3A_161 = vector.broadcast %add3A_160 : i32 to vector<16xi32>
    %add3A_162 = arith.addi %add3A_159, %add3A_161 : vector<16xi32>
    %swap3A = arith.constant 0 : i32
    %swap3A_163 = arith.index_cast %swap3A : i32 to index
    %swap3A_164 = arith.constant 0 : index
    %swap3A_165 = tpu.vector_load %arg6[%swap3A_163, %swap3A_164] {strides = array<i32>} : memref<2x64xi32, #tpu.memory_space<vmem>>, vector<1x16xi32>,
    %swap3A_166 = vector.shape_cast %swap3A_165 : vector<1x16xi32> to vector<16xi32>
    %swap3A_167 = vector.shape_cast %add3A_136 : vector<16xi32> to vector<1x16xi32>
    tpu.vector_store %arg6[%swap3A_163, %swap3A_164], %swap3A_167 {strides = array<i32>} : memref<2x64xi32, #tpu.memory_space<vmem>>, vector<1x16xi32>,
    %swap3A_168 = arith.constant 0 : i32
    %swap3A_169 = arith.index_cast %swap3A_168 : i32 to index
    %swap3A_170 = arith.constant 0 : index
    %swap3A_171 = tpu.vector_load %arg7[%swap3A_169, %swap3A_170] {strides = array<i32>} : memref<2x64xi32, #tpu.memory_space<vmem>>, vector<1x16xi32>,
    %swap3A_172 = vector.shape_cast %swap3A_171 : vector<1x16xi32> to vector<16xi32>
    %swap3A_173 = vector.shape_cast %add3A_147 : vector<16xi32> to vector<1x16xi32>
    tpu.vector_store %arg7[%swap3A_169, %swap3A_170], %swap3A_173 {strides = array<i32>} : memref<2x64xi32, #tpu.memory_space<vmem>>, vector<1x16xi32>,
    %swap3A_174 = arith.constant 0 : i32
    %swap3A_175 = arith.index_cast %swap3A_174 : i32 to index
    %swap3A_176 = arith.constant 0 : index
    %swap3A_177 = tpu.vector_load %arg8[%swap3A_175, %swap3A_176] {strides = array<i32>} : memref<2x64xi32, #tpu.memory_space<vmem>>, vector<1x16xi32>,
    %swap3A_178 = vector.shape_cast %swap3A_177 : vector<1x16xi32> to vector<16xi32>
    %swap3A_179 = vector.shape_cast %add3A_162 : vector<16xi32> to vector<1x16xi32>
    tpu.vector_store %arg8[%swap3A_175, %swap3A_176], %swap3A_179 {strides = array<i32>} : memref<2x64xi32, #tpu.memory_space<vmem>>, vector<1x16xi32>,
    %get3A_180 = arith.constant 0 : i32
    %get3A_181 = arith.index_cast %get3A_180 : i32 to index
    %get3A_182 = arith.constant 16 : index
    %get3A_183 = tpu.vector_load %arg5[%get3A_181, %get3A_182] {strides = array<i32>} : memref<9x3200xi32, #tpu.memory_space<vmem>>, vector<1x16xi32>,
    %get3A_184 = vector.shape_cast %get3A_183 : vector<1x16xi32> to vector<16xi32>
    %get3A_185 = arith.constant 1 : i32
    %get3A_186 = arith.index_cast %get3A_185 : i32 to index
    %get3A_187 = arith.constant 16 : index
    %get3A_188 = tpu.vector_load %arg5[%get3A_186, %get3A_187] {strides = array<i32>} : memref<9x3200xi32, #tpu.memory_space<vmem>>, vector<1x16xi32>,
    %get3A_189 = vector.shape_cast %get3A_188 : vector<1x16xi32> to vector<16xi32>
    %get3A_190 = arith.constant 2 : i32
    %get3A_191 = arith.index_cast %get3A_190 : i32 to index
    %get3A_192 = arith.constant 16 : index
    %get3A_193 = tpu.vector_load %arg5[%get3A_191, %get3A_192] {strides = array<i32>} : memref<9x3200xi32, #tpu.memory_space<vmem>>, vector<1x16xi32>,
    %get3A_194 = vector.shape_cast %get3A_193 : vector<1x16xi32> to vector<16xi32>
    %get3A_195 = arith.constant 3 : i32
    %get3A_196 = arith.index_cast %get3A_195 : i32 to index
    %get3A_197 = arith.constant 16 : index
    %get3A_198 = tpu.vector_load %arg5[%get3A_196, %get3A_197] {strides = array<i32>} : memref<9x3200xi32, #tpu.memory_space<vmem>>, vector<1x16xi32>,
    %get3A_199 = vector.shape_cast %get3A_198 : vector<1x16xi32> to vector<16xi32>
    %get3A_200 = arith.constant 4 : i32
    %get3A_201 = arith.index_cast %get3A_200 : i32 to index
    %get3A_202 = arith.constant 16 : index
    %get3A_203 = tpu.vector_load %arg5[%get3A_201, %get3A_202] {strides = array<i32>} : memref<9x3200xi32, #tpu.memory_space<vmem>>, vector<1x16xi32>,
    %get3A_204 = vector.shape_cast %get3A_203 : vector<1x16xi32> to vector<16xi32>
    %get3A_205 = arith.constant 5 : i32
    %get3A_206 = arith.index_cast %get3A_205 : i32 to index
    %get3A_207 = arith.constant 16 : index
    %get3A_208 = tpu.vector_load %arg5[%get3A_206, %get3A_207] {strides = array<i32>} : memref<9x3200xi32, #tpu.memory_space<vmem>>, vector<1x16xi32>,
    %get3A_209 = vector.shape_cast %get3A_208 : vector<1x16xi32> to vector<16xi32>
    %get3A_210 = arith.constant 6 : i32
    %get3A_211 = arith.index_cast %get3A_210 : i32 to index
    %get3A_212 = arith.constant 16 : index
    %get3A_213 = tpu.vector_load %arg5[%get3A_211, %get3A_212] {strides = array<i32>} : memref<9x3200xi32, #tpu.memory_space<vmem>>, vector<1x16xi32>,
    %get3A_214 = vector.shape_cast %get3A_213 : vector<1x16xi32> to vector<16xi32>
    %get3A_215 = arith.constant 7 : i32
    %get3A_216 = arith.index_cast %get3A_215 : i32 to index
    %get3A_217 = arith.constant 16 : index
    %get3A_218 = tpu.vector_load %arg5[%get3A_216, %get3A_217] {strides = array<i32>} : memref<9x3200xi32, #tpu.memory_space<vmem>>, vector<1x16xi32>,
    %get3A_219 = vector.shape_cast %get3A_218 : vector<1x16xi32> to vector<16xi32>
    %get3A_220 = arith.constant 8 : i32
    %get3A_221 = arith.index_cast %get3A_220 : i32 to index
    %get3A_222 = arith.constant 16 : index
    %get3A_223 = tpu.vector_load %arg5[%get3A_221, %get3A_222] {strides = array<i32>} : memref<9x3200xi32, #tpu.memory_space<vmem>>, vector<1x16xi32>,
    %get3A_224 = vector.shape_cast %get3A_223 : vector<1x16xi32> to vector<16xi32>
    %lt3A_225 = arith.constant 0 : i32
    %lt3A_226 = vector.broadcast %lt3A_225 : i32 to vector<16xi32>
    %lt3A_227 = arith.cmpi slt, %get3A_184, %lt3A_226 : vector<16xi32>
    %ge3A_228 = arith.constant 119 : i32
    %ge3A_229 = vector.broadcast %ge3A_228 : i32 to vector<16xi32>
    %ge3A_230 = arith.cmpi sge, %get3A_184, %ge3A_229 : vector<16xi32>
    %or3A_231 = arith.ori %lt3A_227, %ge3A_230 : vector<16xi1>
    %jit3A_232 = arith.constant 119 : i32
    %broadcast_in_dim3A_233 = vector.broadcast %jit3A_232 : i32 to vector<16xi32>
    %select_n3A_234 = arith.select %or3A_231, %broadcast_in_dim3A_233, %get3A_184 : vector<16xi1>, vector<16xi32>
    %lt3A_235 = arith.constant 0 : i32
    %lt3A_236 = vector.broadcast %lt3A_235 : i32 to vector<16xi32>
    %lt3A_237 = arith.cmpi slt, %get3A_189, %lt3A_236 : vector<16xi32>
    %ge3A_238 = arith.constant 9 : i32
    %ge3A_239 = vector.broadcast %ge3A_238 : i32 to vector<16xi32>
    %ge3A_240 = arith.cmpi sge, %get3A_189, %ge3A_239 : vector<16xi32>
    %or3A_241 = arith.ori %lt3A_237, %ge3A_240 : vector<16xi1>
    %jit3A_242 = arith.constant 9 : i32
    %broadcast_in_dim3A_243 = vector.broadcast %jit3A_242 : i32 to vector<16xi32>
    %select_n3A_244 = arith.select %or3A_241, %broadcast_in_dim3A_243, %get3A_189 : vector<16xi1>, vector<16xi32>
    %lt3A_245 = arith.constant 0 : i32
    %lt3A_246 = vector.broadcast %lt3A_245 : i32 to vector<16xi32>
    %lt3A_247 = arith.cmpi slt, %get3A_194, %lt3A_246 : vector<16xi32>
    %ge3A_248 = arith.constant 12 : i32
    %ge3A_249 = vector.broadcast %ge3A_248 : i32 to vector<16xi32>
    %ge3A_250 = arith.cmpi sge, %get3A_194, %ge3A_249 : vector<16xi32>
    %or3A_251 = arith.ori %lt3A_247, %ge3A_250 : vector<16xi1>
    %jit3A_252 = arith.constant 12 : i32
    %broadcast_in_dim3A_253 = vector.broadcast %jit3A_252 : i32 to vector<16xi32>
    %select_n3A_254 = arith.select %or3A_251, %broadcast_in_dim3A_253, %get3A_194 : vector<16xi1>, vector<16xi32>
    %lt3A_255 = arith.constant 0 : i32
    %lt3A_256 = vector.broadcast %lt3A_255 : i32 to vector<16xi32>
    %lt3A_257 = arith.cmpi slt, %get3A_199, %lt3A_256 : vector<16xi32>
    %ge3A_258 = arith.constant 12 : i32
    %ge3A_259 = vector.broadcast %ge3A_258 : i32 to vector<16xi32>
    %ge3A_260 = arith.cmpi sge, %get3A_199, %ge3A_259 : vector<16xi32>
    %or3A_261 = arith.ori %lt3A_257, %ge3A_260 : vector<16xi1>
    %jit3A_262 = arith.constant 12 : i32
    %broadcast_in_dim3A_263 = vector.broadcast %jit3A_262 : i32 to vector<16xi32>
    %select_n3A_264 = arith.select %or3A_261, %broadcast_in_dim3A_263, %get3A_199 : vector<16xi1>, vector<16xi32>
    %lt3A_265 = arith.constant 0 : i32
    %lt3A_266 = vector.broadcast %lt3A_265 : i32 to vector<16xi32>
    %lt3A_267 = arith.cmpi slt, %get3A_204, %lt3A_266 : vector<16xi32>
    %ge3A_268 = arith.constant 10 : i32
    %ge3A_269 = vector.broadcast %ge3A_268 : i32 to vector<16xi32>
    %ge3A_270 = arith.cmpi sge, %get3A_204, %ge3A_269 : vector<16xi32>
    %or3A_271 = arith.ori %lt3A_267, %ge3A_270 : vector<16xi1>
    %jit3A_272 = arith.constant 10 : i32
    %broadcast_in_dim3A_273 = vector.broadcast %jit3A_272 : i32 to vector<16xi32>
    %select_n3A_274 = arith.select %or3A_271, %broadcast_in_dim3A_273, %get3A_204 : vector<16xi1>, vector<16xi32>
    %lt3A_275 = arith.constant 0 : i32
    %lt3A_276 = vector.broadcast %lt3A_275 : i32 to vector<16xi32>
    %lt3A_277 = arith.cmpi slt, %get3A_209, %lt3A_276 : vector<16xi32>
    %ge3A_278 = arith.constant 6 : i32
    %ge3A_279 = vector.broadcast %ge3A_278 : i32 to vector<16xi32>
    %ge3A_280 = arith.cmpi sge, %get3A_209, %ge3A_279 : vector<16xi32>
    %or3A_281 = arith.ori %lt3A_277, %ge3A_280 : vector<16xi1>
    %jit3A_282 = arith.constant 6 : i32
    %broadcast_in_dim3A_283 = vector.broadcast %jit3A_282 : i32 to vector<16xi32>
    %select_n3A_284 = arith.select %or3A_281, %broadcast_in_dim3A_283, %get3A_209 : vector<16xi1>, vector<16xi32>
    %lt3A_285 = arith.constant 0 : i32
    %lt3A_286 = vector.broadcast %lt3A_285 : i32 to vector<16xi32>
    %lt3A_287 = arith.cmpi slt, %get3A_214, %lt3A_286 : vector<16xi32>
    %ge3A_288 = arith.constant 6 : i32
    %ge3A_289 = vector.broadcast %ge3A_288 : i32 to vector<16xi32>
    %ge3A_290 = arith.cmpi sge, %get3A_214, %ge3A_289 : vector<16xi32>
    %or3A_291 = arith.ori %lt3A_287, %ge3A_290 : vector<16xi1>
    %jit3A_292 = arith.constant 6 : i32
    %broadcast_in_dim3A_293 = vector.broadcast %jit3A_292 : i32 to vector<16xi32>
    %select_n3A_294 = arith.select %or3A_291, %broadcast_in_dim3A_293, %get3A_214 : vector<16xi1>, vector<16xi32>
    %lt3A_295 = arith.constant 0 : i32
    %lt3A_296 = vector.broadcast %lt3A_295 : i32 to vector<16xi32>
    %lt3A_297 = arith.cmpi slt, %get3A_219, %lt3A_296 : vector<16xi32>
    %ge3A_298 = arith.constant 2 : i32
    %ge3A_299 = vector.broadcast %ge3A_298 : i32 to vector<16xi32>
    %ge3A_300 = arith.cmpi sge, %get3A_219, %ge3A_299 : vector<16xi32>
    %or3A_301 = arith.ori %lt3A_297, %ge3A_300 : vector<16xi1>
    %jit3A_302 = arith.constant 2 : i32
    %broadcast_in_dim3A_303 = vector.broadcast %jit3A_302 : i32 to vector<16xi32>
    %select_n3A_304 = arith.select %or3A_301, %broadcast_in_dim3A_303, %get3A_219 : vector<16xi1>, vector<16xi32>
    %lt3A_305 = arith.constant 0 : i32
    %lt3A_306 = vector.broadcast %lt3A_305 : i32 to vector<16xi32>
    %lt3A_307 = arith.cmpi slt, %get3A_224, %lt3A_306 : vector<16xi32>
    %ge3A_308 = arith.constant 2 : i32
    %ge3A_309 = vector.broadcast %ge3A_308 : i32 to vector<16xi32>
    %ge3A_310 = arith.cmpi sge, %get3A_224, %ge3A_309 : vector<16xi32>
    %or3A_311 = arith.ori %lt3A_307, %ge3A_310 : vector<16xi1>
    %jit3A_312 = arith.constant 2 : i32
    %broadcast_in_dim3A_313 = vector.broadcast %jit3A_312 : i32 to vector<16xi32>
    %select_n3A_314 = arith.select %or3A_311, %broadcast_in_dim3A_313, %get3A_224 : vector<16xi1>, vector<16xi32>
    %mul3A_315 = arith.constant 10 : i32
    %mul3A_316 = vector.broadcast %mul3A_315 : i32 to vector<16xi32>
    %mul3A_317 = arith.muli %select_n3A_234, %mul3A_316 : vector<16xi32>
    %add3A_318 = arith.addi %mul3A_317, %select_n3A_244 : vector<16xi32>
    %mul3A_319 = arith.constant 13 : i32
    %mul3A_320 = vector.broadcast %mul3A_319 : i32 to vector<16xi32>
    %mul3A_321 = arith.muli %select_n3A_254, %mul3A_320 : vector<16xi32>
    %add3A_322 = arith.addi %mul3A_321, %select_n3A_264 : vector<16xi32>
    %mul3A_323 = arith.constant 11 : i32
    %mul3A_324 = vector.broadcast %mul3A_323 : i32 to vector<16xi32>
    %mul3A_325 = arith.muli %add3A_322, %mul3A_324 : vector<16xi32>
    %add3A_326 = arith.addi %mul3A_325, %select_n3A_274 : vector<16xi32>
    %add3A_327 = arith.constant 1200 : i32
    %add3A_328 = vector.broadcast %add3A_327 : i32 to vector<16xi32>
    %add3A_329 = arith.addi %add3A_326, %add3A_328 : vector<16xi32>
    %mul3A_330 = arith.constant 7 : i32
    %mul3A_331 = vector.broadcast %mul3A_330 : i32 to vector<16xi32>
    %mul3A_332 = arith.muli %select_n3A_284, %mul3A_331 : vector<16xi32>
    %add3A_333 = arith.addi %mul3A_332, %select_n3A_294 : vector<16xi32>
    %mul3A_334 = arith.constant 3 : i32
    %mul3A_335 = vector.broadcast %mul3A_334 : i32 to vector<16xi32>
    %mul3A_336 = arith.muli %add3A_333, %mul3A_335 : vector<16xi32>
    %add3A_337 = arith.addi %mul3A_336, %select_n3A_304 : vector<16xi32>
    %mul3A_338 = arith.constant 3 : i32
    %mul3A_339 = vector.broadcast %mul3A_338 : i32 to vector<16xi32>
    %mul3A_340 = arith.muli %add3A_337, %mul3A_339 : vector<16xi32>
    %add3A_341 = arith.addi %mul3A_340, %select_n3A_314 : vector<16xi32>
    %add3A_342 = arith.constant 3059 : i32
    %add3A_343 = vector.broadcast %add3A_342 : i32 to vector<16xi32>
    %add3A_344 = arith.addi %add3A_341, %add3A_343 : vector<16xi32>
    %swap3A_345 = arith.constant 0 : i32
    %swap3A_346 = arith.index_cast %swap3A_345 : i32 to index
    %swap3A_347 = arith.constant 16 : index
    %swap3A_348 = tpu.vector_load %arg6[%swap3A_346, %swap3A_347] {strides = array<i32>} : memref<2x64xi32, #tpu.memory_space<vmem>>, vector<1x16xi32>,
    %swap3A_349 = vector.shape_cast %swap3A_348 : vector<1x16xi32> to vector<16xi32>
    %swap3A_350 = vector.shape_cast %add3A_318 : vector<16xi32> to vector<1x16xi32>
    tpu.vector_store %arg6[%swap3A_346, %swap3A_347], %swap3A_350 {strides = array<i32>} : memref<2x64xi32, #tpu.memory_space<vmem>>, vector<1x16xi32>,
    %swap3A_351 = arith.constant 0 : i32
    %swap3A_352 = arith.index_cast %swap3A_351 : i32 to index
    %swap3A_353 = arith.constant 16 : index
    %swap3A_354 = tpu.vector_load %arg7[%swap3A_352, %swap3A_353] {strides = array<i32>} : memref<2x64xi32, #tpu.memory_space<vmem>>, vector<1x16xi32>,
    %swap3A_355 = vector.shape_cast %swap3A_354 : vector<1x16xi32> to vector<16xi32>
    %swap3A_356 = vector.shape_cast %add3A_329 : vector<16xi32> to vector<1x16xi32>
    tpu.vector_store %arg7[%swap3A_352, %swap3A_353], %swap3A_356 {strides = array<i32>} : memref<2x64xi32, #tpu.memory_space<vmem>>, vector<1x16xi32>,
    %swap3A_357 = arith.constant 0 : i32
    %swap3A_358 = arith.index_cast %swap3A_357 : i32 to index
    %swap3A_359 = arith.constant 16 : index
    %swap3A_360 = tpu.vector_load %arg8[%swap3A_358, %swap3A_359] {strides = array<i32>} : memref<2x64xi32, #tpu.memory_space<vmem>>, vector<1x16xi32>,
    %swap3A_361 = vector.shape_cast %swap3A_360 : vector<1x16xi32> to vector<16xi32>
    %swap3A_362 = vector.shape_cast %add3A_344 : vector<16xi32> to vector<1x16xi32>
    tpu.vector_store %arg8[%swap3A_358, %swap3A_359], %swap3A_362 {strides = array<i32>} : memref<2x64xi32, #tpu.memory_space<vmem>>, vector<1x16xi32>,
    %get3A_363 = arith.constant 0 : i32
    %get3A_364 = arith.index_cast %get3A_363 : i32 to index
    %get3A_365 = arith.constant 32 : index
    %get3A_366 = tpu.vector_load %arg5[%get3A_364, %get3A_365] {strides = array<i32>} : memref<9x3200xi32, #tpu.memory_space<vmem>>, vector<1x16xi32>,
    %get3A_367 = vector.shape_cast %get3A_366 : vector<1x16xi32> to vector<16xi32>
    %get3A_368 = arith.constant 1 : i32
    %get3A_369 = arith.index_cast %get3A_368 : i32 to index
    %get3A_370 = arith.constant 32 : index
    %get3A_371 = tpu.vector_load %arg5[%get3A_369, %get3A_370] {strides = array<i32>} : memref<9x3200xi32, #tpu.memory_space<vmem>>, vector<1x16xi32>,
    %get3A_372 = vector.shape_cast %get3A_371 : vector<1x16xi32> to vector<16xi32>
    %get3A_373 = arith.constant 2 : i32
    %get3A_374 = arith.index_cast %get3A_373 : i32 to index
    %get3A_375 = arith.constant 32 : index
    %get3A_376 = tpu.vector_load %arg5[%get3A_374, %get3A_375] {strides = array<i32>} : memref<9x3200xi32, #tpu.memory_space<vmem>>, vector<1x16xi32>,
    %get3A_377 = vector.shape_cast %get3A_376 : vector<1x16xi32> to vector<16xi32>
    %get3A_378 = arith.constant 3 : i32
    %get3A_379 = arith.index_cast %get3A_378 : i32 to index
    %get3A_380 = arith.constant 32 : index
    %get3A_381 = tpu.vector_load %arg5[%get3A_379, %get3A_380] {strides = array<i32>} : memref<9x3200xi32, #tpu.memory_space<vmem>>, vector<1x16xi32>,
    %get3A_382 = vector.shape_cast %get3A_381 : vector<1x16xi32> to vector<16xi32>
    %get3A_383 = arith.constant 4 : i32
    %get3A_384 = arith.index_cast %get3A_383 : i32 to index
    %get3A_385 = arith.constant 32 : index
    %get3A_386 = tpu.vector_load %arg5[%get3A_384, %get3A_385] {strides = array<i32>} : memref<9x3200xi32, #tpu.memory_space<vmem>>, vector<1x16xi32>,
    %get3A_387 = vector.shape_cast %get3A_386 : vector<1x16xi32> to vector<16xi32>
    %get3A_388 = arith.constant 5 : i32
    %get3A_389 = arith.index_cast %get3A_388 : i32 to index
    %get3A_390 = arith.constant 32 : index
    %get3A_391 = tpu.vector_load %arg5[%get3A_389, %get3A_390] {strides = array<i32>} : memref<9x3200xi32, #tpu.memory_space<vmem>>, vector<1x16xi32>,
    %get3A_392 = vector.shape_cast %get3A_391 : vector<1x16xi32> to vector<16xi32>
    %get3A_393 = arith.constant 6 : i32
    %get3A_394 = arith.index_cast %get3A_393 : i32 to index
    %get3A_395 = arith.constant 32 : index
    %get3A_396 = tpu.vector_load %arg5[%get3A_394, %get3A_395] {strides = array<i32>} : memref<9x3200xi32, #tpu.memory_space<vmem>>, vector<1x16xi32>,
    %get3A_397 = vector.shape_cast %get3A_396 : vector<1x16xi32> to vector<16xi32>
    %get3A_398 = arith.constant 7 : i32
    %get3A_399 = arith.index_cast %get3A_398 : i32 to index
    %get3A_400 = arith.constant 32 : index
    %get3A_401 = tpu.vector_load %arg5[%get3A_399, %get3A_400] {strides = array<i32>} : memref<9x3200xi32, #tpu.memory_space<vmem>>, vector<1x16xi32>,
    %get3A_402 = vector.shape_cast %get3A_401 : vector<1x16xi32> to vector<16xi32>
    %get3A_403 = arith.constant 8 : i32
    %get3A_404 = arith.index_cast %get3A_403 : i32 to index
    %get3A_405 = arith.constant 32 : index
    %get3A_406 = tpu.vector_load %arg5[%get3A_404, %get3A_405] {strides = array<i32>} : memref<9x3200xi32, #tpu.memory_space<vmem>>, vector<1x16xi32>,
    %get3A_407 = vector.shape_cast %get3A_406 : vector<1x16xi32> to vector<16xi32>
    %lt3A_408 = arith.constant 0 : i32
    %lt3A_409 = vector.broadcast %lt3A_408 : i32 to vector<16xi32>
    %lt3A_410 = arith.cmpi slt, %get3A_367, %lt3A_409 : vector<16xi32>
    %ge3A_411 = arith.constant 119 : i32
    %ge3A_412 = vector.broadcast %ge3A_411 : i32 to vector<16xi32>
    %ge3A_413 = arith.cmpi sge, %get3A_367, %ge3A_412 : vector<16xi32>
    %or3A_414 = arith.ori %lt3A_410, %ge3A_413 : vector<16xi1>
    %jit3A_415 = arith.constant 119 : i32
    %broadcast_in_dim3A_416 = vector.broadcast %jit3A_415 : i32 to vector<16xi32>
    %select_n3A_417 = arith.select %or3A_414, %broadcast_in_dim3A_416, %get3A_367 : vector<16xi1>, vector<16xi32>
    %lt3A_418 = arith.constant 0 : i32
    %lt3A_419 = vector.broadcast %lt3A_418 : i32 to vector<16xi32>
    %lt3A_420 = arith.cmpi slt, %get3A_372, %lt3A_419 : vector<16xi32>
    %ge3A_421 = arith.constant 9 : i32
    %ge3A_422 = vector.broadcast %ge3A_421 : i32 to vector<16xi32>
    %ge3A_423 = arith.cmpi sge, %get3A_372, %ge3A_422 : vector<16xi32>
    %or3A_424 = arith.ori %lt3A_420, %ge3A_423 : vector<16xi1>
    %jit3A_425 = arith.constant 9 : i32
    %broadcast_in_dim3A_426 = vector.broadcast %jit3A_425 : i32 to vector<16xi32>
    %select_n3A_427 = arith.select %or3A_424, %broadcast_in_dim3A_426, %get3A_372 : vector<16xi1>, vector<16xi32>
    %lt3A_428 = arith.constant 0 : i32
    %lt3A_429 = vector.broadcast %lt3A_428 : i32 to vector<16xi32>
    %lt3A_430 = arith.cmpi slt, %get3A_377, %lt3A_429 : vector<16xi32>
    %ge3A_431 = arith.constant 12 : i32
    %ge3A_432 = vector.broadcast %ge3A_431 : i32 to vector<16xi32>
    %ge3A_433 = arith.cmpi sge, %get3A_377, %ge3A_432 : vector<16xi32>
    %or3A_434 = arith.ori %lt3A_430, %ge3A_433 : vector<16xi1>
    %jit3A_435 = arith.constant 12 : i32
    %broadcast_in_dim3A_436 = vector.broadcast %jit3A_435 : i32 to vector<16xi32>
    %select_n3A_437 = arith.select %or3A_434, %broadcast_in_dim3A_436, %get3A_377 : vector<16xi1>, vector<16xi32>
    %lt3A_438 = arith.constant 0 : i32
    %lt3A_439 = vector.broadcast %lt3A_438 : i32 to vector<16xi32>
    %lt3A_440 = arith.cmpi slt, %get3A_382, %lt3A_439 : vector<16xi32>
    %ge3A_441 = arith.constant 12 : i32
    %ge3A_442 = vector.broadcast %ge3A_441 : i32 to vector<16xi32>
    %ge3A_443 = arith.cmpi sge, %get3A_382, %ge3A_442 : vector<16xi32>
    %or3A_444 = arith.ori %lt3A_440, %ge3A_443 : vector<16xi1>
    %jit3A_445 = arith.constant 12 : i32
    %broadcast_in_dim3A_446 = vector.broadcast %jit3A_445 : i32 to vector<16xi32>
    %select_n3A_447 = arith.select %or3A_444, %broadcast_in_dim3A_446, %get3A_382 : vector<16xi1>, vector<16xi32>
    %lt3A_448 = arith.constant 0 : i32
    %lt3A_449 = vector.broadcast %lt3A_448 : i32 to vector<16xi32>
    %lt3A_450 = arith.cmpi slt, %get3A_387, %lt3A_449 : vector<16xi32>
    %ge3A_451 = arith.constant 10 : i32
    %ge3A_452 = vector.broadcast %ge3A_451 : i32 to vector<16xi32>
    %ge3A_453 = arith.cmpi sge, %get3A_387, %ge3A_452 : vector<16xi32>
    %or3A_454 = arith.ori %lt3A_450, %ge3A_453 : vector<16xi1>
    %jit3A_455 = arith.constant 10 : i32
    %broadcast_in_dim3A_456 = vector.broadcast %jit3A_455 : i32 to vector<16xi32>
    %select_n3A_457 = arith.select %or3A_454, %broadcast_in_dim3A_456, %get3A_387 : vector<16xi1>, vector<16xi32>
    %lt3A_458 = arith.constant 0 : i32
    %lt3A_459 = vector.broadcast %lt3A_458 : i32 to vector<16xi32>
    %lt3A_460 = arith.cmpi slt, %get3A_392, %lt3A_459 : vector<16xi32>
    %ge3A_461 = arith.constant 6 : i32
    %ge3A_462 = vector.broadcast %ge3A_461 : i32 to vector<16xi32>
    %ge3A_463 = arith.cmpi sge, %get3A_392, %ge3A_462 : vector<16xi32>
    %or3A_464 = arith.ori %lt3A_460, %ge3A_463 : vector<16xi1>
    %jit3A_465 = arith.constant 6 : i32
    %broadcast_in_dim3A_466 = vector.broadcast %jit3A_465 : i32 to vector<16xi32>
    %select_n3A_467 = arith.select %or3A_464, %broadcast_in_dim3A_466, %get3A_392 : vector<16xi1>, vector<16xi32>
    %lt3A_468 = arith.constant 0 : i32
    %lt3A_469 = vector.broadcast %lt3A_468 : i32 to vector<16xi32>
    %lt3A_470 = arith.cmpi slt, %get3A_397, %lt3A_469 : vector<16xi32>
    %ge3A_471 = arith.constant 6 : i32
    %ge3A_472 = vector.broadcast %ge3A_471 : i32 to vector<16xi32>
    %ge3A_473 = arith.cmpi sge, %get3A_397, %ge3A_472 : vector<16xi32>
    %or3A_474 = arith.ori %lt3A_470, %ge3A_473 : vector<16xi1>
    %jit3A_475 = arith.constant 6 : i32
    %broadcast_in_dim3A_476 = vector.broadcast %jit3A_475 : i32 to vector<16xi32>
    %select_n3A_477 = arith.select %or3A_474, %broadcast_in_dim3A_476, %get3A_397 : vector<16xi1>, vector<16xi32>
    %lt3A_478 = arith.constant 0 : i32
    %lt3A_479 = vector.broadcast %lt3A_478 : i32 to vector<16xi32>
    %lt3A_480 = arith.cmpi slt, %get3A_402, %lt3A_479 : vector<16xi32>
    %ge3A_481 = arith.constant 2 : i32
    %ge3A_482 = vector.broadcast %ge3A_481 : i32 to vector<16xi32>
    %ge3A_483 = arith.cmpi sge, %get3A_402, %ge3A_482 : vector<16xi32>
    %or3A_484 = arith.ori %lt3A_480, %ge3A_483 : vector<16xi1>
    %jit3A_485 = arith.constant 2 : i32
    %broadcast_in_dim3A_486 = vector.broadcast %jit3A_485 : i32 to vector<16xi32>
    %select_n3A_487 = arith.select %or3A_484, %broadcast_in_dim3A_486, %get3A_402 : vector<16xi1>, vector<16xi32>
    %lt3A_488 = arith.constant 0 : i32
    %lt3A_489 = vector.broadcast %lt3A_488 : i32 to vector<16xi32>
    %lt3A_490 = arith.cmpi slt, %get3A_407, %lt3A_489 : vector<16xi32>
    %ge3A_491 = arith.constant 2 : i32
    %ge3A_492 = vector.broadcast %ge3A_491 : i32 to vector<16xi32>
    %ge3A_493 = arith.cmpi sge, %get3A_407, %ge3A_492 : vector<16xi32>
    %or3A_494 = arith.ori %lt3A_490, %ge3A_493 : vector<16xi1>
    %jit3A_495 = arith.constant 2 : i32
    %broadcast_in_dim3A_496 = vector.broadcast %jit3A_495 : i32 to vector<16xi32>
    %select_n3A_497 = arith.select %or3A_494, %broadcast_in_dim3A_496, %get3A_407 : vector<16xi1>, vector<16xi32>
    %mul3A_498 = arith.constant 10 : i32
    %mul3A_499 = vector.broadcast %mul3A_498 : i32 to vector<16xi32>
    %mul3A_500 = arith.muli %select_n3A_417, %mul3A_499 : vector<16xi32>
    %add3A_501 = arith.addi %mul3A_500, %select_n3A_427 : vector<16xi32>
    %mul3A_502 = arith.constant 13 : i32
    %mul3A_503 = vector.broadcast %mul3A_502 : i32 to vector<16xi32>
    %mul3A_504 = arith.muli %select_n3A_437, %mul3A_503 : vector<16xi32>
    %add3A_505 = arith.addi %mul3A_504, %select_n3A_447 : vector<16xi32>
    %mul3A_506 = arith.constant 11 : i32
    %mul3A_507 = vector.broadcast %mul3A_506 : i32 to vector<16xi32>
    %mul3A_508 = arith.muli %add3A_505, %mul3A_507 : vector<16xi32>
    %add3A_509 = arith.addi %mul3A_508, %select_n3A_457 : vector<16xi32>
    %add3A_510 = arith.constant 1200 : i32
    %add3A_511 = vector.broadcast %add3A_510 : i32 to vector<16xi32>
    %add3A_512 = arith.addi %add3A_509, %add3A_511 : vector<16xi32>
    %mul3A_513 = arith.constant 7 : i32
    %mul3A_514 = vector.broadcast %mul3A_513 : i32 to vector<16xi32>
    %mul3A_515 = arith.muli %select_n3A_467, %mul3A_514 : vector<16xi32>
    %add3A_516 = arith.addi %mul3A_515, %select_n3A_477 : vector<16xi32>
    %mul3A_517 = arith.constant 3 : i32
    %mul3A_518 = vector.broadcast %mul3A_517 : i32 to vector<16xi32>
    %mul3A_519 = arith.muli %add3A_516, %mul3A_518 : vector<16xi32>
    %add3A_520 = arith.addi %mul3A_519, %select_n3A_487 : vector<16xi32>
    %mul3A_521 = arith.constant 3 : i32
    %mul3A_522 = vector.broadcast %mul3A_521 : i32 to vector<16xi32>
    %mul3A_523 = arith.muli %add3A_520, %mul3A_522 : vector<16xi32>
    %add3A_524 = arith.addi %mul3A_523, %select_n3A_497 : vector<16xi32>
    %add3A_525 = arith.constant 3059 : i32
    %add3A_526 = vector.broadcast %add3A_525 : i32 to vector<16xi32>
    %add3A_527 = arith.addi %add3A_524, %add3A_526 : vector<16xi32>
    %swap3A_528 = arith.constant 0 : i32
    %swap3A_529 = arith.index_cast %swap3A_528 : i32 to index
    %swap3A_530 = arith.constant 32 : index
    %swap3A_531 = tpu.vector_load %arg6[%swap3A_529, %swap3A_530] {strides = array<i32>} : memref<2x64xi32, #tpu.memory_space<vmem>>, vector<1x16xi32>,
    %swap3A_532 = vector.shape_cast %swap3A_531 : vector<1x16xi32> to vector<16xi32>
    %swap3A_533 = vector.shape_cast %add3A_501 : vector<16xi32> to vector<1x16xi32>
    tpu.vector_store %arg6[%swap3A_529, %swap3A_530], %swap3A_533 {strides = array<i32>} : memref<2x64xi32, #tpu.memory_space<vmem>>, vector<1x16xi32>,
    %swap3A_534 = arith.constant 0 : i32
    %swap3A_535 = arith.index_cast %swap3A_534 : i32 to index
    %swap3A_536 = arith.constant 32 : index
    %swap3A_537 = tpu.vector_load %arg7[%swap3A_535, %swap3A_536] {strides = array<i32>} : memref<2x64xi32, #tpu.memory_space<vmem>>, vector<1x16xi32>,
    %swap3A_538 = vector.shape_cast %swap3A_537 : vector<1x16xi32> to vector<16xi32>
    %swap3A_539 = vector.shape_cast %add3A_512 : vector<16xi32> to vector<1x16xi32>
    tpu.vector_store %arg7[%swap3A_535, %swap3A_536], %swap3A_539 {strides = array<i32>} : memref<2x64xi32, #tpu.memory_space<vmem>>, vector<1x16xi32>,
    %swap3A_540 = arith.constant 0 : i32
    %swap3A_541 = arith.index_cast %swap3A_540 : i32 to index
    %swap3A_542 = arith.constant 32 : index
    %swap3A_543 = tpu.vector_load %arg8[%swap3A_541, %swap3A_542] {strides = array<i32>} : memref<2x64xi32, #tpu.memory_space<vmem>>, vector<1x16xi32>,
    %swap3A_544 = vector.shape_cast %swap3A_543 : vector<1x16xi32> to vector<16xi32>
    %swap3A_545 = vector.shape_cast %add3A_527 : vector<16xi32> to vector<1x16xi32>
    tpu.vector_store %arg8[%swap3A_541, %swap3A_542], %swap3A_545 {strides = array<i32>} : memref<2x64xi32, #tpu.memory_space<vmem>>, vector<1x16xi32>,
    %get3A_546 = arith.constant 0 : i32
    %get3A_547 = arith.index_cast %get3A_546 : i32 to index
    %get3A_548 = arith.constant 48 : index
    %get3A_549 = tpu.vector_load %arg5[%get3A_547, %get3A_548] {strides = array<i32>} : memref<9x3200xi32, #tpu.memory_space<vmem>>, vector<1x16xi32>,
    %get3A_550 = vector.shape_cast %get3A_549 : vector<1x16xi32> to vector<16xi32>
    %get3A_551 = arith.constant 1 : i32
    %get3A_552 = arith.index_cast %get3A_551 : i32 to index
    %get3A_553 = arith.constant 48 : index
    %get3A_554 = tpu.vector_load %arg5[%get3A_552, %get3A_553] {strides = array<i32>} : memref<9x3200xi32, #tpu.memory_space<vmem>>, vector<1x16xi32>,
    %get3A_555 = vector.shape_cast %get3A_554 : vector<1x16xi32> to vector<16xi32>
    %get3A_556 = arith.constant 2 : i32
    %get3A_557 = arith.index_cast %get3A_556 : i32 to index
    %get3A_558 = arith.constant 48 : index
    %get3A_559 = tpu.vector_load %arg5[%get3A_557, %get3A_558] {strides = array<i32>} : memref<9x3200xi32, #tpu.memory_space<vmem>>, vector<1x16xi32>,
    %get3A_560 = vector.shape_cast %get3A_559 : vector<1x16xi32> to vector<16xi32>
    %get3A_561 = arith.constant 3 : i32
    %get3A_562 = arith.index_cast %get3A_561 : i32 to index
    %get3A_563 = arith.constant 48 : index
    %get3A_564 = tpu.vector_load %arg5[%get3A_562, %get3A_563] {strides = array<i32>} : memref<9x3200xi32, #tpu.memory_space<vmem>>, vector<1x16xi32>,
    %get3A_565 = vector.shape_cast %get3A_564 : vector<1x16xi32> to vector<16xi32>
    %get3A_566 = arith.constant 4 : i32
    %get3A_567 = arith.index_cast %get3A_566 : i32 to index
    %get3A_568 = arith.constant 48 : index
    %get3A_569 = tpu.vector_load %arg5[%get3A_567, %get3A_568] {strides = array<i32>} : memref<9x3200xi32, #tpu.memory_space<vmem>>, vector<1x16xi32>,
    %get3A_570 = vector.shape_cast %get3A_569 : vector<1x16xi32> to vector<16xi32>
    %get3A_571 = arith.constant 5 : i32
    %get3A_572 = arith.index_cast %get3A_571 : i32 to index
    %get3A_573 = arith.constant 48 : index
    %get3A_574 = tpu.vector_load %arg5[%get3A_572, %get3A_573] {strides = array<i32>} : memref<9x3200xi32, #tpu.memory_space<vmem>>, vector<1x16xi32>,
    %get3A_575 = vector.shape_cast %get3A_574 : vector<1x16xi32> to vector<16xi32>
    %get3A_576 = arith.constant 6 : i32
    %get3A_577 = arith.index_cast %get3A_576 : i32 to index
    %get3A_578 = arith.constant 48 : index
    %get3A_579 = tpu.vector_load %arg5[%get3A_577, %get3A_578] {strides = array<i32>} : memref<9x3200xi32, #tpu.memory_space<vmem>>, vector<1x16xi32>,
    %get3A_580 = vector.shape_cast %get3A_579 : vector<1x16xi32> to vector<16xi32>
    %get3A_581 = arith.constant 7 : i32
    %get3A_582 = arith.index_cast %get3A_581 : i32 to index
    %get3A_583 = arith.constant 48 : index
    %get3A_584 = tpu.vector_load %arg5[%get3A_582, %get3A_583] {strides = array<i32>} : memref<9x3200xi32, #tpu.memory_space<vmem>>, vector<1x16xi32>,
    %get3A_585 = vector.shape_cast %get3A_584 : vector<1x16xi32> to vector<16xi32>
    %get3A_586 = arith.constant 8 : i32
    %get3A_587 = arith.index_cast %get3A_586 : i32 to index
    %get3A_588 = arith.constant 48 : index
    %get3A_589 = tpu.vector_load %arg5[%get3A_587, %get3A_588] {strides = array<i32>} : memref<9x3200xi32, #tpu.memory_space<vmem>>, vector<1x16xi32>,
    %get3A_590 = vector.shape_cast %get3A_589 : vector<1x16xi32> to vector<16xi32>
    %lt3A_591 = arith.constant 0 : i32
    %lt3A_592 = vector.broadcast %lt3A_591 : i32 to vector<16xi32>
    %lt3A_593 = arith.cmpi slt, %get3A_550, %lt3A_592 : vector<16xi32>
    %ge3A_594 = arith.constant 119 : i32
    %ge3A_595 = vector.broadcast %ge3A_594 : i32 to vector<16xi32>
    %ge3A_596 = arith.cmpi sge, %get3A_550, %ge3A_595 : vector<16xi32>
    %or3A_597 = arith.ori %lt3A_593, %ge3A_596 : vector<16xi1>
    %jit3A_598 = arith.constant 119 : i32
    %broadcast_in_dim3A_599 = vector.broadcast %jit3A_598 : i32 to vector<16xi32>
    %select_n3A_600 = arith.select %or3A_597, %broadcast_in_dim3A_599, %get3A_550 : vector<16xi1>, vector<16xi32>
    %lt3A_601 = arith.constant 0 : i32
    %lt3A_602 = vector.broadcast %lt3A_601 : i32 to vector<16xi32>
    %lt3A_603 = arith.cmpi slt, %get3A_555, %lt3A_602 : vector<16xi32>
    %ge3A_604 = arith.constant 9 : i32
    %ge3A_605 = vector.broadcast %ge3A_604 : i32 to vector<16xi32>
    %ge3A_606 = arith.cmpi sge, %get3A_555, %ge3A_605 : vector<16xi32>
    %or3A_607 = arith.ori %lt3A_603, %ge3A_606 : vector<16xi1>
    %jit3A_608 = arith.constant 9 : i32
    %broadcast_in_dim3A_609 = vector.broadcast %jit3A_608 : i32 to vector<16xi32>
    %select_n3A_610 = arith.select %or3A_607, %broadcast_in_dim3A_609, %get3A_555 : vector<16xi1>, vector<16xi32>
    %lt3A_611 = arith.constant 0 : i32
    %lt3A_612 = vector.broadcast %lt3A_611 : i32 to vector<16xi32>
    %lt3A_613 = arith.cmpi slt, %get3A_560, %lt3A_612 : vector<16xi32>
    %ge3A_614 = arith.constant 12 : i32
    %ge3A_615 = vector.broadcast %ge3A_614 : i32 to vector<16xi32>
    %ge3A_616 = arith.cmpi sge, %get3A_560, %ge3A_615 : vector<16xi32>
    %or3A_617 = arith.ori %lt3A_613, %ge3A_616 : vector<16xi1>
    %jit3A_618 = arith.constant 12 : i32
    %broadcast_in_dim3A_619 = vector.broadcast %jit3A_618 : i32 to vector<16xi32>
    %select_n3A_620 = arith.select %or3A_617, %broadcast_in_dim3A_619, %get3A_560 : vector<16xi1>, vector<16xi32>
    %lt3A_621 = arith.constant 0 : i32
    %lt3A_622 = vector.broadcast %lt3A_621 : i32 to vector<16xi32>
    %lt3A_623 = arith.cmpi slt, %get3A_565, %lt3A_622 : vector<16xi32>
    %ge3A_624 = arith.constant 12 : i32
    %ge3A_625 = vector.broadcast %ge3A_624 : i32 to vector<16xi32>
    %ge3A_626 = arith.cmpi sge, %get3A_565, %ge3A_625 : vector<16xi32>
    %or3A_627 = arith.ori %lt3A_623, %ge3A_626 : vector<16xi1>
    %jit3A_628 = arith.constant 12 : i32
    %broadcast_in_dim3A_629 = vector.broadcast %jit3A_628 : i32 to vector<16xi32>
    %select_n3A_630 = arith.select %or3A_627, %broadcast_in_dim3A_629, %get3A_565 : vector<16xi1>, vector<16xi32>
    %lt3A_631 = arith.constant 0 : i32
    %lt3A_632 = vector.broadcast %lt3A_631 : i32 to vector<16xi32>
    %lt3A_633 = arith.cmpi slt, %get3A_570, %lt3A_632 : vector<16xi32>
    %ge3A_634 = arith.constant 10 : i32
    %ge3A_635 = vector.broadcast %ge3A_634 : i32 to vector<16xi32>
    %ge3A_636 = arith.cmpi sge, %get3A_570, %ge3A_635 : vector<16xi32>
    %or3A_637 = arith.ori %lt3A_633, %ge3A_636 : vector<16xi1>
    %jit3A_638 = arith.constant 10 : i32
    %broadcast_in_dim3A_639 = vector.broadcast %jit3A_638 : i32 to vector<16xi32>
    %select_n3A_640 = arith.select %or3A_637, %broadcast_in_dim3A_639, %get3A_570 : vector<16xi1>, vector<16xi32>
    %lt3A_641 = arith.constant 0 : i32
    %lt3A_642 = vector.broadcast %lt3A_641 : i32 to vector<16xi32>
    %lt3A_643 = arith.cmpi slt, %get3A_575, %lt3A_642 : vector<16xi32>
    %ge3A_644 = arith.constant 6 : i32
    %ge3A_645 = vector.broadcast %ge3A_644 : i32 to vector<16xi32>
    %ge3A_646 = arith.cmpi sge, %get3A_575, %ge3A_645 : vector<16xi32>
    %or3A_647 = arith.ori %lt3A_643, %ge3A_646 : vector<16xi1>
    %jit3A_648 = arith.constant 6 : i32
    %broadcast_in_dim3A_649 = vector.broadcast %jit3A_648 : i32 to vector<16xi32>
    %select_n3A_650 = arith.select %or3A_647, %broadcast_in_dim3A_649, %get3A_575 : vector<16xi1>, vector<16xi32>
    %lt3A_651 = arith.constant 0 : i32
    %lt3A_652 = vector.broadcast %lt3A_651 : i32 to vector<16xi32>
    %lt3A_653 = arith.cmpi slt, %get3A_580, %lt3A_652 : vector<16xi32>
    %ge3A_654 = arith.constant 6 : i32
    %ge3A_655 = vector.broadcast %ge3A_654 : i32 to vector<16xi32>
    %ge3A_656 = arith.cmpi sge, %get3A_580, %ge3A_655 : vector<16xi32>
    %or3A_657 = arith.ori %lt3A_653, %ge3A_656 : vector<16xi1>
    %jit3A_658 = arith.constant 6 : i32
    %broadcast_in_dim3A_659 = vector.broadcast %jit3A_658 : i32 to vector<16xi32>
    %select_n3A_660 = arith.select %or3A_657, %broadcast_in_dim3A_659, %get3A_580 : vector<16xi1>, vector<16xi32>
    %lt3A_661 = arith.constant 0 : i32
    %lt3A_662 = vector.broadcast %lt3A_661 : i32 to vector<16xi32>
    %lt3A_663 = arith.cmpi slt, %get3A_585, %lt3A_662 : vector<16xi32>
    %ge3A_664 = arith.constant 2 : i32
    %ge3A_665 = vector.broadcast %ge3A_664 : i32 to vector<16xi32>
    %ge3A_666 = arith.cmpi sge, %get3A_585, %ge3A_665 : vector<16xi32>
    %or3A_667 = arith.ori %lt3A_663, %ge3A_666 : vector<16xi1>
    %jit3A_668 = arith.constant 2 : i32
    %broadcast_in_dim3A_669 = vector.broadcast %jit3A_668 : i32 to vector<16xi32>
    %select_n3A_670 = arith.select %or3A_667, %broadcast_in_dim3A_669, %get3A_585 : vector<16xi1>, vector<16xi32>
    %lt3A_671 = arith.constant 0 : i32
    %lt3A_672 = vector.broadcast %lt3A_671 : i32 to vector<16xi32>
    %lt3A_673 = arith.cmpi slt, %get3A_590, %lt3A_672 : vector<16xi32>
    %ge3A_674 = arith.constant 2 : i32
    %ge3A_675 = vector.broadcast %ge3A_674 : i32 to vector<16xi32>
    %ge3A_676 = arith.cmpi sge, %get3A_590, %ge3A_675 : vector<16xi32>
    %or3A_677 = arith.ori %lt3A_673, %ge3A_676 : vector<16xi1>
    %jit3A_678 = arith.constant 2 : i32
    %broadcast_in_dim3A_679 = vector.broadcast %jit3A_678 : i32 to vector<16xi32>
    %select_n3A_680 = arith.select %or3A_677, %broadcast_in_dim3A_679, %get3A_590 : vector<16xi1>, vector<16xi32>
    %mul3A_681 = arith.constant 10 : i32
    %mul3A_682 = vector.broadcast %mul3A_681 : i32 to vector<16xi32>
    %mul3A_683 = arith.muli %select_n3A_600, %mul3A_682 : vector<16xi32>
    %add3A_684 = arith.addi %mul3A_683, %select_n3A_610 : vector<16xi32>
    %mul3A_685 = arith.constant 13 : i32
    %mul3A_686 = vector.broadcast %mul3A_685 : i32 to vector<16xi32>
    %mul3A_687 = arith.muli %select_n3A_620, %mul3A_686 : vector<16xi32>
    %add3A_688 = arith.addi %mul3A_687, %select_n3A_630 : vector<16xi32>
    %mul3A_689 = arith.constant 11 : i32
    %mul3A_690 = vector.broadcast %mul3A_689 : i32 to vector<16xi32>
    %mul3A_691 = arith.muli %add3A_688, %mul3A_690 : vector<16xi32>
    %add3A_692 = arith.addi %mul3A_691, %select_n3A_640 : vector<16xi32>
    %add3A_693 = arith.constant 1200 : i32
    %add3A_694 = vector.broadcast %add3A_693 : i32 to vector<16xi32>
    %add3A_695 = arith.addi %add3A_692, %add3A_694 : vector<16xi32>
    %mul3A_696 = arith.constant 7 : i32
    %mul3A_697 = vector.broadcast %mul3A_696 : i32 to vector<16xi32>
    %mul3A_698 = arith.muli %select_n3A_650, %mul3A_697 : vector<16xi32>
    %add3A_699 = arith.addi %mul3A_698, %select_n3A_660 : vector<16xi32>
    %mul3A_700 = arith.constant 3 : i32
    %mul3A_701 = vector.broadcast %mul3A_700 : i32 to vector<16xi32>
    %mul3A_702 = arith.muli %add3A_699, %mul3A_701 : vector<16xi32>
    %add3A_703 = arith.addi %mul3A_702, %select_n3A_670 : vector<16xi32>
    %mul3A_704 = arith.constant 3 : i32
    %mul3A_705 = vector.broadcast %mul3A_704 : i32 to vector<16xi32>
    %mul3A_706 = arith.muli %add3A_703, %mul3A_705 : vector<16xi32>
    %add3A_707 = arith.addi %mul3A_706, %select_n3A_680 : vector<16xi32>
    %add3A_708 = arith.constant 3059 : i32
    %add3A_709 = vector.broadcast %add3A_708 : i32 to vector<16xi32>
    %add3A_710 = arith.addi %add3A_707, %add3A_709 : vector<16xi32>
    %swap3A_711 = arith.constant 0 : i32
    %swap3A_712 = arith.index_cast %swap3A_711 : i32 to index
    %swap3A_713 = arith.constant 48 : index
    %swap3A_714 = tpu.vector_load %arg6[%swap3A_712, %swap3A_713] {strides = array<i32>} : memref<2x64xi32, #tpu.memory_space<vmem>>, vector<1x16xi32>,
    %swap3A_715 = vector.shape_cast %swap3A_714 : vector<1x16xi32> to vector<16xi32>
    %swap3A_716 = vector.shape_cast %add3A_684 : vector<16xi32> to vector<1x16xi32>
    tpu.vector_store %arg6[%swap3A_712, %swap3A_713], %swap3A_716 {strides = array<i32>} : memref<2x64xi32, #tpu.memory_space<vmem>>, vector<1x16xi32>,
    %swap3A_717 = arith.constant 0 : i32
    %swap3A_718 = arith.index_cast %swap3A_717 : i32 to index
    %swap3A_719 = arith.constant 48 : index
    %swap3A_720 = tpu.vector_load %arg7[%swap3A_718, %swap3A_719] {strides = array<i32>} : memref<2x64xi32, #tpu.memory_space<vmem>>, vector<1x16xi32>,
    %swap3A_721 = vector.shape_cast %swap3A_720 : vector<1x16xi32> to vector<16xi32>
    %swap3A_722 = vector.shape_cast %add3A_695 : vector<16xi32> to vector<1x16xi32>
    tpu.vector_store %arg7[%swap3A_718, %swap3A_719], %swap3A_722 {strides = array<i32>} : memref<2x64xi32, #tpu.memory_space<vmem>>, vector<1x16xi32>,
    %swap3A_723 = arith.constant 0 : i32
    %swap3A_724 = arith.index_cast %swap3A_723 : i32 to index
    %swap3A_725 = arith.constant 48 : index
    %swap3A_726 = tpu.vector_load %arg8[%swap3A_724, %swap3A_725] {strides = array<i32>} : memref<2x64xi32, #tpu.memory_space<vmem>>, vector<1x16xi32>,
    %swap3A_727 = vector.shape_cast %swap3A_726 : vector<1x16xi32> to vector<16xi32>
    %swap3A_728 = vector.shape_cast %add3A_710 : vector<16xi32> to vector<1x16xi32>
    tpu.vector_store %arg8[%swap3A_724, %swap3A_725], %swap3A_728 {strides = array<i32>} : memref<2x64xi32, #tpu.memory_space<vmem>>, vector<1x16xi32>,
    %dma_start3A = arith.constant 0 : i32
    %dma_start3A_729 = arith.constant 0 : i32
    %dma_start3A_730 = arith.constant 0 : i32
    %dma_start3A_731 = arith.constant 0 : i32
    %dma_start3A_732 = tpu.memref_slice %arg9[%dma_start3A_729, %dma_start3A_730, %dma_start3A_731] : memref<2x64x128xf32, #tpu.memory_space<vmem>> -> memref<1x64x128xf32, #tpu.memory_space<vmem>>
    %dma_start3A_733 = tpu.memref_squeeze %dma_start3A_732 : memref<1x64x128xf32, #tpu.memory_space<vmem>> -> memref<64x128xf32, #tpu.memory_space<vmem>>
    %dma_start3A_734 = arith.constant 0 : i32
    %dma_start3A_735 = tpu.memref_slice %arg6[%dma_start3A, %dma_start3A_734] : memref<2x64xi32, #tpu.memory_space<vmem>> -> memref<1x64xi32, #tpu.memory_space<vmem>>
    %dma_start3A_736 = tpu.memref_squeeze %dma_start3A_735 : memref<1x64xi32, #tpu.memory_space<vmem>> -> memref<64xi32, #tpu.memory_space<vmem>>
    %dma_start3A_737 = arith.constant 0 : i32
    %dma_start3A_738 = arith.constant 0 : i32
    %dma_start3A_739 = tpu.memref_slice %arg12[%dma_start3A_737, %dma_start3A_738] : memref<3500x128xf32, #tpu.memory_space<vmem_shared>> -> memref<3500x128xf32, #tpu.memory_space<vmem_shared>>
    tpu.enqueue_indirect_dma source(%dma_start3A_739 : memref<3500x128xf32, #tpu.memory_space<vmem_shared>>) target(%dma_start3A_733 : memref<64x128xf32, #tpu.memory_space<vmem>>) offsets(%dma_start3A_736 : memref<64xi32, #tpu.memory_space<vmem>>) semaphore(%arg13 : memref<!tpu.dma_semaphore, #tpu.memory_space<semaphore_mem>>)
    %dma_start3A_740 = arith.constant 0 : i32
    %dma_start3A_741 = arith.constant 0 : i32
    %dma_start3A_742 = arith.constant 0 : i32
    %dma_start3A_743 = arith.constant 0 : i32
    %dma_start3A_744 = tpu.memref_slice %arg10[%dma_start3A_741, %dma_start3A_742, %dma_start3A_743] : memref<2x64x128xf32, #tpu.memory_space<vmem>> -> memref<1x64x128xf32, #tpu.memory_space<vmem>>
    %dma_start3A_745 = tpu.memref_squeeze %dma_start3A_744 : memref<1x64x128xf32, #tpu.memory_space<vmem>> -> memref<64x128xf32, #tpu.memory_space<vmem>>
    %dma_start3A_746 = arith.constant 0 : i32
    %dma_start3A_747 = tpu.memref_slice %arg7[%dma_start3A_740, %dma_start3A_746] : memref<2x64xi32, #tpu.memory_space<vmem>> -> memref<1x64xi32, #tpu.memory_space<vmem>>
    %dma_start3A_748 = tpu.memref_squeeze %dma_start3A_747 : memref<1x64xi32, #tpu.memory_space<vmem>> -> memref<64xi32, #tpu.memory_space<vmem>>
    %dma_start3A_749 = arith.constant 0 : i32
    %dma_start3A_750 = arith.constant 0 : i32
    %dma_start3A_751 = tpu.memref_slice %arg12[%dma_start3A_749, %dma_start3A_750] : memref<3500x128xf32, #tpu.memory_space<vmem_shared>> -> memref<3500x128xf32, #tpu.memory_space<vmem_shared>>
    tpu.enqueue_indirect_dma source(%dma_start3A_751 : memref<3500x128xf32, #tpu.memory_space<vmem_shared>>) target(%dma_start3A_745 : memref<64x128xf32, #tpu.memory_space<vmem>>) offsets(%dma_start3A_748 : memref<64xi32, #tpu.memory_space<vmem>>) semaphore(%arg13 : memref<!tpu.dma_semaphore, #tpu.memory_space<semaphore_mem>>)
    %dma_start3A_752 = arith.constant 0 : i32
    %dma_start3A_753 = arith.constant 0 : i32
    %dma_start3A_754 = arith.constant 0 : i32
    %dma_start3A_755 = arith.constant 0 : i32
    %dma_start3A_756 = tpu.memref_slice %arg11[%dma_start3A_753, %dma_start3A_754, %dma_start3A_755] : memref<2x64x128xf32, #tpu.memory_space<vmem>> -> memref<1x64x128xf32, #tpu.memory_space<vmem>>
    %dma_start3A_757 = tpu.memref_squeeze %dma_start3A_756 : memref<1x64x128xf32, #tpu.memory_space<vmem>> -> memref<64x128xf32, #tpu.memory_space<vmem>>
    %dma_start3A_758 = arith.constant 0 : i32
    %dma_start3A_759 = tpu.memref_slice %arg8[%dma_start3A_752, %dma_start3A_758] : memref<2x64xi32, #tpu.memory_space<vmem>> -> memref<1x64xi32, #tpu.memory_space<vmem>>
    %dma_start3A_760 = tpu.memref_squeeze %dma_start3A_759 : memref<1x64xi32, #tpu.memory_space<vmem>> -> memref<64xi32, #tpu.memory_space<vmem>>
    %dma_start3A_761 = arith.constant 0 : i32
    %dma_start3A_762 = arith.constant 0 : i32
    %dma_start3A_763 = tpu.memref_slice %arg12[%dma_start3A_761, %dma_start3A_762] : memref<3500x128xf32, #tpu.memory_space<vmem_shared>> -> memref<3500x128xf32, #tpu.memory_space<vmem_shared>>
    tpu.enqueue_indirect_dma source(%dma_start3A_763 : memref<3500x128xf32, #tpu.memory_space<vmem_shared>>) target(%dma_start3A_757 : memref<64x128xf32, #tpu.memory_space<vmem>>) offsets(%dma_start3A_760 : memref<64xi32, #tpu.memory_space<vmem>>) semaphore(%arg13 : memref<!tpu.dma_semaphore, #tpu.memory_space<semaphore_mem>>)
    %scan3A = arith.constant 0 : i32
    %scan3A_764 = arith.constant 0 : i32
    %scan3A_765 = arith.constant 25 : i32
    %scan3A_766 = arith.addi %scan3A_764, %scan3A_765 : i32
    %scan3A_767 = arith.constant 1 : i32
    scf.for %scan3A_783 = %scan3A_764 to %scan3A_766 step %scan3A_767  : i32 {
      %mul3A_784 = arith.constant 2 : i32
      %mul3A_785 = arith.muli %mul3A_784, %scan3A_783 : i32
      %add3A_786 = arith.constant 1 : i32
      %add3A_787 = arith.addi %mul3A_785, %add3A_786 : i32
      %mul3A_788 = arith.constant 64 : i32
      %mul3A_789 = arith.muli %add3A_787, %mul3A_788 : i32
      %add3A_790 = arith.constant 0 : i32
      %add3A_791 = arith.addi %mul3A_789, %add3A_790 : i32
      %get3A_792 = arith.constant 0 : i32
      %get3A_793 = arith.index_cast %get3A_792 : i32 to index
      %get3A_794 = arith.index_cast %add3A_791 : i32 to index
      %get3A_795 = tpu.vector_load %arg5[%get3A_793, %get3A_794] {strides = array<i32>} : memref<9x3200xi32, #tpu.memory_space<vmem>>, vector<1x16xi32>,
      %get3A_796 = vector.shape_cast %get3A_795 : vector<1x16xi32> to vector<16xi32>
      %get3A_797 = arith.constant 1 : i32
      %get3A_798 = arith.index_cast %get3A_797 : i32 to index
      %get3A_799 = arith.index_cast %add3A_791 : i32 to index
      %get3A_800 = tpu.vector_load %arg5[%get3A_798, %get3A_799] {strides = array<i32>} : memref<9x3200xi32, #tpu.memory_space<vmem>>, vector<1x16xi32>,
      %get3A_801 = vector.shape_cast %get3A_800 : vector<1x16xi32> to vector<16xi32>
      %get3A_802 = arith.constant 2 : i32
      %get3A_803 = arith.index_cast %get3A_802 : i32 to index
      %get3A_804 = arith.index_cast %add3A_791 : i32 to index
      %get3A_805 = tpu.vector_load %arg5[%get3A_803, %get3A_804] {strides = array<i32>} : memref<9x3200xi32, #tpu.memory_space<vmem>>, vector<1x16xi32>,
      %get3A_806 = vector.shape_cast %get3A_805 : vector<1x16xi32> to vector<16xi32>
      %get3A_807 = arith.constant 3 : i32
      %get3A_808 = arith.index_cast %get3A_807 : i32 to index
      %get3A_809 = arith.index_cast %add3A_791 : i32 to index
      %get3A_810 = tpu.vector_load %arg5[%get3A_808, %get3A_809] {strides = array<i32>} : memref<9x3200xi32, #tpu.memory_space<vmem>>, vector<1x16xi32>,
      %get3A_811 = vector.shape_cast %get3A_810 : vector<1x16xi32> to vector<16xi32>
      %get3A_812 = arith.constant 4 : i32
      %get3A_813 = arith.index_cast %get3A_812 : i32 to index
      %get3A_814 = arith.index_cast %add3A_791 : i32 to index
      %get3A_815 = tpu.vector_load %arg5[%get3A_813, %get3A_814] {strides = array<i32>} : memref<9x3200xi32, #tpu.memory_space<vmem>>, vector<1x16xi32>,
      %get3A_816 = vector.shape_cast %get3A_815 : vector<1x16xi32> to vector<16xi32>
      %get3A_817 = arith.constant 5 : i32
      %get3A_818 = arith.index_cast %get3A_817 : i32 to index
      %get3A_819 = arith.index_cast %add3A_791 : i32 to index
      %get3A_820 = tpu.vector_load %arg5[%get3A_818, %get3A_819] {strides = array<i32>} : memref<9x3200xi32, #tpu.memory_space<vmem>>, vector<1x16xi32>,
      %get3A_821 = vector.shape_cast %get3A_820 : vector<1x16xi32> to vector<16xi32>
      %get3A_822 = arith.constant 6 : i32
      %get3A_823 = arith.index_cast %get3A_822 : i32 to index
      %get3A_824 = arith.index_cast %add3A_791 : i32 to index
      %get3A_825 = tpu.vector_load %arg5[%get3A_823, %get3A_824] {strides = array<i32>} : memref<9x3200xi32, #tpu.memory_space<vmem>>, vector<1x16xi32>,
      %get3A_826 = vector.shape_cast %get3A_825 : vector<1x16xi32> to vector<16xi32>
      %get3A_827 = arith.constant 7 : i32
      %get3A_828 = arith.index_cast %get3A_827 : i32 to index
      %get3A_829 = arith.index_cast %add3A_791 : i32 to index
      %get3A_830 = tpu.vector_load %arg5[%get3A_828, %get3A_829] {strides = array<i32>} : memref<9x3200xi32, #tpu.memory_space<vmem>>, vector<1x16xi32>,
      %get3A_831 = vector.shape_cast %get3A_830 : vector<1x16xi32> to vector<16xi32>
      %get3A_832 = arith.constant 8 : i32
      %get3A_833 = arith.index_cast %get3A_832 : i32 to index
      %get3A_834 = arith.index_cast %add3A_791 : i32 to index
      %get3A_835 = tpu.vector_load %arg5[%get3A_833, %get3A_834] {strides = array<i32>} : memref<9x3200xi32, #tpu.memory_space<vmem>>, vector<1x16xi32>,
      %get3A_836 = vector.shape_cast %get3A_835 : vector<1x16xi32> to vector<16xi32>
      %lt3A_837 = arith.constant 0 : i32
      %lt3A_838 = vector.broadcast %lt3A_837 : i32 to vector<16xi32>
      %lt3A_839 = arith.cmpi slt, %get3A_796, %lt3A_838 : vector<16xi32>
      %ge3A_840 = arith.constant 119 : i32
      %ge3A_841 = vector.broadcast %ge3A_840 : i32 to vector<16xi32>
      %ge3A_842 = arith.cmpi sge, %get3A_796, %ge3A_841 : vector<16xi32>
      %or3A_843 = arith.ori %lt3A_839, %ge3A_842 : vector<16xi1>
      %jit3A_844 = arith.constant 119 : i32
      %broadcast_in_dim3A_845 = vector.broadcast %jit3A_844 : i32 to vector<16xi32>
      %select_n3A_846 = arith.select %or3A_843, %broadcast_in_dim3A_845, %get3A_796 : vector<16xi1>, vector<16xi32>
      %lt3A_847 = arith.constant 0 : i32
      %lt3A_848 = vector.broadcast %lt3A_847 : i32 to vector<16xi32>
      %lt3A_849 = arith.cmpi slt, %get3A_801, %lt3A_848 : vector<16xi32>
      %ge3A_850 = arith.constant 9 : i32
      %ge3A_851 = vector.broadcast %ge3A_850 : i32 to vector<16xi32>
      %ge3A_852 = arith.cmpi sge, %get3A_801, %ge3A_851 : vector<16xi32>
      %or3A_853 = arith.ori %lt3A_849, %ge3A_852 : vector<16xi1>
      %jit3A_854 = arith.constant 9 : i32
      %broadcast_in_dim3A_855 = vector.broadcast %jit3A_854 : i32 to vector<16xi32>
      %select_n3A_856 = arith.select %or3A_853, %broadcast_in_dim3A_855, %get3A_801 : vector<16xi1>, vector<16xi32>
      %lt3A_857 = arith.constant 0 : i32
      %lt3A_858 = vector.broadcast %lt3A_857 : i32 to vector<16xi32>
      %lt3A_859 = arith.cmpi slt, %get3A_806, %lt3A_858 : vector<16xi32>
      %ge3A_860 = arith.constant 12 : i32
      %ge3A_861 = vector.broadcast %ge3A_860 : i32 to vector<16xi32>
      %ge3A_862 = arith.cmpi sge, %get3A_806, %ge3A_861 : vector<16xi32>
      %or3A_863 = arith.ori %lt3A_859, %ge3A_862 : vector<16xi1>
      %jit3A_864 = arith.constant 12 : i32
      %broadcast_in_dim3A_865 = vector.broadcast %jit3A_864 : i32 to vector<16xi32>
      %select_n3A_866 = arith.select %or3A_863, %broadcast_in_dim3A_865, %get3A_806 : vector<16xi1>, vector<16xi32>
      %lt3A_867 = arith.constant 0 : i32
      %lt3A_868 = vector.broadcast %lt3A_867 : i32 to vector<16xi32>
      %lt3A_869 = arith.cmpi slt, %get3A_811, %lt3A_868 : vector<16xi32>
      %ge3A_870 = arith.constant 12 : i32
      %ge3A_871 = vector.broadcast %ge3A_870 : i32 to vector<16xi32>
      %ge3A_872 = arith.cmpi sge, %get3A_811, %ge3A_871 : vector<16xi32>
      %or3A_873 = arith.ori %lt3A_869, %ge3A_872 : vector<16xi1>
      %jit3A_874 = arith.constant 12 : i32
      %broadcast_in_dim3A_875 = vector.broadcast %jit3A_874 : i32 to vector<16xi32>
      %select_n3A_876 = arith.select %or3A_873, %broadcast_in_dim3A_875, %get3A_811 : vector<16xi1>, vector<16xi32>
      %lt3A_877 = arith.constant 0 : i32
      %lt3A_878 = vector.broadcast %lt3A_877 : i32 to vector<16xi32>
      %lt3A_879 = arith.cmpi slt, %get3A_816, %lt3A_878 : vector<16xi32>
      %ge3A_880 = arith.constant 10 : i32
      %ge3A_881 = vector.broadcast %ge3A_880 : i32 to vector<16xi32>
      %ge3A_882 = arith.cmpi sge, %get3A_816, %ge3A_881 : vector<16xi32>
      %or3A_883 = arith.ori %lt3A_879, %ge3A_882 : vector<16xi1>
      %jit3A_884 = arith.constant 10 : i32
      %broadcast_in_dim3A_885 = vector.broadcast %jit3A_884 : i32 to vector<16xi32>
      %select_n3A_886 = arith.select %or3A_883, %broadcast_in_dim3A_885, %get3A_816 : vector<16xi1>, vector<16xi32>
      %lt3A_887 = arith.constant 0 : i32
      %lt3A_888 = vector.broadcast %lt3A_887 : i32 to vector<16xi32>
      %lt3A_889 = arith.cmpi slt, %get3A_821, %lt3A_888 : vector<16xi32>
      %ge3A_890 = arith.constant 6 : i32
      %ge3A_891 = vector.broadcast %ge3A_890 : i32 to vector<16xi32>
      %ge3A_892 = arith.cmpi sge, %get3A_821, %ge3A_891 : vector<16xi32>
      %or3A_893 = arith.ori %lt3A_889, %ge3A_892 : vector<16xi1>
      %jit3A_894 = arith.constant 6 : i32
      %broadcast_in_dim3A_895 = vector.broadcast %jit3A_894 : i32 to vector<16xi32>
      %select_n3A_896 = arith.select %or3A_893, %broadcast_in_dim3A_895, %get3A_821 : vector<16xi1>, vector<16xi32>
      %lt3A_897 = arith.constant 0 : i32
      %lt3A_898 = vector.broadcast %lt3A_897 : i32 to vector<16xi32>
      %lt3A_899 = arith.cmpi slt, %get3A_826, %lt3A_898 : vector<16xi32>
      %ge3A_900 = arith.constant 6 : i32
      %ge3A_901 = vector.broadcast %ge3A_900 : i32 to vector<16xi32>
      %ge3A_902 = arith.cmpi sge, %get3A_826, %ge3A_901 : vector<16xi32>
      %or3A_903 = arith.ori %lt3A_899, %ge3A_902 : vector<16xi1>
      %jit3A_904 = arith.constant 6 : i32
      %broadcast_in_dim3A_905 = vector.broadcast %jit3A_904 : i32 to vector<16xi32>
      %select_n3A_906 = arith.select %or3A_903, %broadcast_in_dim3A_905, %get3A_826 : vector<16xi1>, vector<16xi32>
      %lt3A_907 = arith.constant 0 : i32
      %lt3A_908 = vector.broadcast %lt3A_907 : i32 to vector<16xi32>
      %lt3A_909 = arith.cmpi slt, %get3A_831, %lt3A_908 : vector<16xi32>
      %ge3A_910 = arith.constant 2 : i32
      %ge3A_911 = vector.broadcast %ge3A_910 : i32 to vector<16xi32>
      %ge3A_912 = arith.cmpi sge, %get3A_831, %ge3A_911 : vector<16xi32>
      %or3A_913 = arith.ori %lt3A_909, %ge3A_912 : vector<16xi1>
      %jit3A_914 = arith.constant 2 : i32
      %broadcast_in_dim3A_915 = vector.broadcast %jit3A_914 : i32 to vector<16xi32>
      %select_n3A_916 = arith.select %or3A_913, %broadcast_in_dim3A_915, %get3A_831 : vector<16xi1>, vector<16xi32>
      %lt3A_917 = arith.constant 0 : i32
      %lt3A_918 = vector.broadcast %lt3A_917 : i32 to vector<16xi32>
      %lt3A_919 = arith.cmpi slt, %get3A_836, %lt3A_918 : vector<16xi32>
      %ge3A_920 = arith.constant 2 : i32
      %ge3A_921 = vector.broadcast %ge3A_920 : i32 to vector<16xi32>
      %ge3A_922 = arith.cmpi sge, %get3A_836, %ge3A_921 : vector<16xi32>
      %or3A_923 = arith.ori %lt3A_919, %ge3A_922 : vector<16xi1>
      %jit3A_924 = arith.constant 2 : i32
      %broadcast_in_dim3A_925 = vector.broadcast %jit3A_924 : i32 to vector<16xi32>
      %select_n3A_926 = arith.select %or3A_923, %broadcast_in_dim3A_925, %get3A_836 : vector<16xi1>, vector<16xi32>
      %mul3A_927 = arith.constant 10 : i32
      %mul3A_928 = vector.broadcast %mul3A_927 : i32 to vector<16xi32>
      %mul3A_929 = arith.muli %select_n3A_846, %mul3A_928 : vector<16xi32>
      %add3A_930 = arith.addi %mul3A_929, %select_n3A_856 : vector<16xi32>
      %mul3A_931 = arith.constant 13 : i32
      %mul3A_932 = vector.broadcast %mul3A_931 : i32 to vector<16xi32>
      %mul3A_933 = arith.muli %select_n3A_866, %mul3A_932 : vector<16xi32>
      %add3A_934 = arith.addi %mul3A_933, %select_n3A_876 : vector<16xi32>
      %mul3A_935 = arith.constant 11 : i32
      %mul3A_936 = vector.broadcast %mul3A_935 : i32 to vector<16xi32>
      %mul3A_937 = arith.muli %add3A_934, %mul3A_936 : vector<16xi32>
      %add3A_938 = arith.addi %mul3A_937, %select_n3A_886 : vector<16xi32>
      %add3A_939 = arith.constant 1200 : i32
      %add3A_940 = vector.broadcast %add3A_939 : i32 to vector<16xi32>
      %add3A_941 = arith.addi %add3A_938, %add3A_940 : vector<16xi32>
      %mul3A_942 = arith.constant 7 : i32
      %mul3A_943 = vector.broadcast %mul3A_942 : i32 to vector<16xi32>
      %mul3A_944 = arith.muli %select_n3A_896, %mul3A_943 : vector<16xi32>
      %add3A_945 = arith.addi %mul3A_944, %select_n3A_906 : vector<16xi32>
      %mul3A_946 = arith.constant 3 : i32
      %mul3A_947 = vector.broadcast %mul3A_946 : i32 to vector<16xi32>
      %mul3A_948 = arith.muli %add3A_945, %mul3A_947 : vector<16xi32>
      %add3A_949 = arith.addi %mul3A_948, %select_n3A_916 : vector<16xi32>
      %mul3A_950 = arith.constant 3 : i32
      %mul3A_951 = vector.broadcast %mul3A_950 : i32 to vector<16xi32>
      %mul3A_952 = arith.muli %add3A_949, %mul3A_951 : vector<16xi32>
      %add3A_953 = arith.addi %mul3A_952, %select_n3A_926 : vector<16xi32>
      %add3A_954 = arith.constant 3059 : i32
      %add3A_955 = vector.broadcast %add3A_954 : i32 to vector<16xi32>
      %add3A_956 = arith.addi %add3A_953, %add3A_955 : vector<16xi32>
      %swap3A_957 = arith.constant 1 : i32
      %swap3A_958 = arith.index_cast %swap3A_957 : i32 to index
      %swap3A_959 = arith.constant 0 : index
      %swap3A_960 = tpu.vector_load %arg6[%swap3A_958, %swap3A_959] {strides = array<i32>} : memref<2x64xi32, #tpu.memory_space<vmem>>, vector<1x16xi32>,
      %swap3A_961 = vector.shape_cast %swap3A_960 : vector<1x16xi32> to vector<16xi32>
      %swap3A_962 = vector.shape_cast %add3A_930 : vector<16xi32> to vector<1x16xi32>
      tpu.vector_store %arg6[%swap3A_958, %swap3A_959], %swap3A_962 {strides = array<i32>} : memref<2x64xi32, #tpu.memory_space<vmem>>, vector<1x16xi32>,
      %swap3A_963 = arith.constant 1 : i32
      %swap3A_964 = arith.index_cast %swap3A_963 : i32 to index
      %swap3A_965 = arith.constant 0 : index
      %swap3A_966 = tpu.vector_load %arg7[%swap3A_964, %swap3A_965] {strides = array<i32>} : memref<2x64xi32, #tpu.memory_space<vmem>>, vector<1x16xi32>,
      %swap3A_967 = vector.shape_cast %swap3A_966 : vector<1x16xi32> to vector<16xi32>
      %swap3A_968 = vector.shape_cast %add3A_941 : vector<16xi32> to vector<1x16xi32>
      tpu.vector_store %arg7[%swap3A_964, %swap3A_965], %swap3A_968 {strides = array<i32>} : memref<2x64xi32, #tpu.memory_space<vmem>>, vector<1x16xi32>,
      %swap3A_969 = arith.constant 1 : i32
      %swap3A_970 = arith.index_cast %swap3A_969 : i32 to index
      %swap3A_971 = arith.constant 0 : index
      %swap3A_972 = tpu.vector_load %arg8[%swap3A_970, %swap3A_971] {strides = array<i32>} : memref<2x64xi32, #tpu.memory_space<vmem>>, vector<1x16xi32>,
      %swap3A_973 = vector.shape_cast %swap3A_972 : vector<1x16xi32> to vector<16xi32>
      %swap3A_974 = vector.shape_cast %add3A_956 : vector<16xi32> to vector<1x16xi32>
      tpu.vector_store %arg8[%swap3A_970, %swap3A_971], %swap3A_974 {strides = array<i32>} : memref<2x64xi32, #tpu.memory_space<vmem>>, vector<1x16xi32>,
      %mul3A_975 = arith.constant 64 : i32
      %mul3A_976 = arith.muli %add3A_787, %mul3A_975 : i32
      %add3A_977 = arith.constant 16 : i32
      %add3A_978 = arith.addi %mul3A_976, %add3A_977 : i32
      %get3A_979 = arith.constant 0 : i32
      %get3A_980 = arith.index_cast %get3A_979 : i32 to index
      %get3A_981 = arith.index_cast %add3A_978 : i32 to index
      %get3A_982 = tpu.vector_load %arg5[%get3A_980, %get3A_981] {strides = array<i32>} : memref<9x3200xi32, #tpu.memory_space<vmem>>, vector<1x16xi32>,
      %get3A_983 = vector.shape_cast %get3A_982 : vector<1x16xi32> to vector<16xi32>
      %get3A_984 = arith.constant 1 : i32
      %get3A_985 = arith.index_cast %get3A_984 : i32 to index
      %get3A_986 = arith.index_cast %add3A_978 : i32 to index
      %get3A_987 = tpu.vector_load %arg5[%get3A_985, %get3A_986] {strides = array<i32>} : memref<9x3200xi32, #tpu.memory_space<vmem>>, vector<1x16xi32>,
      %get3A_988 = vector.shape_cast %get3A_987 : vector<1x16xi32> to vector<16xi32>
      %get3A_989 = arith.constant 2 : i32
      %get3A_990 = arith.index_cast %get3A_989 : i32 to index
      %get3A_991 = arith.index_cast %add3A_978 : i32 to index
      %get3A_992 = tpu.vector_load %arg5[%get3A_990, %get3A_991] {strides = array<i32>} : memref<9x3200xi32, #tpu.memory_space<vmem>>, vector<1x16xi32>,
      %get3A_993 = vector.shape_cast %get3A_992 : vector<1x16xi32> to vector<16xi32>
      %get3A_994 = arith.constant 3 : i32
      %get3A_995 = arith.index_cast %get3A_994 : i32 to index
      %get3A_996 = arith.index_cast %add3A_978 : i32 to index
      %get3A_997 = tpu.vector_load %arg5[%get3A_995, %get3A_996] {strides = array<i32>} : memref<9x3200xi32, #tpu.memory_space<vmem>>, vector<1x16xi32>,
      %get3A_998 = vector.shape_cast %get3A_997 : vector<1x16xi32> to vector<16xi32>
      %get3A_999 = arith.constant 4 : i32
      %get3A_1000 = arith.index_cast %get3A_999 : i32 to index
      %get3A_1001 = arith.index_cast %add3A_978 : i32 to index
      %get3A_1002 = tpu.vector_load %arg5[%get3A_1000, %get3A_1001] {strides = array<i32>} : memref<9x3200xi32, #tpu.memory_space<vmem>>, vector<1x16xi32>,
      %get3A_1003 = vector.shape_cast %get3A_1002 : vector<1x16xi32> to vector<16xi32>
      %get3A_1004 = arith.constant 5 : i32
      %get3A_1005 = arith.index_cast %get3A_1004 : i32 to index
      %get3A_1006 = arith.index_cast %add3A_978 : i32 to index
      %get3A_1007 = tpu.vector_load %arg5[%get3A_1005, %get3A_1006] {strides = array<i32>} : memref<9x3200xi32, #tpu.memory_space<vmem>>, vector<1x16xi32>,
      %get3A_1008 = vector.shape_cast %get3A_1007 : vector<1x16xi32> to vector<16xi32>
      %get3A_1009 = arith.constant 6 : i32
      %get3A_1010 = arith.index_cast %get3A_1009 : i32 to index
      %get3A_1011 = arith.index_cast %add3A_978 : i32 to index
      %get3A_1012 = tpu.vector_load %arg5[%get3A_1010, %get3A_1011] {strides = array<i32>} : memref<9x3200xi32, #tpu.memory_space<vmem>>, vector<1x16xi32>,
      %get3A_1013 = vector.shape_cast %get3A_1012 : vector<1x16xi32> to vector<16xi32>
      %get3A_1014 = arith.constant 7 : i32
      %get3A_1015 = arith.index_cast %get3A_1014 : i32 to index
      %get3A_1016 = arith.index_cast %add3A_978 : i32 to index
      %get3A_1017 = tpu.vector_load %arg5[%get3A_1015, %get3A_1016] {strides = array<i32>} : memref<9x3200xi32, #tpu.memory_space<vmem>>, vector<1x16xi32>,
      %get3A_1018 = vector.shape_cast %get3A_1017 : vector<1x16xi32> to vector<16xi32>
      %get3A_1019 = arith.constant 8 : i32
      %get3A_1020 = arith.index_cast %get3A_1019 : i32 to index
      %get3A_1021 = arith.index_cast %add3A_978 : i32 to index
      %get3A_1022 = tpu.vector_load %arg5[%get3A_1020, %get3A_1021] {strides = array<i32>} : memref<9x3200xi32, #tpu.memory_space<vmem>>, vector<1x16xi32>,
      %get3A_1023 = vector.shape_cast %get3A_1022 : vector<1x16xi32> to vector<16xi32>
      %lt3A_1024 = arith.constant 0 : i32
      %lt3A_1025 = vector.broadcast %lt3A_1024 : i32 to vector<16xi32>
      %lt3A_1026 = arith.cmpi slt, %get3A_983, %lt3A_1025 : vector<16xi32>
      %ge3A_1027 = arith.constant 119 : i32
      %ge3A_1028 = vector.broadcast %ge3A_1027 : i32 to vector<16xi32>
      %ge3A_1029 = arith.cmpi sge, %get3A_983, %ge3A_1028 : vector<16xi32>
      %or3A_1030 = arith.ori %lt3A_1026, %ge3A_1029 : vector<16xi1>
      %jit3A_1031 = arith.constant 119 : i32
      %broadcast_in_dim3A_1032 = vector.broadcast %jit3A_1031 : i32 to vector<16xi32>
      %select_n3A_1033 = arith.select %or3A_1030, %broadcast_in_dim3A_1032, %get3A_983 : vector<16xi1>, vector<16xi32>
      %lt3A_1034 = arith.constant 0 : i32
      %lt3A_1035 = vector.broadcast %lt3A_1034 : i32 to vector<16xi32>
      %lt3A_1036 = arith.cmpi slt, %get3A_988, %lt3A_1035 : vector<16xi32>
      %ge3A_1037 = arith.constant 9 : i32
      %ge3A_1038 = vector.broadcast %ge3A_1037 : i32 to vector<16xi32>
      %ge3A_1039 = arith.cmpi sge, %get3A_988, %ge3A_1038 : vector<16xi32>
      %or3A_1040 = arith.ori %lt3A_1036, %ge3A_1039 : vector<16xi1>
      %jit3A_1041 = arith.constant 9 : i32
      %broadcast_in_dim3A_1042 = vector.broadcast %jit3A_1041 : i32 to vector<16xi32>
      %select_n3A_1043 = arith.select %or3A_1040, %broadcast_in_dim3A_1042, %get3A_988 : vector<16xi1>, vector<16xi32>
      %lt3A_1044 = arith.constant 0 : i32
      %lt3A_1045 = vector.broadcast %lt3A_1044 : i32 to vector<16xi32>
      %lt3A_1046 = arith.cmpi slt, %get3A_993, %lt3A_1045 : vector<16xi32>
      %ge3A_1047 = arith.constant 12 : i32
      %ge3A_1048 = vector.broadcast %ge3A_1047 : i32 to vector<16xi32>
      %ge3A_1049 = arith.cmpi sge, %get3A_993, %ge3A_1048 : vector<16xi32>
      %or3A_1050 = arith.ori %lt3A_1046, %ge3A_1049 : vector<16xi1>
      %jit3A_1051 = arith.constant 12 : i32
      %broadcast_in_dim3A_1052 = vector.broadcast %jit3A_1051 : i32 to vector<16xi32>
      %select_n3A_1053 = arith.select %or3A_1050, %broadcast_in_dim3A_1052, %get3A_993 : vector<16xi1>, vector<16xi32>
      %lt3A_1054 = arith.constant 0 : i32
      %lt3A_1055 = vector.broadcast %lt3A_1054 : i32 to vector<16xi32>
      %lt3A_1056 = arith.cmpi slt, %get3A_998, %lt3A_1055 : vector<16xi32>
      %ge3A_1057 = arith.constant 12 : i32
      %ge3A_1058 = vector.broadcast %ge3A_1057 : i32 to vector<16xi32>
      %ge3A_1059 = arith.cmpi sge, %get3A_998, %ge3A_1058 : vector<16xi32>
      %or3A_1060 = arith.ori %lt3A_1056, %ge3A_1059 : vector<16xi1>
      %jit3A_1061 = arith.constant 12 : i32
      %broadcast_in_dim3A_1062 = vector.broadcast %jit3A_1061 : i32 to vector<16xi32>
      %select_n3A_1063 = arith.select %or3A_1060, %broadcast_in_dim3A_1062, %get3A_998 : vector<16xi1>, vector<16xi32>
      %lt3A_1064 = arith.constant 0 : i32
      %lt3A_1065 = vector.broadcast %lt3A_1064 : i32 to vector<16xi32>
      %lt3A_1066 = arith.cmpi slt, %get3A_1003, %lt3A_1065 : vector<16xi32>
      %ge3A_1067 = arith.constant 10 : i32
      %ge3A_1068 = vector.broadcast %ge3A_1067 : i32 to vector<16xi32>
      %ge3A_1069 = arith.cmpi sge, %get3A_1003, %ge3A_1068 : vector<16xi32>
      %or3A_1070 = arith.ori %lt3A_1066, %ge3A_1069 : vector<16xi1>
      %jit3A_1071 = arith.constant 10 : i32
      %broadcast_in_dim3A_1072 = vector.broadcast %jit3A_1071 : i32 to vector<16xi32>
      %select_n3A_1073 = arith.select %or3A_1070, %broadcast_in_dim3A_1072, %get3A_1003 : vector<16xi1>, vector<16xi32>
      %lt3A_1074 = arith.constant 0 : i32
      %lt3A_1075 = vector.broadcast %lt3A_1074 : i32 to vector<16xi32>
      %lt3A_1076 = arith.cmpi slt, %get3A_1008, %lt3A_1075 : vector<16xi32>
      %ge3A_1077 = arith.constant 6 : i32
      %ge3A_1078 = vector.broadcast %ge3A_1077 : i32 to vector<16xi32>
      %ge3A_1079 = arith.cmpi sge, %get3A_1008, %ge3A_1078 : vector<16xi32>
      %or3A_1080 = arith.ori %lt3A_1076, %ge3A_1079 : vector<16xi1>
      %jit3A_1081 = arith.constant 6 : i32
      %broadcast_in_dim3A_1082 = vector.broadcast %jit3A_1081 : i32 to vector<16xi32>
      %select_n3A_1083 = arith.select %or3A_1080, %broadcast_in_dim3A_1082, %get3A_1008 : vector<16xi1>, vector<16xi32>
      %lt3A_1084 = arith.constant 0 : i32
      %lt3A_1085 = vector.broadcast %lt3A_1084 : i32 to vector<16xi32>
      %lt3A_1086 = arith.cmpi slt, %get3A_1013, %lt3A_1085 : vector<16xi32>
      %ge3A_1087 = arith.constant 6 : i32
      %ge3A_1088 = vector.broadcast %ge3A_1087 : i32 to vector<16xi32>
      %ge3A_1089 = arith.cmpi sge, %get3A_1013, %ge3A_1088 : vector<16xi32>
      %or3A_1090 = arith.ori %lt3A_1086, %ge3A_1089 : vector<16xi1>
      %jit3A_1091 = arith.constant 6 : i32
      %broadcast_in_dim3A_1092 = vector.broadcast %jit3A_1091 : i32 to vector<16xi32>
      %select_n3A_1093 = arith.select %or3A_1090, %broadcast_in_dim3A_1092, %get3A_1013 : vector<16xi1>, vector<16xi32>
      %lt3A_1094 = arith.constant 0 : i32
      %lt3A_1095 = vector.broadcast %lt3A_1094 : i32 to vector<16xi32>
      %lt3A_1096 = arith.cmpi slt, %get3A_1018, %lt3A_1095 : vector<16xi32>
      %ge3A_1097 = arith.constant 2 : i32
      %ge3A_1098 = vector.broadcast %ge3A_1097 : i32 to vector<16xi32>
      %ge3A_1099 = arith.cmpi sge, %get3A_1018, %ge3A_1098 : vector<16xi32>
      %or3A_1100 = arith.ori %lt3A_1096, %ge3A_1099 : vector<16xi1>
      %jit3A_1101 = arith.constant 2 : i32
      %broadcast_in_dim3A_1102 = vector.broadcast %jit3A_1101 : i32 to vector<16xi32>
      %select_n3A_1103 = arith.select %or3A_1100, %broadcast_in_dim3A_1102, %get3A_1018 : vector<16xi1>, vector<16xi32>
      %lt3A_1104 = arith.constant 0 : i32
      %lt3A_1105 = vector.broadcast %lt3A_1104 : i32 to vector<16xi32>
      %lt3A_1106 = arith.cmpi slt, %get3A_1023, %lt3A_1105 : vector<16xi32>
      %ge3A_1107 = arith.constant 2 : i32
      %ge3A_1108 = vector.broadcast %ge3A_1107 : i32 to vector<16xi32>
      %ge3A_1109 = arith.cmpi sge, %get3A_1023, %ge3A_1108 : vector<16xi32>
      %or3A_1110 = arith.ori %lt3A_1106, %ge3A_1109 : vector<16xi1>
      %jit3A_1111 = arith.constant 2 : i32
      %broadcast_in_dim3A_1112 = vector.broadcast %jit3A_1111 : i32 to vector<16xi32>
      %select_n3A_1113 = arith.select %or3A_1110, %broadcast_in_dim3A_1112, %get3A_1023 : vector<16xi1>, vector<16xi32>
      %mul3A_1114 = arith.constant 10 : i32
      %mul3A_1115 = vector.broadcast %mul3A_1114 : i32 to vector<16xi32>
      %mul3A_1116 = arith.muli %select_n3A_1033, %mul3A_1115 : vector<16xi32>
      %add3A_1117 = arith.addi %mul3A_1116, %select_n3A_1043 : vector<16xi32>
      %mul3A_1118 = arith.constant 13 : i32
      %mul3A_1119 = vector.broadcast %mul3A_1118 : i32 to vector<16xi32>
      %mul3A_1120 = arith.muli %select_n3A_1053, %mul3A_1119 : vector<16xi32>
      %add3A_1121 = arith.addi %mul3A_1120, %select_n3A_1063 : vector<16xi32>
      %mul3A_1122 = arith.constant 11 : i32
      %mul3A_1123 = vector.broadcast %mul3A_1122 : i32 to vector<16xi32>
      %mul3A_1124 = arith.muli %add3A_1121, %mul3A_1123 : vector<16xi32>
      %add3A_1125 = arith.addi %mul3A_1124, %select_n3A_1073 : vector<16xi32>
      %add3A_1126 = arith.constant 1200 : i32
      %add3A_1127 = vector.broadcast %add3A_1126 : i32 to vector<16xi32>
      %add3A_1128 = arith.addi %add3A_1125, %add3A_1127 : vector<16xi32>
      %mul3A_1129 = arith.constant 7 : i32
      %mul3A_1130 = vector.broadcast %mul3A_1129 : i32 to vector<16xi32>
      %mul3A_1131 = arith.muli %select_n3A_1083, %mul3A_1130 : vector<16xi32>
      %add3A_1132 = arith.addi %mul3A_1131, %select_n3A_1093 : vector<16xi32>
      %mul3A_1133 = arith.constant 3 : i32
      %mul3A_1134 = vector.broadcast %mul3A_1133 : i32 to vector<16xi32>
      %mul3A_1135 = arith.muli %add3A_1132, %mul3A_1134 : vector<16xi32>
      %add3A_1136 = arith.addi %mul3A_1135, %select_n3A_1103 : vector<16xi32>
      %mul3A_1137 = arith.constant 3 : i32
      %mul3A_1138 = vector.broadcast %mul3A_1137 : i32 to vector<16xi32>
      %mul3A_1139 = arith.muli %add3A_1136, %mul3A_1138 : vector<16xi32>
      %add3A_1140 = arith.addi %mul3A_1139, %select_n3A_1113 : vector<16xi32>
      %add3A_1141 = arith.constant 3059 : i32
      %add3A_1142 = vector.broadcast %add3A_1141 : i32 to vector<16xi32>
      %add3A_1143 = arith.addi %add3A_1140, %add3A_1142 : vector<16xi32>
      %swap3A_1144 = arith.constant 1 : i32
      %swap3A_1145 = arith.index_cast %swap3A_1144 : i32 to index
      %swap3A_1146 = arith.constant 16 : index
      %swap3A_1147 = tpu.vector_load %arg6[%swap3A_1145, %swap3A_1146] {strides = array<i32>} : memref<2x64xi32, #tpu.memory_space<vmem>>, vector<1x16xi32>,
      %swap3A_1148 = vector.shape_cast %swap3A_1147 : vector<1x16xi32> to vector<16xi32>
      %swap3A_1149 = vector.shape_cast %add3A_1117 : vector<16xi32> to vector<1x16xi32>
      tpu.vector_store %arg6[%swap3A_1145, %swap3A_1146], %swap3A_1149 {strides = array<i32>} : memref<2x64xi32, #tpu.memory_space<vmem>>, vector<1x16xi32>,
      %swap3A_1150 = arith.constant 1 : i32
      %swap3A_1151 = arith.index_cast %swap3A_1150 : i32 to index
      %swap3A_1152 = arith.constant 16 : index
      %swap3A_1153 = tpu.vector_load %arg7[%swap3A_1151, %swap3A_1152] {strides = array<i32>} : memref<2x64xi32, #tpu.memory_space<vmem>>, vector<1x16xi32>,
      %swap3A_1154 = vector.shape_cast %swap3A_1153 : vector<1x16xi32> to vector<16xi32>
      %swap3A_1155 = vector.shape_cast %add3A_1128 : vector<16xi32> to vector<1x16xi32>
      tpu.vector_store %arg7[%swap3A_1151, %swap3A_1152], %swap3A_1155 {strides = array<i32>} : memref<2x64xi32, #tpu.memory_space<vmem>>, vector<1x16xi32>,
      %swap3A_1156 = arith.constant 1 : i32
      %swap3A_1157 = arith.index_cast %swap3A_1156 : i32 to index
      %swap3A_1158 = arith.constant 16 : index
      %swap3A_1159 = tpu.vector_load %arg8[%swap3A_1157, %swap3A_1158] {strides = array<i32>} : memref<2x64xi32, #tpu.memory_space<vmem>>, vector<1x16xi32>,
      %swap3A_1160 = vector.shape_cast %swap3A_1159 : vector<1x16xi32> to vector<16xi32>
      %swap3A_1161 = vector.shape_cast %add3A_1143 : vector<16xi32> to vector<1x16xi32>
      tpu.vector_store %arg8[%swap3A_1157, %swap3A_1158], %swap3A_1161 {strides = array<i32>} : memref<2x64xi32, #tpu.memory_space<vmem>>, vector<1x16xi32>,
      %mul3A_1162 = arith.constant 64 : i32
      %mul3A_1163 = arith.muli %add3A_787, %mul3A_1162 : i32
      %add3A_1164 = arith.constant 32 : i32
      %add3A_1165 = arith.addi %mul3A_1163, %add3A_1164 : i32
      %get3A_1166 = arith.constant 0 : i32
      %get3A_1167 = arith.index_cast %get3A_1166 : i32 to index
      %get3A_1168 = arith.index_cast %add3A_1165 : i32 to index
      %get3A_1169 = tpu.vector_load %arg5[%get3A_1167, %get3A_1168] {strides = array<i32>} : memref<9x3200xi32, #tpu.memory_space<vmem>>, vector<1x16xi32>,
      %get3A_1170 = vector.shape_cast %get3A_1169 : vector<1x16xi32> to vector<16xi32>
      %get3A_1171 = arith.constant 1 : i32
      %get3A_1172 = arith.index_cast %get3A_1171 : i32 to index
      %get3A_1173 = arith.index_cast %add3A_1165 : i32 to index
      %get3A_1174 = tpu.vector_load %arg5[%get3A_1172, %get3A_1173] {strides = array<i32>} : memref<9x3200xi32, #tpu.memory_space<vmem>>, vector<1x16xi32>,
      %get3A_1175 = vector.shape_cast %get3A_1174 : vector<1x16xi32> to vector<16xi32>
      %get3A_1176 = arith.constant 2 : i32
      %get3A_1177 = arith.index_cast %get3A_1176 : i32 to index
      %get3A_1178 = arith.index_cast %add3A_1165 : i32 to index
      %get3A_1179 = tpu.vector_load %arg5[%get3A_1177, %get3A_1178] {strides = array<i32>} : memref<9x3200xi32, #tpu.memory_space<vmem>>, vector<1x16xi32>,
      %get3A_1180 = vector.shape_cast %get3A_1179 : vector<1x16xi32> to vector<16xi32>
      %get3A_1181 = arith.constant 3 : i32
      %get3A_1182 = arith.index_cast %get3A_1181 : i32 to index
      %get3A_1183 = arith.index_cast %add3A_1165 : i32 to index
      %get3A_1184 = tpu.vector_load %arg5[%get3A_1182, %get3A_1183] {strides = array<i32>} : memref<9x3200xi32, #tpu.memory_space<vmem>>, vector<1x16xi32>,
      %get3A_1185 = vector.shape_cast %get3A_1184 : vector<1x16xi32> to vector<16xi32>
      %get3A_1186 = arith.constant 4 : i32
      %get3A_1187 = arith.index_cast %get3A_1186 : i32 to index
      %get3A_1188 = arith.index_cast %add3A_1165 : i32 to index
      %get3A_1189 = tpu.vector_load %arg5[%get3A_1187, %get3A_1188] {strides = array<i32>} : memref<9x3200xi32, #tpu.memory_space<vmem>>, vector<1x16xi32>,
      %get3A_1190 = vector.shape_cast %get3A_1189 : vector<1x16xi32> to vector<16xi32>
      %get3A_1191 = arith.constant 5 : i32
      %get3A_1192 = arith.index_cast %get3A_1191 : i32 to index
      %get3A_1193 = arith.index_cast %add3A_1165 : i32 to index
      %get3A_1194 = tpu.vector_load %arg5[%get3A_1192, %get3A_1193] {strides = array<i32>} : memref<9x3200xi32, #tpu.memory_space<vmem>>, vector<1x16xi32>,
      %get3A_1195 = vector.shape_cast %get3A_1194 : vector<1x16xi32> to vector<16xi32>
      %get3A_1196 = arith.constant 6 : i32
      %get3A_1197 = arith.index_cast %get3A_1196 : i32 to index
      %get3A_1198 = arith.index_cast %add3A_1165 : i32 to index
      %get3A_1199 = tpu.vector_load %arg5[%get3A_1197, %get3A_1198] {strides = array<i32>} : memref<9x3200xi32, #tpu.memory_space<vmem>>, vector<1x16xi32>,
      %get3A_1200 = vector.shape_cast %get3A_1199 : vector<1x16xi32> to vector<16xi32>
      %get3A_1201 = arith.constant 7 : i32
      %get3A_1202 = arith.index_cast %get3A_1201 : i32 to index
      %get3A_1203 = arith.index_cast %add3A_1165 : i32 to index
      %get3A_1204 = tpu.vector_load %arg5[%get3A_1202, %get3A_1203] {strides = array<i32>} : memref<9x3200xi32, #tpu.memory_space<vmem>>, vector<1x16xi32>,
      %get3A_1205 = vector.shape_cast %get3A_1204 : vector<1x16xi32> to vector<16xi32>
      %get3A_1206 = arith.constant 8 : i32
      %get3A_1207 = arith.index_cast %get3A_1206 : i32 to index
      %get3A_1208 = arith.index_cast %add3A_1165 : i32 to index
      %get3A_1209 = tpu.vector_load %arg5[%get3A_1207, %get3A_1208] {strides = array<i32>} : memref<9x3200xi32, #tpu.memory_space<vmem>>, vector<1x16xi32>,
      %get3A_1210 = vector.shape_cast %get3A_1209 : vector<1x16xi32> to vector<16xi32>
      %lt3A_1211 = arith.constant 0 : i32
      %lt3A_1212 = vector.broadcast %lt3A_1211 : i32 to vector<16xi32>
      %lt3A_1213 = arith.cmpi slt, %get3A_1170, %lt3A_1212 : vector<16xi32>
      %ge3A_1214 = arith.constant 119 : i32
      %ge3A_1215 = vector.broadcast %ge3A_1214 : i32 to vector<16xi32>
      %ge3A_1216 = arith.cmpi sge, %get3A_1170, %ge3A_1215 : vector<16xi32>
      %or3A_1217 = arith.ori %lt3A_1213, %ge3A_1216 : vector<16xi1>
      %jit3A_1218 = arith.constant 119 : i32
      %broadcast_in_dim3A_1219 = vector.broadcast %jit3A_1218 : i32 to vector<16xi32>
      %select_n3A_1220 = arith.select %or3A_1217, %broadcast_in_dim3A_1219, %get3A_1170 : vector<16xi1>, vector<16xi32>
      %lt3A_1221 = arith.constant 0 : i32
      %lt3A_1222 = vector.broadcast %lt3A_1221 : i32 to vector<16xi32>
      %lt3A_1223 = arith.cmpi slt, %get3A_1175, %lt3A_1222 : vector<16xi32>
      %ge3A_1224 = arith.constant 9 : i32
      %ge3A_1225 = vector.broadcast %ge3A_1224 : i32 to vector<16xi32>
      %ge3A_1226 = arith.cmpi sge, %get3A_1175, %ge3A_1225 : vector<16xi32>
      %or3A_1227 = arith.ori %lt3A_1223, %ge3A_1226 : vector<16xi1>
      %jit3A_1228 = arith.constant 9 : i32
      %broadcast_in_dim3A_1229 = vector.broadcast %jit3A_1228 : i32 to vector<16xi32>
      %select_n3A_1230 = arith.select %or3A_1227, %broadcast_in_dim3A_1229, %get3A_1175 : vector<16xi1>, vector<16xi32>
      %lt3A_1231 = arith.constant 0 : i32
      %lt3A_1232 = vector.broadcast %lt3A_1231 : i32 to vector<16xi32>
      %lt3A_1233 = arith.cmpi slt, %get3A_1180, %lt3A_1232 : vector<16xi32>
      %ge3A_1234 = arith.constant 12 : i32
      %ge3A_1235 = vector.broadcast %ge3A_1234 : i32 to vector<16xi32>
      %ge3A_1236 = arith.cmpi sge, %get3A_1180, %ge3A_1235 : vector<16xi32>
      %or3A_1237 = arith.ori %lt3A_1233, %ge3A_1236 : vector<16xi1>
      %jit3A_1238 = arith.constant 12 : i32
      %broadcast_in_dim3A_1239 = vector.broadcast %jit3A_1238 : i32 to vector<16xi32>
      %select_n3A_1240 = arith.select %or3A_1237, %broadcast_in_dim3A_1239, %get3A_1180 : vector<16xi1>, vector<16xi32>
      %lt3A_1241 = arith.constant 0 : i32
      %lt3A_1242 = vector.broadcast %lt3A_1241 : i32 to vector<16xi32>
      %lt3A_1243 = arith.cmpi slt, %get3A_1185, %lt3A_1242 : vector<16xi32>
      %ge3A_1244 = arith.constant 12 : i32
      %ge3A_1245 = vector.broadcast %ge3A_1244 : i32 to vector<16xi32>
      %ge3A_1246 = arith.cmpi sge, %get3A_1185, %ge3A_1245 : vector<16xi32>
      %or3A_1247 = arith.ori %lt3A_1243, %ge3A_1246 : vector<16xi1>
      %jit3A_1248 = arith.constant 12 : i32
      %broadcast_in_dim3A_1249 = vector.broadcast %jit3A_1248 : i32 to vector<16xi32>
      %select_n3A_1250 = arith.select %or3A_1247, %broadcast_in_dim3A_1249, %get3A_1185 : vector<16xi1>, vector<16xi32>
      %lt3A_1251 = arith.constant 0 : i32
      %lt3A_1252 = vector.broadcast %lt3A_1251 : i32 to vector<16xi32>
      %lt3A_1253 = arith.cmpi slt, %get3A_1190, %lt3A_1252 : vector<16xi32>
      %ge3A_1254 = arith.constant 10 : i32
      %ge3A_1255 = vector.broadcast %ge3A_1254 : i32 to vector<16xi32>
      %ge3A_1256 = arith.cmpi sge, %get3A_1190, %ge3A_1255 : vector<16xi32>
      %or3A_1257 = arith.ori %lt3A_1253, %ge3A_1256 : vector<16xi1>
      %jit3A_1258 = arith.constant 10 : i32
      %broadcast_in_dim3A_1259 = vector.broadcast %jit3A_1258 : i32 to vector<16xi32>
      %select_n3A_1260 = arith.select %or3A_1257, %broadcast_in_dim3A_1259, %get3A_1190 : vector<16xi1>, vector<16xi32>
      %lt3A_1261 = arith.constant 0 : i32
      %lt3A_1262 = vector.broadcast %lt3A_1261 : i32 to vector<16xi32>
      %lt3A_1263 = arith.cmpi slt, %get3A_1195, %lt3A_1262 : vector<16xi32>
      %ge3A_1264 = arith.constant 6 : i32
      %ge3A_1265 = vector.broadcast %ge3A_1264 : i32 to vector<16xi32>
      %ge3A_1266 = arith.cmpi sge, %get3A_1195, %ge3A_1265 : vector<16xi32>
      %or3A_1267 = arith.ori %lt3A_1263, %ge3A_1266 : vector<16xi1>
      %jit3A_1268 = arith.constant 6 : i32
      %broadcast_in_dim3A_1269 = vector.broadcast %jit3A_1268 : i32 to vector<16xi32>
      %select_n3A_1270 = arith.select %or3A_1267, %broadcast_in_dim3A_1269, %get3A_1195 : vector<16xi1>, vector<16xi32>
      %lt3A_1271 = arith.constant 0 : i32
      %lt3A_1272 = vector.broadcast %lt3A_1271 : i32 to vector<16xi32>
      %lt3A_1273 = arith.cmpi slt, %get3A_1200, %lt3A_1272 : vector<16xi32>
      %ge3A_1274 = arith.constant 6 : i32
      %ge3A_1275 = vector.broadcast %ge3A_1274 : i32 to vector<16xi32>
      %ge3A_1276 = arith.cmpi sge, %get3A_1200, %ge3A_1275 : vector<16xi32>
      %or3A_1277 = arith.ori %lt3A_1273, %ge3A_1276 : vector<16xi1>
      %jit3A_1278 = arith.constant 6 : i32
      %broadcast_in_dim3A_1279 = vector.broadcast %jit3A_1278 : i32 to vector<16xi32>
      %select_n3A_1280 = arith.select %or3A_1277, %broadcast_in_dim3A_1279, %get3A_1200 : vector<16xi1>, vector<16xi32>
      %lt3A_1281 = arith.constant 0 : i32
      %lt3A_1282 = vector.broadcast %lt3A_1281 : i32 to vector<16xi32>
      %lt3A_1283 = arith.cmpi slt, %get3A_1205, %lt3A_1282 : vector<16xi32>
      %ge3A_1284 = arith.constant 2 : i32
      %ge3A_1285 = vector.broadcast %ge3A_1284 : i32 to vector<16xi32>
      %ge3A_1286 = arith.cmpi sge, %get3A_1205, %ge3A_1285 : vector<16xi32>
      %or3A_1287 = arith.ori %lt3A_1283, %ge3A_1286 : vector<16xi1>
      %jit3A_1288 = arith.constant 2 : i32
      %broadcast_in_dim3A_1289 = vector.broadcast %jit3A_1288 : i32 to vector<16xi32>
      %select_n3A_1290 = arith.select %or3A_1287, %broadcast_in_dim3A_1289, %get3A_1205 : vector<16xi1>, vector<16xi32>
      %lt3A_1291 = arith.constant 0 : i32
      %lt3A_1292 = vector.broadcast %lt3A_1291 : i32 to vector<16xi32>
      %lt3A_1293 = arith.cmpi slt, %get3A_1210, %lt3A_1292 : vector<16xi32>
      %ge3A_1294 = arith.constant 2 : i32
      %ge3A_1295 = vector.broadcast %ge3A_1294 : i32 to vector<16xi32>
      %ge3A_1296 = arith.cmpi sge, %get3A_1210, %ge3A_1295 : vector<16xi32>
      %or3A_1297 = arith.ori %lt3A_1293, %ge3A_1296 : vector<16xi1>
      %jit3A_1298 = arith.constant 2 : i32
      %broadcast_in_dim3A_1299 = vector.broadcast %jit3A_1298 : i32 to vector<16xi32>
      %select_n3A_1300 = arith.select %or3A_1297, %broadcast_in_dim3A_1299, %get3A_1210 : vector<16xi1>, vector<16xi32>
      %mul3A_1301 = arith.constant 10 : i32
      %mul3A_1302 = vector.broadcast %mul3A_1301 : i32 to vector<16xi32>
      %mul3A_1303 = arith.muli %select_n3A_1220, %mul3A_1302 : vector<16xi32>
      %add3A_1304 = arith.addi %mul3A_1303, %select_n3A_1230 : vector<16xi32>
      %mul3A_1305 = arith.constant 13 : i32
      %mul3A_1306 = vector.broadcast %mul3A_1305 : i32 to vector<16xi32>
      %mul3A_1307 = arith.muli %select_n3A_1240, %mul3A_1306 : vector<16xi32>
      %add3A_1308 = arith.addi %mul3A_1307, %select_n3A_1250 : vector<16xi32>
      %mul3A_1309 = arith.constant 11 : i32
      %mul3A_1310 = vector.broadcast %mul3A_1309 : i32 to vector<16xi32>
      %mul3A_1311 = arith.muli %add3A_1308, %mul3A_1310 : vector<16xi32>
      %add3A_1312 = arith.addi %mul3A_1311, %select_n3A_1260 : vector<16xi32>
      %add3A_1313 = arith.constant 1200 : i32
      %add3A_1314 = vector.broadcast %add3A_1313 : i32 to vector<16xi32>
      %add3A_1315 = arith.addi %add3A_1312, %add3A_1314 : vector<16xi32>
      %mul3A_1316 = arith.constant 7 : i32
      %mul3A_1317 = vector.broadcast %mul3A_1316 : i32 to vector<16xi32>
      %mul3A_1318 = arith.muli %select_n3A_1270, %mul3A_1317 : vector<16xi32>
      %add3A_1319 = arith.addi %mul3A_1318, %select_n3A_1280 : vector<16xi32>
      %mul3A_1320 = arith.constant 3 : i32
      %mul3A_1321 = vector.broadcast %mul3A_1320 : i32 to vector<16xi32>
      %mul3A_1322 = arith.muli %add3A_1319, %mul3A_1321 : vector<16xi32>
      %add3A_1323 = arith.addi %mul3A_1322, %select_n3A_1290 : vector<16xi32>
      %mul3A_1324 = arith.constant 3 : i32
      %mul3A_1325 = vector.broadcast %mul3A_1324 : i32 to vector<16xi32>
      %mul3A_1326 = arith.muli %add3A_1323, %mul3A_1325 : vector<16xi32>
      %add3A_1327 = arith.addi %mul3A_1326, %select_n3A_1300 : vector<16xi32>
      %add3A_1328 = arith.constant 3059 : i32
      %add3A_1329 = vector.broadcast %add3A_1328 : i32 to vector<16xi32>
      %add3A_1330 = arith.addi %add3A_1327, %add3A_1329 : vector<16xi32>
      %swap3A_1331 = arith.constant 1 : i32
      %swap3A_1332 = arith.index_cast %swap3A_1331 : i32 to index
      %swap3A_1333 = arith.constant 32 : index
      %swap3A_1334 = tpu.vector_load %arg6[%swap3A_1332, %swap3A_1333] {strides = array<i32>} : memref<2x64xi32, #tpu.memory_space<vmem>>, vector<1x16xi32>,
      %swap3A_1335 = vector.shape_cast %swap3A_1334 : vector<1x16xi32> to vector<16xi32>
      %swap3A_1336 = vector.shape_cast %add3A_1304 : vector<16xi32> to vector<1x16xi32>
      tpu.vector_store %arg6[%swap3A_1332, %swap3A_1333], %swap3A_1336 {strides = array<i32>} : memref<2x64xi32, #tpu.memory_space<vmem>>, vector<1x16xi32>,
      %swap3A_1337 = arith.constant 1 : i32
      %swap3A_1338 = arith.index_cast %swap3A_1337 : i32 to index
      %swap3A_1339 = arith.constant 32 : index
      %swap3A_1340 = tpu.vector_load %arg7[%swap3A_1338, %swap3A_1339] {strides = array<i32>} : memref<2x64xi32, #tpu.memory_space<vmem>>, vector<1x16xi32>,
      %swap3A_1341 = vector.shape_cast %swap3A_1340 : vector<1x16xi32> to vector<16xi32>
      %swap3A_1342 = vector.shape_cast %add3A_1315 : vector<16xi32> to vector<1x16xi32>
      tpu.vector_store %arg7[%swap3A_1338, %swap3A_1339], %swap3A_1342 {strides = array<i32>} : memref<2x64xi32, #tpu.memory_space<vmem>>, vector<1x16xi32>,
      %swap3A_1343 = arith.constant 1 : i32
      %swap3A_1344 = arith.index_cast %swap3A_1343 : i32 to index
      %swap3A_1345 = arith.constant 32 : index
      %swap3A_1346 = tpu.vector_load %arg8[%swap3A_1344, %swap3A_1345] {strides = array<i32>} : memref<2x64xi32, #tpu.memory_space<vmem>>, vector<1x16xi32>,
      %swap3A_1347 = vector.shape_cast %swap3A_1346 : vector<1x16xi32> to vector<16xi32>
      %swap3A_1348 = vector.shape_cast %add3A_1330 : vector<16xi32> to vector<1x16xi32>
      tpu.vector_store %arg8[%swap3A_1344, %swap3A_1345], %swap3A_1348 {strides = array<i32>} : memref<2x64xi32, #tpu.memory_space<vmem>>, vector<1x16xi32>,
      %mul3A_1349 = arith.constant 64 : i32
      %mul3A_1350 = arith.muli %add3A_787, %mul3A_1349 : i32
      %add3A_1351 = arith.constant 48 : i32
      %add3A_1352 = arith.addi %mul3A_1350, %add3A_1351 : i32
      %get3A_1353 = arith.constant 0 : i32
      %get3A_1354 = arith.index_cast %get3A_1353 : i32 to index
      %get3A_1355 = arith.index_cast %add3A_1352 : i32 to index
      %get3A_1356 = tpu.vector_load %arg5[%get3A_1354, %get3A_1355] {strides = array<i32>} : memref<9x3200xi32, #tpu.memory_space<vmem>>, vector<1x16xi32>,
      %get3A_1357 = vector.shape_cast %get3A_1356 : vector<1x16xi32> to vector<16xi32>
      %get3A_1358 = arith.constant 1 : i32
      %get3A_1359 = arith.index_cast %get3A_1358 : i32 to index
      %get3A_1360 = arith.index_cast %add3A_1352 : i32 to index
      %get3A_1361 = tpu.vector_load %arg5[%get3A_1359, %get3A_1360] {strides = array<i32>} : memref<9x3200xi32, #tpu.memory_space<vmem>>, vector<1x16xi32>,
      %get3A_1362 = vector.shape_cast %get3A_1361 : vector<1x16xi32> to vector<16xi32>
      %get3A_1363 = arith.constant 2 : i32
      %get3A_1364 = arith.index_cast %get3A_1363 : i32 to index
      %get3A_1365 = arith.index_cast %add3A_1352 : i32 to index
      %get3A_1366 = tpu.vector_load %arg5[%get3A_1364, %get3A_1365] {strides = array<i32>} : memref<9x3200xi32, #tpu.memory_space<vmem>>, vector<1x16xi32>,
      %get3A_1367 = vector.shape_cast %get3A_1366 : vector<1x16xi32> to vector<16xi32>
      %get3A_1368 = arith.constant 3 : i32
      %get3A_1369 = arith.index_cast %get3A_1368 : i32 to index
      %get3A_1370 = arith.index_cast %add3A_1352 : i32 to index
      %get3A_1371 = tpu.vector_load %arg5[%get3A_1369, %get3A_1370] {strides = array<i32>} : memref<9x3200xi32, #tpu.memory_space<vmem>>, vector<1x16xi32>,
      %get3A_1372 = vector.shape_cast %get3A_1371 : vector<1x16xi32> to vector<16xi32>
      %get3A_1373 = arith.constant 4 : i32
      %get3A_1374 = arith.index_cast %get3A_1373 : i32 to index
      %get3A_1375 = arith.index_cast %add3A_1352 : i32 to index
      %get3A_1376 = tpu.vector_load %arg5[%get3A_1374, %get3A_1375] {strides = array<i32>} : memref<9x3200xi32, #tpu.memory_space<vmem>>, vector<1x16xi32>,
      %get3A_1377 = vector.shape_cast %get3A_1376 : vector<1x16xi32> to vector<16xi32>
      %get3A_1378 = arith.constant 5 : i32
      %get3A_1379 = arith.index_cast %get3A_1378 : i32 to index
      %get3A_1380 = arith.index_cast %add3A_1352 : i32 to index
      %get3A_1381 = tpu.vector_load %arg5[%get3A_1379, %get3A_1380] {strides = array<i32>} : memref<9x3200xi32, #tpu.memory_space<vmem>>, vector<1x16xi32>,
      %get3A_1382 = vector.shape_cast %get3A_1381 : vector<1x16xi32> to vector<16xi32>
      %get3A_1383 = arith.constant 6 : i32
      %get3A_1384 = arith.index_cast %get3A_1383 : i32 to index
      %get3A_1385 = arith.index_cast %add3A_1352 : i32 to index
      %get3A_1386 = tpu.vector_load %arg5[%get3A_1384, %get3A_1385] {strides = array<i32>} : memref<9x3200xi32, #tpu.memory_space<vmem>>, vector<1x16xi32>,
      %get3A_1387 = vector.shape_cast %get3A_1386 : vector<1x16xi32> to vector<16xi32>
      %get3A_1388 = arith.constant 7 : i32
      %get3A_1389 = arith.index_cast %get3A_1388 : i32 to index
      %get3A_1390 = arith.index_cast %add3A_1352 : i32 to index
      %get3A_1391 = tpu.vector_load %arg5[%get3A_1389, %get3A_1390] {strides = array<i32>} : memref<9x3200xi32, #tpu.memory_space<vmem>>, vector<1x16xi32>,
      %get3A_1392 = vector.shape_cast %get3A_1391 : vector<1x16xi32> to vector<16xi32>
      %get3A_1393 = arith.constant 8 : i32
      %get3A_1394 = arith.index_cast %get3A_1393 : i32 to index
      %get3A_1395 = arith.index_cast %add3A_1352 : i32 to index
      %get3A_1396 = tpu.vector_load %arg5[%get3A_1394, %get3A_1395] {strides = array<i32>} : memref<9x3200xi32, #tpu.memory_space<vmem>>, vector<1x16xi32>,
      %get3A_1397 = vector.shape_cast %get3A_1396 : vector<1x16xi32> to vector<16xi32>
      %lt3A_1398 = arith.constant 0 : i32
      %lt3A_1399 = vector.broadcast %lt3A_1398 : i32 to vector<16xi32>
      %lt3A_1400 = arith.cmpi slt, %get3A_1357, %lt3A_1399 : vector<16xi32>
      %ge3A_1401 = arith.constant 119 : i32
      %ge3A_1402 = vector.broadcast %ge3A_1401 : i32 to vector<16xi32>
      %ge3A_1403 = arith.cmpi sge, %get3A_1357, %ge3A_1402 : vector<16xi32>
      %or3A_1404 = arith.ori %lt3A_1400, %ge3A_1403 : vector<16xi1>
      %jit3A_1405 = arith.constant 119 : i32
      %broadcast_in_dim3A_1406 = vector.broadcast %jit3A_1405 : i32 to vector<16xi32>
      %select_n3A_1407 = arith.select %or3A_1404, %broadcast_in_dim3A_1406, %get3A_1357 : vector<16xi1>, vector<16xi32>
      %lt3A_1408 = arith.constant 0 : i32
      %lt3A_1409 = vector.broadcast %lt3A_1408 : i32 to vector<16xi32>
      %lt3A_1410 = arith.cmpi slt, %get3A_1362, %lt3A_1409 : vector<16xi32>
      %ge3A_1411 = arith.constant 9 : i32
      %ge3A_1412 = vector.broadcast %ge3A_1411 : i32 to vector<16xi32>
      %ge3A_1413 = arith.cmpi sge, %get3A_1362, %ge3A_1412 : vector<16xi32>
      %or3A_1414 = arith.ori %lt3A_1410, %ge3A_1413 : vector<16xi1>
      %jit3A_1415 = arith.constant 9 : i32
      %broadcast_in_dim3A_1416 = vector.broadcast %jit3A_1415 : i32 to vector<16xi32>
      %select_n3A_1417 = arith.select %or3A_1414, %broadcast_in_dim3A_1416, %get3A_1362 : vector<16xi1>, vector<16xi32>
      %lt3A_1418 = arith.constant 0 : i32
      %lt3A_1419 = vector.broadcast %lt3A_1418 : i32 to vector<16xi32>
      %lt3A_1420 = arith.cmpi slt, %get3A_1367, %lt3A_1419 : vector<16xi32>
      %ge3A_1421 = arith.constant 12 : i32
      %ge3A_1422 = vector.broadcast %ge3A_1421 : i32 to vector<16xi32>
      %ge3A_1423 = arith.cmpi sge, %get3A_1367, %ge3A_1422 : vector<16xi32>
      %or3A_1424 = arith.ori %lt3A_1420, %ge3A_1423 : vector<16xi1>
      %jit3A_1425 = arith.constant 12 : i32
      %broadcast_in_dim3A_1426 = vector.broadcast %jit3A_1425 : i32 to vector<16xi32>
      %select_n3A_1427 = arith.select %or3A_1424, %broadcast_in_dim3A_1426, %get3A_1367 : vector<16xi1>, vector<16xi32>
      %lt3A_1428 = arith.constant 0 : i32
      %lt3A_1429 = vector.broadcast %lt3A_1428 : i32 to vector<16xi32>
      %lt3A_1430 = arith.cmpi slt, %get3A_1372, %lt3A_1429 : vector<16xi32>
      %ge3A_1431 = arith.constant 12 : i32
      %ge3A_1432 = vector.broadcast %ge3A_1431 : i32 to vector<16xi32>
      %ge3A_1433 = arith.cmpi sge, %get3A_1372, %ge3A_1432 : vector<16xi32>
      %or3A_1434 = arith.ori %lt3A_1430, %ge3A_1433 : vector<16xi1>
      %jit3A_1435 = arith.constant 12 : i32
      %broadcast_in_dim3A_1436 = vector.broadcast %jit3A_1435 : i32 to vector<16xi32>
      %select_n3A_1437 = arith.select %or3A_1434, %broadcast_in_dim3A_1436, %get3A_1372 : vector<16xi1>, vector<16xi32>
      %lt3A_1438 = arith.constant 0 : i32
      %lt3A_1439 = vector.broadcast %lt3A_1438 : i32 to vector<16xi32>
      %lt3A_1440 = arith.cmpi slt, %get3A_1377, %lt3A_1439 : vector<16xi32>
      %ge3A_1441 = arith.constant 10 : i32
      %ge3A_1442 = vector.broadcast %ge3A_1441 : i32 to vector<16xi32>
      %ge3A_1443 = arith.cmpi sge, %get3A_1377, %ge3A_1442 : vector<16xi32>
      %or3A_1444 = arith.ori %lt3A_1440, %ge3A_1443 : vector<16xi1>
      %jit3A_1445 = arith.constant 10 : i32
      %broadcast_in_dim3A_1446 = vector.broadcast %jit3A_1445 : i32 to vector<16xi32>
      %select_n3A_1447 = arith.select %or3A_1444, %broadcast_in_dim3A_1446, %get3A_1377 : vector<16xi1>, vector<16xi32>
      %lt3A_1448 = arith.constant 0 : i32
      %lt3A_1449 = vector.broadcast %lt3A_1448 : i32 to vector<16xi32>
      %lt3A_1450 = arith.cmpi slt, %get3A_1382, %lt3A_1449 : vector<16xi32>
      %ge3A_1451 = arith.constant 6 : i32
      %ge3A_1452 = vector.broadcast %ge3A_1451 : i32 to vector<16xi32>
      %ge3A_1453 = arith.cmpi sge, %get3A_1382, %ge3A_1452 : vector<16xi32>
      %or3A_1454 = arith.ori %lt3A_1450, %ge3A_1453 : vector<16xi1>
      %jit3A_1455 = arith.constant 6 : i32
      %broadcast_in_dim3A_1456 = vector.broadcast %jit3A_1455 : i32 to vector<16xi32>
      %select_n3A_1457 = arith.select %or3A_1454, %broadcast_in_dim3A_1456, %get3A_1382 : vector<16xi1>, vector<16xi32>
      %lt3A_1458 = arith.constant 0 : i32
      %lt3A_1459 = vector.broadcast %lt3A_1458 : i32 to vector<16xi32>
      %lt3A_1460 = arith.cmpi slt, %get3A_1387, %lt3A_1459 : vector<16xi32>
      %ge3A_1461 = arith.constant 6 : i32
      %ge3A_1462 = vector.broadcast %ge3A_1461 : i32 to vector<16xi32>
      %ge3A_1463 = arith.cmpi sge, %get3A_1387, %ge3A_1462 : vector<16xi32>
      %or3A_1464 = arith.ori %lt3A_1460, %ge3A_1463 : vector<16xi1>
      %jit3A_1465 = arith.constant 6 : i32
      %broadcast_in_dim3A_1466 = vector.broadcast %jit3A_1465 : i32 to vector<16xi32>
      %select_n3A_1467 = arith.select %or3A_1464, %broadcast_in_dim3A_1466, %get3A_1387 : vector<16xi1>, vector<16xi32>
      %lt3A_1468 = arith.constant 0 : i32
      %lt3A_1469 = vector.broadcast %lt3A_1468 : i32 to vector<16xi32>
      %lt3A_1470 = arith.cmpi slt, %get3A_1392, %lt3A_1469 : vector<16xi32>
      %ge3A_1471 = arith.constant 2 : i32
      %ge3A_1472 = vector.broadcast %ge3A_1471 : i32 to vector<16xi32>
      %ge3A_1473 = arith.cmpi sge, %get3A_1392, %ge3A_1472 : vector<16xi32>
      %or3A_1474 = arith.ori %lt3A_1470, %ge3A_1473 : vector<16xi1>
      %jit3A_1475 = arith.constant 2 : i32
      %broadcast_in_dim3A_1476 = vector.broadcast %jit3A_1475 : i32 to vector<16xi32>
      %select_n3A_1477 = arith.select %or3A_1474, %broadcast_in_dim3A_1476, %get3A_1392 : vector<16xi1>, vector<16xi32>
      %lt3A_1478 = arith.constant 0 : i32
      %lt3A_1479 = vector.broadcast %lt3A_1478 : i32 to vector<16xi32>
      %lt3A_1480 = arith.cmpi slt, %get3A_1397, %lt3A_1479 : vector<16xi32>
      %ge3A_1481 = arith.constant 2 : i32
      %ge3A_1482 = vector.broadcast %ge3A_1481 : i32 to vector<16xi32>
      %ge3A_1483 = arith.cmpi sge, %get3A_1397, %ge3A_1482 : vector<16xi32>
      %or3A_1484 = arith.ori %lt3A_1480, %ge3A_1483 : vector<16xi1>
      %jit3A_1485 = arith.constant 2 : i32
      %broadcast_in_dim3A_1486 = vector.broadcast %jit3A_1485 : i32 to vector<16xi32>
      %select_n3A_1487 = arith.select %or3A_1484, %broadcast_in_dim3A_1486, %get3A_1397 : vector<16xi1>, vector<16xi32>
      %mul3A_1488 = arith.constant 10 : i32
      %mul3A_1489 = vector.broadcast %mul3A_1488 : i32 to vector<16xi32>
      %mul3A_1490 = arith.muli %select_n3A_1407, %mul3A_1489 : vector<16xi32>
      %add3A_1491 = arith.addi %mul3A_1490, %select_n3A_1417 : vector<16xi32>
      %mul3A_1492 = arith.constant 13 : i32
      %mul3A_1493 = vector.broadcast %mul3A_1492 : i32 to vector<16xi32>
      %mul3A_1494 = arith.muli %select_n3A_1427, %mul3A_1493 : vector<16xi32>
      %add3A_1495 = arith.addi %mul3A_1494, %select_n3A_1437 : vector<16xi32>
      %mul3A_1496 = arith.constant 11 : i32
      %mul3A_1497 = vector.broadcast %mul3A_1496 : i32 to vector<16xi32>
      %mul3A_1498 = arith.muli %add3A_1495, %mul3A_1497 : vector<16xi32>
      %add3A_1499 = arith.addi %mul3A_1498, %select_n3A_1447 : vector<16xi32>
      %add3A_1500 = arith.constant 1200 : i32
      %add3A_1501 = vector.broadcast %add3A_1500 : i32 to vector<16xi32>
      %add3A_1502 = arith.addi %add3A_1499, %add3A_1501 : vector<16xi32>
      %mul3A_1503 = arith.constant 7 : i32
      %mul3A_1504 = vector.broadcast %mul3A_1503 : i32 to vector<16xi32>
      %mul3A_1505 = arith.muli %select_n3A_1457, %mul3A_1504 : vector<16xi32>
      %add3A_1506 = arith.addi %mul3A_1505, %select_n3A_1467 : vector<16xi32>
      %mul3A_1507 = arith.constant 3 : i32
      %mul3A_1508 = vector.broadcast %mul3A_1507 : i32 to vector<16xi32>
      %mul3A_1509 = arith.muli %add3A_1506, %mul3A_1508 : vector<16xi32>
      %add3A_1510 = arith.addi %mul3A_1509, %select_n3A_1477 : vector<16xi32>
      %mul3A_1511 = arith.constant 3 : i32
      %mul3A_1512 = vector.broadcast %mul3A_1511 : i32 to vector<16xi32>
      %mul3A_1513 = arith.muli %add3A_1510, %mul3A_1512 : vector<16xi32>
      %add3A_1514 = arith.addi %mul3A_1513, %select_n3A_1487 : vector<16xi32>
      %add3A_1515 = arith.constant 3059 : i32
      %add3A_1516 = vector.broadcast %add3A_1515 : i32 to vector<16xi32>
      %add3A_1517 = arith.addi %add3A_1514, %add3A_1516 : vector<16xi32>
      %swap3A_1518 = arith.constant 1 : i32
      %swap3A_1519 = arith.index_cast %swap3A_1518 : i32 to index
      %swap3A_1520 = arith.constant 48 : index
      %swap3A_1521 = tpu.vector_load %arg6[%swap3A_1519, %swap3A_1520] {strides = array<i32>} : memref<2x64xi32, #tpu.memory_space<vmem>>, vector<1x16xi32>,
      %swap3A_1522 = vector.shape_cast %swap3A_1521 : vector<1x16xi32> to vector<16xi32>
      %swap3A_1523 = vector.shape_cast %add3A_1491 : vector<16xi32> to vector<1x16xi32>
      tpu.vector_store %arg6[%swap3A_1519, %swap3A_1520], %swap3A_1523 {strides = array<i32>} : memref<2x64xi32, #tpu.memory_space<vmem>>, vector<1x16xi32>,
      %swap3A_1524 = arith.constant 1 : i32
      %swap3A_1525 = arith.index_cast %swap3A_1524 : i32 to index
      %swap3A_1526 = arith.constant 48 : index
      %swap3A_1527 = tpu.vector_load %arg7[%swap3A_1525, %swap3A_1526] {strides = array<i32>} : memref<2x64xi32, #tpu.memory_space<vmem>>, vector<1x16xi32>,
      %swap3A_1528 = vector.shape_cast %swap3A_1527 : vector<1x16xi32> to vector<16xi32>
      %swap3A_1529 = vector.shape_cast %add3A_1502 : vector<16xi32> to vector<1x16xi32>
      tpu.vector_store %arg7[%swap3A_1525, %swap3A_1526], %swap3A_1529 {strides = array<i32>} : memref<2x64xi32, #tpu.memory_space<vmem>>, vector<1x16xi32>,
      %swap3A_1530 = arith.constant 1 : i32
      %swap3A_1531 = arith.index_cast %swap3A_1530 : i32 to index
      %swap3A_1532 = arith.constant 48 : index
      %swap3A_1533 = tpu.vector_load %arg8[%swap3A_1531, %swap3A_1532] {strides = array<i32>} : memref<2x64xi32, #tpu.memory_space<vmem>>, vector<1x16xi32>,
      %swap3A_1534 = vector.shape_cast %swap3A_1533 : vector<1x16xi32> to vector<16xi32>
      %swap3A_1535 = vector.shape_cast %add3A_1517 : vector<16xi32> to vector<1x16xi32>
      tpu.vector_store %arg8[%swap3A_1531, %swap3A_1532], %swap3A_1535 {strides = array<i32>} : memref<2x64xi32, #tpu.memory_space<vmem>>, vector<1x16xi32>,
      %ge3A_1536 = arith.constant 1 : i32
      %ge3A_1537 = arith.cmpi sge, %scan3A_783, %ge3A_1536 : i32
      %convert_element_type3A_1538 = arith.extui %ge3A_1537 : i1 to i32
      %cond3A_1539 = arith.constant 0 : i32
      %cond3A_1540 = arith.cmpi ne, %convert_element_type3A_1538, %cond3A_1539 : i32
      scf.if %cond3A_1540 {
        %mul3A_1709 = arith.constant 2 : i32
        %mul3A_1710 = arith.muli %mul3A_1709, %scan3A_783 : i32
        %sub3A = arith.constant 1 : i32
        %sub3A_1711 = arith.subi %mul3A_1710, %sub3A : i32
        %mul3A_1712 = arith.constant 64 : i32
        %mul3A_1713 = arith.muli %sub3A_1711, %mul3A_1712 : i32
        %add3A_1714 = arith.addi %mul3A_2, %mul3A_1713 : i32
        %dma_wait3A_1715 = arith.constant 1 : i32
        %dma_wait3A_1716 = arith.constant 0 : i32
        %dma_wait3A_1717 = arith.constant 0 : i32
        %dma_wait3A_1718 = tpu.memref_slice %arg9[%dma_wait3A_1715, %dma_wait3A_1716, %dma_wait3A_1717] : memref<2x64x128xf32, #tpu.memory_space<vmem>> -> memref<1x64x128xf32, #tpu.memory_space<vmem>>
        %dma_wait3A_1719 = tpu.memref_squeeze %dma_wait3A_1718 : memref<1x64x128xf32, #tpu.memory_space<vmem>> -> memref<64x128xf32, #tpu.memory_space<vmem>>
        %dma_wait3A_1720 = arith.constant 0 : i32
        %dma_wait3A_1721 = tpu.memref_slice %arg4[%add3A_1714, %dma_wait3A_1720] : memref<102400x128xf32, #tpu.memory_space<hbm>> -> memref<64x128xf32, #tpu.memory_space<hbm>>
        %dma_wait3A_1722 = arith.constant 0 : i32
        %dma_wait3A_1723 = tpu.memref_slice %arg4[%add3A_1714, %dma_wait3A_1722] : memref<102400x128xf32, #tpu.memory_space<hbm>> -> memref<64x128xf32, #tpu.memory_space<hbm>>
        %dma_wait3A_1724 = arith.constant 0 : i32
        %dma_wait3A_1725 = arith.constant 0 : i32
        %dma_wait3A_1726 = tpu.memref_slice %arg9[%dma_wait3A_1715, %dma_wait3A_1724, %dma_wait3A_1725] : memref<2x64x128xf32, #tpu.memory_space<vmem>> -> memref<1x64x128xf32, #tpu.memory_space<vmem>>
        %dma_wait3A_1727 = tpu.memref_squeeze %dma_wait3A_1726 : memref<1x64x128xf32, #tpu.memory_space<vmem>> -> memref<64x128xf32, #tpu.memory_space<vmem>>
        tpu.wait_dma2 semaphore(%arg16 : memref<!tpu.dma_semaphore, #tpu.memory_space<semaphore_mem>>) src(%dma_wait3A_1727 : memref<64x128xf32, #tpu.memory_space<vmem>>) dst(%dma_wait3A_1723 : memref<64x128xf32, #tpu.memory_space<hbm>>)
      } else {
      }
      %dma_start3A_1541 = arith.constant 1 : i32
      %dma_start3A_1542 = arith.constant 1 : i32
      %dma_start3A_1543 = arith.constant 0 : i32
      %dma_start3A_1544 = arith.constant 0 : i32
      %dma_start3A_1545 = tpu.memref_slice %arg9[%dma_start3A_1542, %dma_start3A_1543, %dma_start3A_1544] : memref<2x64x128xf32, #tpu.memory_space<vmem>> -> memref<1x64x128xf32, #tpu.memory_space<vmem>>
      %dma_start3A_1546 = tpu.memref_squeeze %dma_start3A_1545 : memref<1x64x128xf32, #tpu.memory_space<vmem>> -> memref<64x128xf32, #tpu.memory_space<vmem>>
      %dma_start3A_1547 = arith.constant 0 : i32
      %dma_start3A_1548 = tpu.memref_slice %arg6[%dma_start3A_1541, %dma_start3A_1547] : memref<2x64xi32, #tpu.memory_space<vmem>> -> memref<1x64xi32, #tpu.memory_space<vmem>>
      %dma_start3A_1549 = tpu.memref_squeeze %dma_start3A_1548 : memref<1x64xi32, #tpu.memory_space<vmem>> -> memref<64xi32, #tpu.memory_space<vmem>>
      %dma_start3A_1550 = arith.constant 0 : i32
      %dma_start3A_1551 = arith.constant 0 : i32
      %dma_start3A_1552 = tpu.memref_slice %arg12[%dma_start3A_1550, %dma_start3A_1551] : memref<3500x128xf32, #tpu.memory_space<vmem_shared>> -> memref<3500x128xf32, #tpu.memory_space<vmem_shared>>
      tpu.enqueue_indirect_dma source(%dma_start3A_1552 : memref<3500x128xf32, #tpu.memory_space<vmem_shared>>) target(%dma_start3A_1546 : memref<64x128xf32, #tpu.memory_space<vmem>>) offsets(%dma_start3A_1549 : memref<64xi32, #tpu.memory_space<vmem>>) semaphore(%arg14 : memref<!tpu.dma_semaphore, #tpu.memory_space<semaphore_mem>>)
      %dma_start3A_1553 = arith.constant 1 : i32
      %dma_start3A_1554 = arith.constant 1 : i32
      %dma_start3A_1555 = arith.constant 0 : i32
      %dma_start3A_1556 = arith.constant 0 : i32
      %dma_start3A_1557 = tpu.memref_slice %arg10[%dma_start3A_1554, %dma_start3A_1555, %dma_start3A_1556] : memref<2x64x128xf32, #tpu.memory_space<vmem>> -> memref<1x64x128xf32, #tpu.memory_space<vmem>>
      %dma_start3A_1558 = tpu.memref_squeeze %dma_start3A_1557 : memref<1x64x128xf32, #tpu.memory_space<vmem>> -> memref<64x128xf32, #tpu.memory_space<vmem>>
      %dma_start3A_1559 = arith.constant 0 : i32
      %dma_start3A_1560 = tpu.memref_slice %arg7[%dma_start3A_1553, %dma_start3A_1559] : memref<2x64xi32, #tpu.memory_space<vmem>> -> memref<1x64xi32, #tpu.memory_space<vmem>>
      %dma_start3A_1561 = tpu.memref_squeeze %dma_start3A_1560 : memref<1x64xi32, #tpu.memory_space<vmem>> -> memref<64xi32, #tpu.memory_space<vmem>>
      %dma_start3A_1562 = arith.constant 0 : i32
      %dma_start3A_1563 = arith.constant 0 : i32
      %dma_start3A_1564 = tpu.memref_slice %arg12[%dma_start3A_1562, %dma_start3A_1563] : memref<3500x128xf32, #tpu.memory_space<vmem_shared>> -> memref<3500x128xf32, #tpu.memory_space<vmem_shared>>
      tpu.enqueue_indirect_dma source(%dma_start3A_1564 : memref<3500x128xf32, #tpu.memory_space<vmem_shared>>) target(%dma_start3A_1558 : memref<64x128xf32, #tpu.memory_space<vmem>>) offsets(%dma_start3A_1561 : memref<64xi32, #tpu.memory_space<vmem>>) semaphore(%arg14 : memref<!tpu.dma_semaphore, #tpu.memory_space<semaphore_mem>>)
      %dma_start3A_1565 = arith.constant 1 : i32
      %dma_start3A_1566 = arith.constant 1 : i32
      %dma_start3A_1567 = arith.constant 0 : i32
      %dma_start3A_1568 = arith.constant 0 : i32
      %dma_start3A_1569 = tpu.memref_slice %arg11[%dma_start3A_1566, %dma_start3A_1567, %dma_start3A_1568] : memref<2x64x128xf32, #tpu.memory_space<vmem>> -> memref<1x64x128xf32, #tpu.memory_space<vmem>>
      %dma_start3A_1570 = tpu.memref_squeeze %dma_start3A_1569 : memref<1x64x128xf32, #tpu.memory_space<vmem>> -> memref<64x128xf32, #tpu.memory_space<vmem>>
      %dma_start3A_1571 = arith.constant 0 : i32
      %dma_start3A_1572 = tpu.memref_slice %arg8[%dma_start3A_1565, %dma_start3A_1571] : memref<2x64xi32, #tpu.memory_space<vmem>> -> memref<1x64xi32, #tpu.memory_space<vmem>>
      %dma_start3A_1573 = tpu.memref_squeeze %dma_start3A_1572 : memref<1x64xi32, #tpu.memory_space<vmem>> -> memref<64xi32, #tpu.memory_space<vmem>>
      %dma_start3A_1574 = arith.constant 0 : i32
      %dma_start3A_1575 = arith.constant 0 : i32
      %dma_start3A_1576 = tpu.memref_slice %arg12[%dma_start3A_1574, %dma_start3A_1575] : memref<3500x128xf32, #tpu.memory_space<vmem_shared>> -> memref<3500x128xf32, #tpu.memory_space<vmem_shared>>
      tpu.enqueue_indirect_dma source(%dma_start3A_1576 : memref<3500x128xf32, #tpu.memory_space<vmem_shared>>) target(%dma_start3A_1570 : memref<64x128xf32, #tpu.memory_space<vmem>>) offsets(%dma_start3A_1573 : memref<64xi32, #tpu.memory_space<vmem>>) semaphore(%arg14 : memref<!tpu.dma_semaphore, #tpu.memory_space<semaphore_mem>>)
      %mul3A_1577 = arith.constant 2 : i32
      %mul3A_1578 = arith.muli %mul3A_1577, %scan3A_783 : i32
      %dma_wait3A_1579 = arith.constant 0 : i32
      %dma_wait3A_1580 = arith.constant 0 : i32
      %dma_wait3A_1581 = arith.constant 0 : i32
      %dma_wait3A_1582 = arith.constant 0 : i32
      %dma_wait3A_1583 = tpu.memref_slice %arg9[%dma_wait3A_1580, %dma_wait3A_1581, %dma_wait3A_1582] : memref<2x64x128xf32, #tpu.memory_space<vmem>> -> memref<1x64x128xf32, #tpu.memory_space<vmem>>
      %dma_wait3A_1584 = tpu.memref_squeeze %dma_wait3A_1583 : memref<1x64x128xf32, #tpu.memory_space<vmem>> -> memref<64x128xf32, #tpu.memory_space<vmem>>
      %dma_wait3A_1585 = arith.constant 0 : i32
      %dma_wait3A_1586 = tpu.memref_slice %arg6[%dma_wait3A_1579, %dma_wait3A_1585] : memref<2x64xi32, #tpu.memory_space<vmem>> -> memref<1x64xi32, #tpu.memory_space<vmem>>
      %dma_wait3A_1587 = tpu.memref_squeeze %dma_wait3A_1586 : memref<1x64xi32, #tpu.memory_space<vmem>> -> memref<64xi32, #tpu.memory_space<vmem>>
      %dma_wait3A_1588 = arith.constant 0 : i32
      %dma_wait3A_1589 = arith.constant 0 : i32
      %dma_wait3A_1590 = tpu.memref_slice %arg12[%dma_wait3A_1588, %dma_wait3A_1589] : memref<3500x128xf32, #tpu.memory_space<vmem_shared>> -> memref<3500x128xf32, #tpu.memory_space<vmem_shared>>
      tpu.wait_indirect_dma semaphore(%arg13 : memref<!tpu.dma_semaphore, #tpu.memory_space<semaphore_mem>>) src(%dma_wait3A_1590 : memref<3500x128xf32, #tpu.memory_space<vmem_shared>>) dst(%dma_wait3A_1584 : memref<64x128xf32, #tpu.memory_space<vmem>>)
      %dma_wait3A_1591 = arith.constant 0 : i32
      %dma_wait3A_1592 = arith.constant 0 : i32
      %dma_wait3A_1593 = arith.constant 0 : i32
      %dma_wait3A_1594 = arith.constant 0 : i32
      %dma_wait3A_1595 = tpu.memref_slice %arg10[%dma_wait3A_1592, %dma_wait3A_1593, %dma_wait3A_1594] : memref<2x64x128xf32, #tpu.memory_space<vmem>> -> memref<1x64x128xf32, #tpu.memory_space<vmem>>
      %dma_wait3A_1596 = tpu.memref_squeeze %dma_wait3A_1595 : memref<1x64x128xf32, #tpu.memory_space<vmem>> -> memref<64x128xf32, #tpu.memory_space<vmem>>
      %dma_wait3A_1597 = arith.constant 0 : i32
      %dma_wait3A_1598 = tpu.memref_slice %arg7[%dma_wait3A_1591, %dma_wait3A_1597] : memref<2x64xi32, #tpu.memory_space<vmem>> -> memref<1x64xi32, #tpu.memory_space<vmem>>
      %dma_wait3A_1599 = tpu.memref_squeeze %dma_wait3A_1598 : memref<1x64xi32, #tpu.memory_space<vmem>> -> memref<64xi32, #tpu.memory_space<vmem>>
      %dma_wait3A_1600 = arith.constant 0 : i32
      %dma_wait3A_1601 = arith.constant 0 : i32
      %dma_wait3A_1602 = tpu.memref_slice %arg12[%dma_wait3A_1600, %dma_wait3A_1601] : memref<3500x128xf32, #tpu.memory_space<vmem_shared>> -> memref<3500x128xf32, #tpu.memory_space<vmem_shared>>
      tpu.wait_indirect_dma semaphore(%arg13 : memref<!tpu.dma_semaphore, #tpu.memory_space<semaphore_mem>>) src(%dma_wait3A_1602 : memref<3500x128xf32, #tpu.memory_space<vmem_shared>>) dst(%dma_wait3A_1596 : memref<64x128xf32, #tpu.memory_space<vmem>>)
      %dma_wait3A_1603 = arith.constant 0 : i32
      %dma_wait3A_1604 = arith.constant 0 : i32
      %dma_wait3A_1605 = arith.constant 0 : i32
      %dma_wait3A_1606 = arith.constant 0 : i32
      %dma_wait3A_1607 = tpu.memref_slice %arg11[%dma_wait3A_1604, %dma_wait3A_1605, %dma_wait3A_1606] : memref<2x64x128xf32, #tpu.memory_space<vmem>> -> memref<1x64x128xf32, #tpu.memory_space<vmem>>
      %dma_wait3A_1608 = tpu.memref_squeeze %dma_wait3A_1607 : memref<1x64x128xf32, #tpu.memory_space<vmem>> -> memref<64x128xf32, #tpu.memory_space<vmem>>
      %dma_wait3A_1609 = arith.constant 0 : i32
      %dma_wait3A_1610 = tpu.memref_slice %arg8[%dma_wait3A_1603, %dma_wait3A_1609] : memref<2x64xi32, #tpu.memory_space<vmem>> -> memref<1x64xi32, #tpu.memory_space<vmem>>
      %dma_wait3A_1611 = tpu.memref_squeeze %dma_wait3A_1610 : memref<1x64xi32, #tpu.memory_space<vmem>> -> memref<64xi32, #tpu.memory_space<vmem>>
      %dma_wait3A_1612 = arith.constant 0 : i32
      %dma_wait3A_1613 = arith.constant 0 : i32
      %dma_wait3A_1614 = tpu.memref_slice %arg12[%dma_wait3A_1612, %dma_wait3A_1613] : memref<3500x128xf32, #tpu.memory_space<vmem_shared>> -> memref<3500x128xf32, #tpu.memory_space<vmem_shared>>
      tpu.wait_indirect_dma semaphore(%arg13 : memref<!tpu.dma_semaphore, #tpu.memory_space<semaphore_mem>>) src(%dma_wait3A_1614 : memref<3500x128xf32, #tpu.memory_space<vmem_shared>>) dst(%dma_wait3A_1608 : memref<64x128xf32, #tpu.memory_space<vmem>>)
      %scan3A_1615 = arith.constant 0 : i32
      %scan3A_1616 = arith.constant 0 : i32
      %scan3A_1617 = arith.constant 64 : i32
      %scan3A_1618 = arith.addi %scan3A_1616, %scan3A_1617 : i32
      %scan3A_1619 = arith.constant 1 : i32
      scf.for %scan3A_1709 = %scan3A_1616 to %scan3A_1618 step %scan3A_1619  : i32 {
        %get3A_1710 = arith.constant 0 : i32
        %get3A_1711 = arith.index_cast %get3A_1710 : i32 to index
        %get3A_1712 = arith.index_cast %scan3A_1709 : i32 to index
        %get3A_1713 = arith.constant 0 : index
        %get3A_1714 = tpu.vector_load %arg9[%get3A_1711, %get3A_1712, %get3A_1713] {strides = array<i32>} : memref<2x64x128xf32, #tpu.memory_space<vmem>>, vector<1x1x16xf32>,
        %get3A_1715 = vector.shape_cast %get3A_1714 : vector<1x1x16xf32> to vector<16xf32>
        %get3A_1716 = arith.constant 0 : i32
        %get3A_1717 = arith.index_cast %get3A_1716 : i32 to index
        %get3A_1718 = arith.index_cast %scan3A_1709 : i32 to index
        %get3A_1719 = arith.constant 0 : index
        %get3A_1720 = tpu.vector_load %arg10[%get3A_1717, %get3A_1718, %get3A_1719] {strides = array<i32>} : memref<2x64x128xf32, #tpu.memory_space<vmem>>, vector<1x1x16xf32>,
        %get3A_1721 = vector.shape_cast %get3A_1720 : vector<1x1x16xf32> to vector<16xf32>
        %add3A_1722 = arith.addf %get3A_1715, %get3A_1721 : vector<16xf32>
        %get3A_1723 = arith.constant 0 : i32
        %get3A_1724 = arith.index_cast %get3A_1723 : i32 to index
        %get3A_1725 = arith.index_cast %scan3A_1709 : i32 to index
        %get3A_1726 = arith.constant 0 : index
        %get3A_1727 = tpu.vector_load %arg11[%get3A_1724, %get3A_1725, %get3A_1726] {strides = array<i32>} : memref<2x64x128xf32, #tpu.memory_space<vmem>>, vector<1x1x16xf32>,
        %get3A_1728 = vector.shape_cast %get3A_1727 : vector<1x1x16xf32> to vector<16xf32>
        %add3A_1729 = arith.addf %add3A_1722, %get3A_1728 : vector<16xf32>
        %swap3A_1730 = arith.constant 0 : i32
        %swap3A_1731 = arith.index_cast %swap3A_1730 : i32 to index
        %swap3A_1732 = arith.index_cast %scan3A_1709 : i32 to index
        %swap3A_1733 = arith.constant 0 : index
        %swap3A_1734 = tpu.vector_load %arg9[%swap3A_1731, %swap3A_1732, %swap3A_1733] {strides = array<i32>} : memref<2x64x128xf32, #tpu.memory_space<vmem>>, vector<1x1x16xf32>,
        %swap3A_1735 = vector.shape_cast %swap3A_1734 : vector<1x1x16xf32> to vector<16xf32>
        %swap3A_1736 = vector.shape_cast %add3A_1729 : vector<16xf32> to vector<1x1x16xf32>
        tpu.vector_store %arg9[%swap3A_1731, %swap3A_1732, %swap3A_1733], %swap3A_1736 {strides = array<i32>} : memref<2x64x128xf32, #tpu.memory_space<vmem>>, vector<1x1x16xf32>,
        %get3A_1737 = arith.constant 0 : i32
        %get3A_1738 = arith.index_cast %get3A_1737 : i32 to index
        %get3A_1739 = arith.index_cast %scan3A_1709 : i32 to index
        %get3A_1740 = arith.constant 16 : index
        %get3A_1741 = tpu.vector_load %arg9[%get3A_1738, %get3A_1739, %get3A_1740] {strides = array<i32>} : memref<2x64x128xf32, #tpu.memory_space<vmem>>, vector<1x1x16xf32>,
        %get3A_1742 = vector.shape_cast %get3A_1741 : vector<1x1x16xf32> to vector<16xf32>
        %get3A_1743 = arith.constant 0 : i32
        %get3A_1744 = arith.index_cast %get3A_1743 : i32 to index
        %get3A_1745 = arith.index_cast %scan3A_1709 : i32 to index
        %get3A_1746 = arith.constant 16 : index
        %get3A_1747 = tpu.vector_load %arg10[%get3A_1744, %get3A_1745, %get3A_1746] {strides = array<i32>} : memref<2x64x128xf32, #tpu.memory_space<vmem>>, vector<1x1x16xf32>,
        %get3A_1748 = vector.shape_cast %get3A_1747 : vector<1x1x16xf32> to vector<16xf32>
        %add3A_1749 = arith.addf %get3A_1742, %get3A_1748 : vector<16xf32>
        %get3A_1750 = arith.constant 0 : i32
        %get3A_1751 = arith.index_cast %get3A_1750 : i32 to index
        %get3A_1752 = arith.index_cast %scan3A_1709 : i32 to index
        %get3A_1753 = arith.constant 16 : index
        %get3A_1754 = tpu.vector_load %arg11[%get3A_1751, %get3A_1752, %get3A_1753] {strides = array<i32>} : memref<2x64x128xf32, #tpu.memory_space<vmem>>, vector<1x1x16xf32>,
        %get3A_1755 = vector.shape_cast %get3A_1754 : vector<1x1x16xf32> to vector<16xf32>
        %add3A_1756 = arith.addf %add3A_1749, %get3A_1755 : vector<16xf32>
        %swap3A_1757 = arith.constant 0 : i32
        %swap3A_1758 = arith.index_cast %swap3A_1757 : i32 to index
        %swap3A_1759 = arith.index_cast %scan3A_1709 : i32 to index
        %swap3A_1760 = arith.constant 16 : index
        %swap3A_1761 = tpu.vector_load %arg9[%swap3A_1758, %swap3A_1759, %swap3A_1760] {strides = array<i32>} : memref<2x64x128xf32, #tpu.memory_space<vmem>>, vector<1x1x16xf32>,
        %swap3A_1762 = vector.shape_cast %swap3A_1761 : vector<1x1x16xf32> to vector<16xf32>
        %swap3A_1763 = vector.shape_cast %add3A_1756 : vector<16xf32> to vector<1x1x16xf32>
        tpu.vector_store %arg9[%swap3A_1758, %swap3A_1759, %swap3A_1760], %swap3A_1763 {strides = array<i32>} : memref<2x64x128xf32, #tpu.memory_space<vmem>>, vector<1x1x16xf32>,
        %get3A_1764 = arith.constant 0 : i32
        %get3A_1765 = arith.index_cast %get3A_1764 : i32 to index
        %get3A_1766 = arith.index_cast %scan3A_1709 : i32 to index
        %get3A_1767 = arith.constant 32 : index
        %get3A_1768 = tpu.vector_load %arg9[%get3A_1765, %get3A_1766, %get3A_1767] {strides = array<i32>} : memref<2x64x128xf32, #tpu.memory_space<vmem>>, vector<1x1x16xf32>,
        %get3A_1769 = vector.shape_cast %get3A_1768 : vector<1x1x16xf32> to vector<16xf32>
        %get3A_1770 = arith.constant 0 : i32
        %get3A_1771 = arith.index_cast %get3A_1770 : i32 to index
        %get3A_1772 = arith.index_cast %scan3A_1709 : i32 to index
        %get3A_1773 = arith.constant 32 : index
        %get3A_1774 = tpu.vector_load %arg10[%get3A_1771, %get3A_1772, %get3A_1773] {strides = array<i32>} : memref<2x64x128xf32, #tpu.memory_space<vmem>>, vector<1x1x16xf32>,
        %get3A_1775 = vector.shape_cast %get3A_1774 : vector<1x1x16xf32> to vector<16xf32>
        %add3A_1776 = arith.addf %get3A_1769, %get3A_1775 : vector<16xf32>
        %get3A_1777 = arith.constant 0 : i32
        %get3A_1778 = arith.index_cast %get3A_1777 : i32 to index
        %get3A_1779 = arith.index_cast %scan3A_1709 : i32 to index
        %get3A_1780 = arith.constant 32 : index
        %get3A_1781 = tpu.vector_load %arg11[%get3A_1778, %get3A_1779, %get3A_1780] {strides = array<i32>} : memref<2x64x128xf32, #tpu.memory_space<vmem>>, vector<1x1x16xf32>,
        %get3A_1782 = vector.shape_cast %get3A_1781 : vector<1x1x16xf32> to vector<16xf32>
        %add3A_1783 = arith.addf %add3A_1776, %get3A_1782 : vector<16xf32>
        %swap3A_1784 = arith.constant 0 : i32
        %swap3A_1785 = arith.index_cast %swap3A_1784 : i32 to index
        %swap3A_1786 = arith.index_cast %scan3A_1709 : i32 to index
        %swap3A_1787 = arith.constant 32 : index
        %swap3A_1788 = tpu.vector_load %arg9[%swap3A_1785, %swap3A_1786, %swap3A_1787] {strides = array<i32>} : memref<2x64x128xf32, #tpu.memory_space<vmem>>, vector<1x1x16xf32>,
        %swap3A_1789 = vector.shape_cast %swap3A_1788 : vector<1x1x16xf32> to vector<16xf32>
        %swap3A_1790 = vector.shape_cast %add3A_1783 : vector<16xf32> to vector<1x1x16xf32>
        tpu.vector_store %arg9[%swap3A_1785, %swap3A_1786, %swap3A_1787], %swap3A_1790 {strides = array<i32>} : memref<2x64x128xf32, #tpu.memory_space<vmem>>, vector<1x1x16xf32>,
        %get3A_1791 = arith.constant 0 : i32
        %get3A_1792 = arith.index_cast %get3A_1791 : i32 to index
        %get3A_1793 = arith.index_cast %scan3A_1709 : i32 to index
        %get3A_1794 = arith.constant 48 : index
        %get3A_1795 = tpu.vector_load %arg9[%get3A_1792, %get3A_1793, %get3A_1794] {strides = array<i32>} : memref<2x64x128xf32, #tpu.memory_space<vmem>>, vector<1x1x16xf32>,
        %get3A_1796 = vector.shape_cast %get3A_1795 : vector<1x1x16xf32> to vector<16xf32>
        %get3A_1797 = arith.constant 0 : i32
        %get3A_1798 = arith.index_cast %get3A_1797 : i32 to index
        %get3A_1799 = arith.index_cast %scan3A_1709 : i32 to index
        %get3A_1800 = arith.constant 48 : index
        %get3A_1801 = tpu.vector_load %arg10[%get3A_1798, %get3A_1799, %get3A_1800] {strides = array<i32>} : memref<2x64x128xf32, #tpu.memory_space<vmem>>, vector<1x1x16xf32>,
        %get3A_1802 = vector.shape_cast %get3A_1801 : vector<1x1x16xf32> to vector<16xf32>
        %add3A_1803 = arith.addf %get3A_1796, %get3A_1802 : vector<16xf32>
        %get3A_1804 = arith.constant 0 : i32
        %get3A_1805 = arith.index_cast %get3A_1804 : i32 to index
        %get3A_1806 = arith.index_cast %scan3A_1709 : i32 to index
        %get3A_1807 = arith.constant 48 : index
        %get3A_1808 = tpu.vector_load %arg11[%get3A_1805, %get3A_1806, %get3A_1807] {strides = array<i32>} : memref<2x64x128xf32, #tpu.memory_space<vmem>>, vector<1x1x16xf32>,
        %get3A_1809 = vector.shape_cast %get3A_1808 : vector<1x1x16xf32> to vector<16xf32>
        %add3A_1810 = arith.addf %add3A_1803, %get3A_1809 : vector<16xf32>
        %swap3A_1811 = arith.constant 0 : i32
        %swap3A_1812 = arith.index_cast %swap3A_1811 : i32 to index
        %swap3A_1813 = arith.index_cast %scan3A_1709 : i32 to index
        %swap3A_1814 = arith.constant 48 : index
        %swap3A_1815 = tpu.vector_load %arg9[%swap3A_1812, %swap3A_1813, %swap3A_1814] {strides = array<i32>} : memref<2x64x128xf32, #tpu.memory_space<vmem>>, vector<1x1x16xf32>,
        %swap3A_1816 = vector.shape_cast %swap3A_1815 : vector<1x1x16xf32> to vector<16xf32>
        %swap3A_1817 = vector.shape_cast %add3A_1810 : vector<16xf32> to vector<1x1x16xf32>
        tpu.vector_store %arg9[%swap3A_1812, %swap3A_1813, %swap3A_1814], %swap3A_1817 {strides = array<i32>} : memref<2x64x128xf32, #tpu.memory_space<vmem>>, vector<1x1x16xf32>,
        %get3A_1818 = arith.constant 0 : i32
        %get3A_1819 = arith.index_cast %get3A_1818 : i32 to index
        %get3A_1820 = arith.index_cast %scan3A_1709 : i32 to index
        %get3A_1821 = arith.constant 64 : index
        %get3A_1822 = tpu.vector_load %arg9[%get3A_1819, %get3A_1820, %get3A_1821] {strides = array<i32>} : memref<2x64x128xf32, #tpu.memory_space<vmem>>, vector<1x1x16xf32>,
        %get3A_1823 = vector.shape_cast %get3A_1822 : vector<1x1x16xf32> to vector<16xf32>
        %get3A_1824 = arith.constant 0 : i32
        %get3A_1825 = arith.index_cast %get3A_1824 : i32 to index
        %get3A_1826 = arith.index_cast %scan3A_1709 : i32 to index
        %get3A_1827 = arith.constant 64 : index
        %get3A_1828 = tpu.vector_load %arg10[%get3A_1825, %get3A_1826, %get3A_1827] {strides = array<i32>} : memref<2x64x128xf32, #tpu.memory_space<vmem>>, vector<1x1x16xf32>,
        %get3A_1829 = vector.shape_cast %get3A_1828 : vector<1x1x16xf32> to vector<16xf32>
        %add3A_1830 = arith.addf %get3A_1823, %get3A_1829 : vector<16xf32>
        %get3A_1831 = arith.constant 0 : i32
        %get3A_1832 = arith.index_cast %get3A_1831 : i32 to index
        %get3A_1833 = arith.index_cast %scan3A_1709 : i32 to index
        %get3A_1834 = arith.constant 64 : index
        %get3A_1835 = tpu.vector_load %arg11[%get3A_1832, %get3A_1833, %get3A_1834] {strides = array<i32>} : memref<2x64x128xf32, #tpu.memory_space<vmem>>, vector<1x1x16xf32>,
        %get3A_1836 = vector.shape_cast %get3A_1835 : vector<1x1x16xf32> to vector<16xf32>
        %add3A_1837 = arith.addf %add3A_1830, %get3A_1836 : vector<16xf32>
        %swap3A_1838 = arith.constant 0 : i32
        %swap3A_1839 = arith.index_cast %swap3A_1838 : i32 to index
        %swap3A_1840 = arith.index_cast %scan3A_1709 : i32 to index
        %swap3A_1841 = arith.constant 64 : index
        %swap3A_1842 = tpu.vector_load %arg9[%swap3A_1839, %swap3A_1840, %swap3A_1841] {strides = array<i32>} : memref<2x64x128xf32, #tpu.memory_space<vmem>>, vector<1x1x16xf32>,
        %swap3A_1843 = vector.shape_cast %swap3A_1842 : vector<1x1x16xf32> to vector<16xf32>
        %swap3A_1844 = vector.shape_cast %add3A_1837 : vector<16xf32> to vector<1x1x16xf32>
        tpu.vector_store %arg9[%swap3A_1839, %swap3A_1840, %swap3A_1841], %swap3A_1844 {strides = array<i32>} : memref<2x64x128xf32, #tpu.memory_space<vmem>>, vector<1x1x16xf32>,
        %get3A_1845 = arith.constant 0 : i32
        %get3A_1846 = arith.index_cast %get3A_1845 : i32 to index
        %get3A_1847 = arith.index_cast %scan3A_1709 : i32 to index
        %get3A_1848 = arith.constant 80 : index
        %get3A_1849 = tpu.vector_load %arg9[%get3A_1846, %get3A_1847, %get3A_1848] {strides = array<i32>} : memref<2x64x128xf32, #tpu.memory_space<vmem>>, vector<1x1x16xf32>,
        %get3A_1850 = vector.shape_cast %get3A_1849 : vector<1x1x16xf32> to vector<16xf32>
        %get3A_1851 = arith.constant 0 : i32
        %get3A_1852 = arith.index_cast %get3A_1851 : i32 to index
        %get3A_1853 = arith.index_cast %scan3A_1709 : i32 to index
        %get3A_1854 = arith.constant 80 : index
        %get3A_1855 = tpu.vector_load %arg10[%get3A_1852, %get3A_1853, %get3A_1854] {strides = array<i32>} : memref<2x64x128xf32, #tpu.memory_space<vmem>>, vector<1x1x16xf32>,
        %get3A_1856 = vector.shape_cast %get3A_1855 : vector<1x1x16xf32> to vector<16xf32>
        %add3A_1857 = arith.addf %get3A_1850, %get3A_1856 : vector<16xf32>
        %get3A_1858 = arith.constant 0 : i32
        %get3A_1859 = arith.index_cast %get3A_1858 : i32 to index
        %get3A_1860 = arith.index_cast %scan3A_1709 : i32 to index
        %get3A_1861 = arith.constant 80 : index
        %get3A_1862 = tpu.vector_load %arg11[%get3A_1859, %get3A_1860, %get3A_1861] {strides = array<i32>} : memref<2x64x128xf32, #tpu.memory_space<vmem>>, vector<1x1x16xf32>,
        %get3A_1863 = vector.shape_cast %get3A_1862 : vector<1x1x16xf32> to vector<16xf32>
        %add3A_1864 = arith.addf %add3A_1857, %get3A_1863 : vector<16xf32>
        %swap3A_1865 = arith.constant 0 : i32
        %swap3A_1866 = arith.index_cast %swap3A_1865 : i32 to index
        %swap3A_1867 = arith.index_cast %scan3A_1709 : i32 to index
        %swap3A_1868 = arith.constant 80 : index
        %swap3A_1869 = tpu.vector_load %arg9[%swap3A_1866, %swap3A_1867, %swap3A_1868] {strides = array<i32>} : memref<2x64x128xf32, #tpu.memory_space<vmem>>, vector<1x1x16xf32>,
        %swap3A_1870 = vector.shape_cast %swap3A_1869 : vector<1x1x16xf32> to vector<16xf32>
        %swap3A_1871 = vector.shape_cast %add3A_1864 : vector<16xf32> to vector<1x1x16xf32>
        tpu.vector_store %arg9[%swap3A_1866, %swap3A_1867, %swap3A_1868], %swap3A_1871 {strides = array<i32>} : memref<2x64x128xf32, #tpu.memory_space<vmem>>, vector<1x1x16xf32>,
        %get3A_1872 = arith.constant 0 : i32
        %get3A_1873 = arith.index_cast %get3A_1872 : i32 to index
        %get3A_1874 = arith.index_cast %scan3A_1709 : i32 to index
        %get3A_1875 = arith.constant 96 : index
        %get3A_1876 = tpu.vector_load %arg9[%get3A_1873, %get3A_1874, %get3A_1875] {strides = array<i32>} : memref<2x64x128xf32, #tpu.memory_space<vmem>>, vector<1x1x16xf32>,
        %get3A_1877 = vector.shape_cast %get3A_1876 : vector<1x1x16xf32> to vector<16xf32>
        %get3A_1878 = arith.constant 0 : i32
        %get3A_1879 = arith.index_cast %get3A_1878 : i32 to index
        %get3A_1880 = arith.index_cast %scan3A_1709 : i32 to index
        %get3A_1881 = arith.constant 96 : index
        %get3A_1882 = tpu.vector_load %arg10[%get3A_1879, %get3A_1880, %get3A_1881] {strides = array<i32>} : memref<2x64x128xf32, #tpu.memory_space<vmem>>, vector<1x1x16xf32>,
        %get3A_1883 = vector.shape_cast %get3A_1882 : vector<1x1x16xf32> to vector<16xf32>
        %add3A_1884 = arith.addf %get3A_1877, %get3A_1883 : vector<16xf32>
        %get3A_1885 = arith.constant 0 : i32
        %get3A_1886 = arith.index_cast %get3A_1885 : i32 to index
        %get3A_1887 = arith.index_cast %scan3A_1709 : i32 to index
        %get3A_1888 = arith.constant 96 : index
        %get3A_1889 = tpu.vector_load %arg11[%get3A_1886, %get3A_1887, %get3A_1888] {strides = array<i32>} : memref<2x64x128xf32, #tpu.memory_space<vmem>>, vector<1x1x16xf32>,
        %get3A_1890 = vector.shape_cast %get3A_1889 : vector<1x1x16xf32> to vector<16xf32>
        %add3A_1891 = arith.addf %add3A_1884, %get3A_1890 : vector<16xf32>
        %swap3A_1892 = arith.constant 0 : i32
        %swap3A_1893 = arith.index_cast %swap3A_1892 : i32 to index
        %swap3A_1894 = arith.index_cast %scan3A_1709 : i32 to index
        %swap3A_1895 = arith.constant 96 : index
        %swap3A_1896 = tpu.vector_load %arg9[%swap3A_1893, %swap3A_1894, %swap3A_1895] {strides = array<i32>} : memref<2x64x128xf32, #tpu.memory_space<vmem>>, vector<1x1x16xf32>,
        %swap3A_1897 = vector.shape_cast %swap3A_1896 : vector<1x1x16xf32> to vector<16xf32>
        %swap3A_1898 = vector.shape_cast %add3A_1891 : vector<16xf32> to vector<1x1x16xf32>
        tpu.vector_store %arg9[%swap3A_1893, %swap3A_1894, %swap3A_1895], %swap3A_1898 {strides = array<i32>} : memref<2x64x128xf32, #tpu.memory_space<vmem>>, vector<1x1x16xf32>,
        %get3A_1899 = arith.constant 0 : i32
        %get3A_1900 = arith.index_cast %get3A_1899 : i32 to index
        %get3A_1901 = arith.index_cast %scan3A_1709 : i32 to index
        %get3A_1902 = arith.constant 112 : index
        %get3A_1903 = tpu.vector_load %arg9[%get3A_1900, %get3A_1901, %get3A_1902] {strides = array<i32>} : memref<2x64x128xf32, #tpu.memory_space<vmem>>, vector<1x1x16xf32>,
        %get3A_1904 = vector.shape_cast %get3A_1903 : vector<1x1x16xf32> to vector<16xf32>
        %get3A_1905 = arith.constant 0 : i32
        %get3A_1906 = arith.index_cast %get3A_1905 : i32 to index
        %get3A_1907 = arith.index_cast %scan3A_1709 : i32 to index
        %get3A_1908 = arith.constant 112 : index
        %get3A_1909 = tpu.vector_load %arg10[%get3A_1906, %get3A_1907, %get3A_1908] {strides = array<i32>} : memref<2x64x128xf32, #tpu.memory_space<vmem>>, vector<1x1x16xf32>,
        %get3A_1910 = vector.shape_cast %get3A_1909 : vector<1x1x16xf32> to vector<16xf32>
        %add3A_1911 = arith.addf %get3A_1904, %get3A_1910 : vector<16xf32>
        %get3A_1912 = arith.constant 0 : i32
        %get3A_1913 = arith.index_cast %get3A_1912 : i32 to index
        %get3A_1914 = arith.index_cast %scan3A_1709 : i32 to index
        %get3A_1915 = arith.constant 112 : index
        %get3A_1916 = tpu.vector_load %arg11[%get3A_1913, %get3A_1914, %get3A_1915] {strides = array<i32>} : memref<2x64x128xf32, #tpu.memory_space<vmem>>, vector<1x1x16xf32>,
        %get3A_1917 = vector.shape_cast %get3A_1916 : vector<1x1x16xf32> to vector<16xf32>
        %add3A_1918 = arith.addf %add3A_1911, %get3A_1917 : vector<16xf32>
        %swap3A_1919 = arith.constant 0 : i32
        %swap3A_1920 = arith.index_cast %swap3A_1919 : i32 to index
        %swap3A_1921 = arith.index_cast %scan3A_1709 : i32 to index
        %swap3A_1922 = arith.constant 112 : index
        %swap3A_1923 = tpu.vector_load %arg9[%swap3A_1920, %swap3A_1921, %swap3A_1922] {strides = array<i32>} : memref<2x64x128xf32, #tpu.memory_space<vmem>>, vector<1x1x16xf32>,
        %swap3A_1924 = vector.shape_cast %swap3A_1923 : vector<1x1x16xf32> to vector<16xf32>
        %swap3A_1925 = vector.shape_cast %add3A_1918 : vector<16xf32> to vector<1x1x16xf32>
        tpu.vector_store %arg9[%swap3A_1920, %swap3A_1921, %swap3A_1922], %swap3A_1925 {strides = array<i32>} : memref<2x64x128xf32, #tpu.memory_space<vmem>>, vector<1x1x16xf32>,
      }
      %scan3A_1620 = arith.constant 64 : i32
      %mul3A_1621 = arith.constant 64 : i32
      %mul3A_1622 = arith.muli %mul3A_1578, %mul3A_1621 : i32
      %add3A_1623 = arith.addi %mul3A_2, %mul3A_1622 : i32
      %dma_start3A_1624 = arith.constant 0 : i32
      %dma_start3A_1625 = arith.constant 0 : i32
      %dma_start3A_1626 = arith.constant 0 : i32
      %dma_start3A_1627 = tpu.memref_slice %arg9[%dma_start3A_1624, %dma_start3A_1625, %dma_start3A_1626] : memref<2x64x128xf32, #tpu.memory_space<vmem>> -> memref<1x64x128xf32, #tpu.memory_space<vmem>>
      %dma_start3A_1628 = tpu.memref_squeeze %dma_start3A_1627 : memref<1x64x128xf32, #tpu.memory_space<vmem>> -> memref<64x128xf32, #tpu.memory_space<vmem>>
      %dma_start3A_1629 = arith.constant 0 : i32
      %dma_start3A_1630 = tpu.memref_slice %arg4[%add3A_1623, %dma_start3A_1629] : memref<102400x128xf32, #tpu.memory_space<hbm>> -> memref<64x128xf32, #tpu.memory_space<hbm>>
      %dma_start3A_1631 = arith.constant 0 : i32
      %dma_start3A_1632 = tpu.memref_slice %arg4[%add3A_1623, %dma_start3A_1631] : memref<102400x128xf32, #tpu.memory_space<hbm>> -> memref<64x128xf32, #tpu.memory_space<hbm>>
      %dma_start3A_1633 = arith.constant 0 : i32
      %dma_start3A_1634 = arith.constant 0 : i32
      %dma_start3A_1635 = tpu.memref_slice %arg9[%dma_start3A_1624, %dma_start3A_1633, %dma_start3A_1634] : memref<2x64x128xf32, #tpu.memory_space<vmem>> -> memref<1x64x128xf32, #tpu.memory_space<vmem>>
      %dma_start3A_1636 = tpu.memref_squeeze %dma_start3A_1635 : memref<1x64x128xf32, #tpu.memory_space<vmem>> -> memref<64x128xf32, #tpu.memory_space<vmem>>
      tpu.enqueue_dma source(%dma_start3A_1636 : memref<64x128xf32, #tpu.memory_space<vmem>>) target(%dma_start3A_1632 : memref<64x128xf32, #tpu.memory_space<hbm>>) target_semaphore(%arg15 : memref<!tpu.dma_semaphore, #tpu.memory_space<semaphore_mem>>)
      %lt3A_1637 = arith.constant 24 : i32
      %lt3A_1638 = arith.cmpi slt, %scan3A_783, %lt3A_1637 : i32
      %convert_element_type3A_1639 = arith.extui %lt3A_1638 : i1 to i32
      %cond3A_1640 = arith.constant 0 : i32
      %cond3A_1641 = arith.cmpi ne, %convert_element_type3A_1639, %cond3A_1640 : i32
      scf.if %cond3A_1641 {
        %mul3A_1709 = arith.constant 2 : i32
        %mul3A_1710 = arith.muli %mul3A_1709, %scan3A_783 : i32
        %add3A_1711 = arith.constant 2 : i32
        %add3A_1712 = arith.addi %mul3A_1710, %add3A_1711 : i32
        %mul3A_1713 = arith.constant 64 : i32
        %mul3A_1714 = arith.muli %add3A_1712, %mul3A_1713 : i32
        %add3A_1715 = arith.constant 0 : i32
        %add3A_1716 = arith.addi %mul3A_1714, %add3A_1715 : i32
        %get3A_1717 = arith.constant 0 : i32
        %get3A_1718 = arith.index_cast %get3A_1717 : i32 to index
        %get3A_1719 = arith.index_cast %add3A_1716 : i32 to index
        %get3A_1720 = tpu.vector_load %arg5[%get3A_1718, %get3A_1719] {strides = array<i32>} : memref<9x3200xi32, #tpu.memory_space<vmem>>, vector<1x16xi32>,
        %get3A_1721 = vector.shape_cast %get3A_1720 : vector<1x16xi32> to vector<16xi32>
        %get3A_1722 = arith.constant 1 : i32
        %get3A_1723 = arith.index_cast %get3A_1722 : i32 to index
        %get3A_1724 = arith.index_cast %add3A_1716 : i32 to index
        %get3A_1725 = tpu.vector_load %arg5[%get3A_1723, %get3A_1724] {strides = array<i32>} : memref<9x3200xi32, #tpu.memory_space<vmem>>, vector<1x16xi32>,
        %get3A_1726 = vector.shape_cast %get3A_1725 : vector<1x16xi32> to vector<16xi32>
        %get3A_1727 = arith.constant 2 : i32
        %get3A_1728 = arith.index_cast %get3A_1727 : i32 to index
        %get3A_1729 = arith.index_cast %add3A_1716 : i32 to index
        %get3A_1730 = tpu.vector_load %arg5[%get3A_1728, %get3A_1729] {strides = array<i32>} : memref<9x3200xi32, #tpu.memory_space<vmem>>, vector<1x16xi32>,
        %get3A_1731 = vector.shape_cast %get3A_1730 : vector<1x16xi32> to vector<16xi32>
        %get3A_1732 = arith.constant 3 : i32
        %get3A_1733 = arith.index_cast %get3A_1732 : i32 to index
        %get3A_1734 = arith.index_cast %add3A_1716 : i32 to index
        %get3A_1735 = tpu.vector_load %arg5[%get3A_1733, %get3A_1734] {strides = array<i32>} : memref<9x3200xi32, #tpu.memory_space<vmem>>, vector<1x16xi32>,
        %get3A_1736 = vector.shape_cast %get3A_1735 : vector<1x16xi32> to vector<16xi32>
        %get3A_1737 = arith.constant 4 : i32
        %get3A_1738 = arith.index_cast %get3A_1737 : i32 to index
        %get3A_1739 = arith.index_cast %add3A_1716 : i32 to index
        %get3A_1740 = tpu.vector_load %arg5[%get3A_1738, %get3A_1739] {strides = array<i32>} : memref<9x3200xi32, #tpu.memory_space<vmem>>, vector<1x16xi32>,
        %get3A_1741 = vector.shape_cast %get3A_1740 : vector<1x16xi32> to vector<16xi32>
        %get3A_1742 = arith.constant 5 : i32
        %get3A_1743 = arith.index_cast %get3A_1742 : i32 to index
        %get3A_1744 = arith.index_cast %add3A_1716 : i32 to index
        %get3A_1745 = tpu.vector_load %arg5[%get3A_1743, %get3A_1744] {strides = array<i32>} : memref<9x3200xi32, #tpu.memory_space<vmem>>, vector<1x16xi32>,
        %get3A_1746 = vector.shape_cast %get3A_1745 : vector<1x16xi32> to vector<16xi32>
        %get3A_1747 = arith.constant 6 : i32
        %get3A_1748 = arith.index_cast %get3A_1747 : i32 to index
        %get3A_1749 = arith.index_cast %add3A_1716 : i32 to index
        %get3A_1750 = tpu.vector_load %arg5[%get3A_1748, %get3A_1749] {strides = array<i32>} : memref<9x3200xi32, #tpu.memory_space<vmem>>, vector<1x16xi32>,
        %get3A_1751 = vector.shape_cast %get3A_1750 : vector<1x16xi32> to vector<16xi32>
        %get3A_1752 = arith.constant 7 : i32
        %get3A_1753 = arith.index_cast %get3A_1752 : i32 to index
        %get3A_1754 = arith.index_cast %add3A_1716 : i32 to index
        %get3A_1755 = tpu.vector_load %arg5[%get3A_1753, %get3A_1754] {strides = array<i32>} : memref<9x3200xi32, #tpu.memory_space<vmem>>, vector<1x16xi32>,
        %get3A_1756 = vector.shape_cast %get3A_1755 : vector<1x16xi32> to vector<16xi32>
        %get3A_1757 = arith.constant 8 : i32
        %get3A_1758 = arith.index_cast %get3A_1757 : i32 to index
        %get3A_1759 = arith.index_cast %add3A_1716 : i32 to index
        %get3A_1760 = tpu.vector_load %arg5[%get3A_1758, %get3A_1759] {strides = array<i32>} : memref<9x3200xi32, #tpu.memory_space<vmem>>, vector<1x16xi32>,
        %get3A_1761 = vector.shape_cast %get3A_1760 : vector<1x16xi32> to vector<16xi32>
        %lt3A_1762 = arith.constant 0 : i32
        %lt3A_1763 = vector.broadcast %lt3A_1762 : i32 to vector<16xi32>
        %lt3A_1764 = arith.cmpi slt, %get3A_1721, %lt3A_1763 : vector<16xi32>
        %ge3A_1765 = arith.constant 119 : i32
        %ge3A_1766 = vector.broadcast %ge3A_1765 : i32 to vector<16xi32>
        %ge3A_1767 = arith.cmpi sge, %get3A_1721, %ge3A_1766 : vector<16xi32>
        %or3A_1768 = arith.ori %lt3A_1764, %ge3A_1767 : vector<16xi1>
        %jit3A_1769 = arith.constant 119 : i32
        %broadcast_in_dim3A_1770 = vector.broadcast %jit3A_1769 : i32 to vector<16xi32>
        %select_n3A_1771 = arith.select %or3A_1768, %broadcast_in_dim3A_1770, %get3A_1721 : vector<16xi1>, vector<16xi32>
        %lt3A_1772 = arith.constant 0 : i32
        %lt3A_1773 = vector.broadcast %lt3A_1772 : i32 to vector<16xi32>
        %lt3A_1774 = arith.cmpi slt, %get3A_1726, %lt3A_1773 : vector<16xi32>
        %ge3A_1775 = arith.constant 9 : i32
        %ge3A_1776 = vector.broadcast %ge3A_1775 : i32 to vector<16xi32>
        %ge3A_1777 = arith.cmpi sge, %get3A_1726, %ge3A_1776 : vector<16xi32>
        %or3A_1778 = arith.ori %lt3A_1774, %ge3A_1777 : vector<16xi1>
        %jit3A_1779 = arith.constant 9 : i32
        %broadcast_in_dim3A_1780 = vector.broadcast %jit3A_1779 : i32 to vector<16xi32>
        %select_n3A_1781 = arith.select %or3A_1778, %broadcast_in_dim3A_1780, %get3A_1726 : vector<16xi1>, vector<16xi32>
        %lt3A_1782 = arith.constant 0 : i32
        %lt3A_1783 = vector.broadcast %lt3A_1782 : i32 to vector<16xi32>
        %lt3A_1784 = arith.cmpi slt, %get3A_1731, %lt3A_1783 : vector<16xi32>
        %ge3A_1785 = arith.constant 12 : i32
        %ge3A_1786 = vector.broadcast %ge3A_1785 : i32 to vector<16xi32>
        %ge3A_1787 = arith.cmpi sge, %get3A_1731, %ge3A_1786 : vector<16xi32>
        %or3A_1788 = arith.ori %lt3A_1784, %ge3A_1787 : vector<16xi1>
        %jit3A_1789 = arith.constant 12 : i32
        %broadcast_in_dim3A_1790 = vector.broadcast %jit3A_1789 : i32 to vector<16xi32>
        %select_n3A_1791 = arith.select %or3A_1788, %broadcast_in_dim3A_1790, %get3A_1731 : vector<16xi1>, vector<16xi32>
        %lt3A_1792 = arith.constant 0 : i32
        %lt3A_1793 = vector.broadcast %lt3A_1792 : i32 to vector<16xi32>
        %lt3A_1794 = arith.cmpi slt, %get3A_1736, %lt3A_1793 : vector<16xi32>
        %ge3A_1795 = arith.constant 12 : i32
        %ge3A_1796 = vector.broadcast %ge3A_1795 : i32 to vector<16xi32>
        %ge3A_1797 = arith.cmpi sge, %get3A_1736, %ge3A_1796 : vector<16xi32>
        %or3A_1798 = arith.ori %lt3A_1794, %ge3A_1797 : vector<16xi1>
        %jit3A_1799 = arith.constant 12 : i32
        %broadcast_in_dim3A_1800 = vector.broadcast %jit3A_1799 : i32 to vector<16xi32>
        %select_n3A_1801 = arith.select %or3A_1798, %broadcast_in_dim3A_1800, %get3A_1736 : vector<16xi1>, vector<16xi32>
        %lt3A_1802 = arith.constant 0 : i32
        %lt3A_1803 = vector.broadcast %lt3A_1802 : i32 to vector<16xi32>
        %lt3A_1804 = arith.cmpi slt, %get3A_1741, %lt3A_1803 : vector<16xi32>
        %ge3A_1805 = arith.constant 10 : i32
        %ge3A_1806 = vector.broadcast %ge3A_1805 : i32 to vector<16xi32>
        %ge3A_1807 = arith.cmpi sge, %get3A_1741, %ge3A_1806 : vector<16xi32>
        %or3A_1808 = arith.ori %lt3A_1804, %ge3A_1807 : vector<16xi1>
        %jit3A_1809 = arith.constant 10 : i32
        %broadcast_in_dim3A_1810 = vector.broadcast %jit3A_1809 : i32 to vector<16xi32>
        %select_n3A_1811 = arith.select %or3A_1808, %broadcast_in_dim3A_1810, %get3A_1741 : vector<16xi1>, vector<16xi32>
        %lt3A_1812 = arith.constant 0 : i32
        %lt3A_1813 = vector.broadcast %lt3A_1812 : i32 to vector<16xi32>
        %lt3A_1814 = arith.cmpi slt, %get3A_1746, %lt3A_1813 : vector<16xi32>
        %ge3A_1815 = arith.constant 6 : i32
        %ge3A_1816 = vector.broadcast %ge3A_1815 : i32 to vector<16xi32>
        %ge3A_1817 = arith.cmpi sge, %get3A_1746, %ge3A_1816 : vector<16xi32>
        %or3A_1818 = arith.ori %lt3A_1814, %ge3A_1817 : vector<16xi1>
        %jit3A_1819 = arith.constant 6 : i32
        %broadcast_in_dim3A_1820 = vector.broadcast %jit3A_1819 : i32 to vector<16xi32>
        %select_n3A_1821 = arith.select %or3A_1818, %broadcast_in_dim3A_1820, %get3A_1746 : vector<16xi1>, vector<16xi32>
        %lt3A_1822 = arith.constant 0 : i32
        %lt3A_1823 = vector.broadcast %lt3A_1822 : i32 to vector<16xi32>
        %lt3A_1824 = arith.cmpi slt, %get3A_1751, %lt3A_1823 : vector<16xi32>
        %ge3A_1825 = arith.constant 6 : i32
        %ge3A_1826 = vector.broadcast %ge3A_1825 : i32 to vector<16xi32>
        %ge3A_1827 = arith.cmpi sge, %get3A_1751, %ge3A_1826 : vector<16xi32>
        %or3A_1828 = arith.ori %lt3A_1824, %ge3A_1827 : vector<16xi1>
        %jit3A_1829 = arith.constant 6 : i32
        %broadcast_in_dim3A_1830 = vector.broadcast %jit3A_1829 : i32 to vector<16xi32>
        %select_n3A_1831 = arith.select %or3A_1828, %broadcast_in_dim3A_1830, %get3A_1751 : vector<16xi1>, vector<16xi32>
        %lt3A_1832 = arith.constant 0 : i32
        %lt3A_1833 = vector.broadcast %lt3A_1832 : i32 to vector<16xi32>
        %lt3A_1834 = arith.cmpi slt, %get3A_1756, %lt3A_1833 : vector<16xi32>
        %ge3A_1835 = arith.constant 2 : i32
        %ge3A_1836 = vector.broadcast %ge3A_1835 : i32 to vector<16xi32>
        %ge3A_1837 = arith.cmpi sge, %get3A_1756, %ge3A_1836 : vector<16xi32>
        %or3A_1838 = arith.ori %lt3A_1834, %ge3A_1837 : vector<16xi1>
        %jit3A_1839 = arith.constant 2 : i32
        %broadcast_in_dim3A_1840 = vector.broadcast %jit3A_1839 : i32 to vector<16xi32>
        %select_n3A_1841 = arith.select %or3A_1838, %broadcast_in_dim3A_1840, %get3A_1756 : vector<16xi1>, vector<16xi32>
        %lt3A_1842 = arith.constant 0 : i32
        %lt3A_1843 = vector.broadcast %lt3A_1842 : i32 to vector<16xi32>
        %lt3A_1844 = arith.cmpi slt, %get3A_1761, %lt3A_1843 : vector<16xi32>
        %ge3A_1845 = arith.constant 2 : i32
        %ge3A_1846 = vector.broadcast %ge3A_1845 : i32 to vector<16xi32>
        %ge3A_1847 = arith.cmpi sge, %get3A_1761, %ge3A_1846 : vector<16xi32>
        %or3A_1848 = arith.ori %lt3A_1844, %ge3A_1847 : vector<16xi1>
        %jit3A_1849 = arith.constant 2 : i32
        %broadcast_in_dim3A_1850 = vector.broadcast %jit3A_1849 : i32 to vector<16xi32>
        %select_n3A_1851 = arith.select %or3A_1848, %broadcast_in_dim3A_1850, %get3A_1761 : vector<16xi1>, vector<16xi32>
        %mul3A_1852 = arith.constant 10 : i32
        %mul3A_1853 = vector.broadcast %mul3A_1852 : i32 to vector<16xi32>
        %mul3A_1854 = arith.muli %select_n3A_1771, %mul3A_1853 : vector<16xi32>
        %add3A_1855 = arith.addi %mul3A_1854, %select_n3A_1781 : vector<16xi32>
        %mul3A_1856 = arith.constant 13 : i32
        %mul3A_1857 = vector.broadcast %mul3A_1856 : i32 to vector<16xi32>
        %mul3A_1858 = arith.muli %select_n3A_1791, %mul3A_1857 : vector<16xi32>
        %add3A_1859 = arith.addi %mul3A_1858, %select_n3A_1801 : vector<16xi32>
        %mul3A_1860 = arith.constant 11 : i32
        %mul3A_1861 = vector.broadcast %mul3A_1860 : i32 to vector<16xi32>
        %mul3A_1862 = arith.muli %add3A_1859, %mul3A_1861 : vector<16xi32>
        %add3A_1863 = arith.addi %mul3A_1862, %select_n3A_1811 : vector<16xi32>
        %add3A_1864 = arith.constant 1200 : i32
        %add3A_1865 = vector.broadcast %add3A_1864 : i32 to vector<16xi32>
        %add3A_1866 = arith.addi %add3A_1863, %add3A_1865 : vector<16xi32>
        %mul3A_1867 = arith.constant 7 : i32
        %mul3A_1868 = vector.broadcast %mul3A_1867 : i32 to vector<16xi32>
        %mul3A_1869 = arith.muli %select_n3A_1821, %mul3A_1868 : vector<16xi32>
        %add3A_1870 = arith.addi %mul3A_1869, %select_n3A_1831 : vector<16xi32>
        %mul3A_1871 = arith.constant 3 : i32
        %mul3A_1872 = vector.broadcast %mul3A_1871 : i32 to vector<16xi32>
        %mul3A_1873 = arith.muli %add3A_1870, %mul3A_1872 : vector<16xi32>
        %add3A_1874 = arith.addi %mul3A_1873, %select_n3A_1841 : vector<16xi32>
        %mul3A_1875 = arith.constant 3 : i32
        %mul3A_1876 = vector.broadcast %mul3A_1875 : i32 to vector<16xi32>
        %mul3A_1877 = arith.muli %add3A_1874, %mul3A_1876 : vector<16xi32>
        %add3A_1878 = arith.addi %mul3A_1877, %select_n3A_1851 : vector<16xi32>
        %add3A_1879 = arith.constant 3059 : i32
        %add3A_1880 = vector.broadcast %add3A_1879 : i32 to vector<16xi32>
        %add3A_1881 = arith.addi %add3A_1878, %add3A_1880 : vector<16xi32>
        %swap3A_1882 = arith.constant 0 : i32
        %swap3A_1883 = arith.index_cast %swap3A_1882 : i32 to index
        %swap3A_1884 = arith.constant 0 : index
        %swap3A_1885 = tpu.vector_load %arg6[%swap3A_1883, %swap3A_1884] {strides = array<i32>} : memref<2x64xi32, #tpu.memory_space<vmem>>, vector<1x16xi32>,
        %swap3A_1886 = vector.shape_cast %swap3A_1885 : vector<1x16xi32> to vector<16xi32>
        %swap3A_1887 = vector.shape_cast %add3A_1855 : vector<16xi32> to vector<1x16xi32>
        tpu.vector_store %arg6[%swap3A_1883, %swap3A_1884], %swap3A_1887 {strides = array<i32>} : memref<2x64xi32, #tpu.memory_space<vmem>>, vector<1x16xi32>,
        %swap3A_1888 = arith.constant 0 : i32
        %swap3A_1889 = arith.index_cast %swap3A_1888 : i32 to index
        %swap3A_1890 = arith.constant 0 : index
        %swap3A_1891 = tpu.vector_load %arg7[%swap3A_1889, %swap3A_1890] {strides = array<i32>} : memref<2x64xi32, #tpu.memory_space<vmem>>, vector<1x16xi32>,
        %swap3A_1892 = vector.shape_cast %swap3A_1891 : vector<1x16xi32> to vector<16xi32>
        %swap3A_1893 = vector.shape_cast %add3A_1866 : vector<16xi32> to vector<1x16xi32>
        tpu.vector_store %arg7[%swap3A_1889, %swap3A_1890], %swap3A_1893 {strides = array<i32>} : memref<2x64xi32, #tpu.memory_space<vmem>>, vector<1x16xi32>,
        %swap3A_1894 = arith.constant 0 : i32
        %swap3A_1895 = arith.index_cast %swap3A_1894 : i32 to index
        %swap3A_1896 = arith.constant 0 : index
        %swap3A_1897 = tpu.vector_load %arg8[%swap3A_1895, %swap3A_1896] {strides = array<i32>} : memref<2x64xi32, #tpu.memory_space<vmem>>, vector<1x16xi32>,
        %swap3A_1898 = vector.shape_cast %swap3A_1897 : vector<1x16xi32> to vector<16xi32>
        %swap3A_1899 = vector.shape_cast %add3A_1881 : vector<16xi32> to vector<1x16xi32>
        tpu.vector_store %arg8[%swap3A_1895, %swap3A_1896], %swap3A_1899 {strides = array<i32>} : memref<2x64xi32, #tpu.memory_space<vmem>>, vector<1x16xi32>,
        %mul3A_1900 = arith.constant 64 : i32
        %mul3A_1901 = arith.muli %add3A_1712, %mul3A_1900 : i32
        %add3A_1902 = arith.constant 16 : i32
        %add3A_1903 = arith.addi %mul3A_1901, %add3A_1902 : i32
        %get3A_1904 = arith.constant 0 : i32
        %get3A_1905 = arith.index_cast %get3A_1904 : i32 to index
        %get3A_1906 = arith.index_cast %add3A_1903 : i32 to index
        %get3A_1907 = tpu.vector_load %arg5[%get3A_1905, %get3A_1906] {strides = array<i32>} : memref<9x3200xi32, #tpu.memory_space<vmem>>, vector<1x16xi32>,
        %get3A_1908 = vector.shape_cast %get3A_1907 : vector<1x16xi32> to vector<16xi32>
        %get3A_1909 = arith.constant 1 : i32
        %get3A_1910 = arith.index_cast %get3A_1909 : i32 to index
        %get3A_1911 = arith.index_cast %add3A_1903 : i32 to index
        %get3A_1912 = tpu.vector_load %arg5[%get3A_1910, %get3A_1911] {strides = array<i32>} : memref<9x3200xi32, #tpu.memory_space<vmem>>, vector<1x16xi32>,
        %get3A_1913 = vector.shape_cast %get3A_1912 : vector<1x16xi32> to vector<16xi32>
        %get3A_1914 = arith.constant 2 : i32
        %get3A_1915 = arith.index_cast %get3A_1914 : i32 to index
        %get3A_1916 = arith.index_cast %add3A_1903 : i32 to index
        %get3A_1917 = tpu.vector_load %arg5[%get3A_1915, %get3A_1916] {strides = array<i32>} : memref<9x3200xi32, #tpu.memory_space<vmem>>, vector<1x16xi32>,
        %get3A_1918 = vector.shape_cast %get3A_1917 : vector<1x16xi32> to vector<16xi32>
        %get3A_1919 = arith.constant 3 : i32
        %get3A_1920 = arith.index_cast %get3A_1919 : i32 to index
        %get3A_1921 = arith.index_cast %add3A_1903 : i32 to index
        %get3A_1922 = tpu.vector_load %arg5[%get3A_1920, %get3A_1921] {strides = array<i32>} : memref<9x3200xi32, #tpu.memory_space<vmem>>, vector<1x16xi32>,
        %get3A_1923 = vector.shape_cast %get3A_1922 : vector<1x16xi32> to vector<16xi32>
        %get3A_1924 = arith.constant 4 : i32
        %get3A_1925 = arith.index_cast %get3A_1924 : i32 to index
        %get3A_1926 = arith.index_cast %add3A_1903 : i32 to index
        %get3A_1927 = tpu.vector_load %arg5[%get3A_1925, %get3A_1926] {strides = array<i32>} : memref<9x3200xi32, #tpu.memory_space<vmem>>, vector<1x16xi32>,
        %get3A_1928 = vector.shape_cast %get3A_1927 : vector<1x16xi32> to vector<16xi32>
        %get3A_1929 = arith.constant 5 : i32
        %get3A_1930 = arith.index_cast %get3A_1929 : i32 to index
        %get3A_1931 = arith.index_cast %add3A_1903 : i32 to index
        %get3A_1932 = tpu.vector_load %arg5[%get3A_1930, %get3A_1931] {strides = array<i32>} : memref<9x3200xi32, #tpu.memory_space<vmem>>, vector<1x16xi32>,
        %get3A_1933 = vector.shape_cast %get3A_1932 : vector<1x16xi32> to vector<16xi32>
        %get3A_1934 = arith.constant 6 : i32
        %get3A_1935 = arith.index_cast %get3A_1934 : i32 to index
        %get3A_1936 = arith.index_cast %add3A_1903 : i32 to index
        %get3A_1937 = tpu.vector_load %arg5[%get3A_1935, %get3A_1936] {strides = array<i32>} : memref<9x3200xi32, #tpu.memory_space<vmem>>, vector<1x16xi32>,
        %get3A_1938 = vector.shape_cast %get3A_1937 : vector<1x16xi32> to vector<16xi32>
        %get3A_1939 = arith.constant 7 : i32
        %get3A_1940 = arith.index_cast %get3A_1939 : i32 to index
        %get3A_1941 = arith.index_cast %add3A_1903 : i32 to index
        %get3A_1942 = tpu.vector_load %arg5[%get3A_1940, %get3A_1941] {strides = array<i32>} : memref<9x3200xi32, #tpu.memory_space<vmem>>, vector<1x16xi32>,
        %get3A_1943 = vector.shape_cast %get3A_1942 : vector<1x16xi32> to vector<16xi32>
        %get3A_1944 = arith.constant 8 : i32
        %get3A_1945 = arith.index_cast %get3A_1944 : i32 to index
        %get3A_1946 = arith.index_cast %add3A_1903 : i32 to index
        %get3A_1947 = tpu.vector_load %arg5[%get3A_1945, %get3A_1946] {strides = array<i32>} : memref<9x3200xi32, #tpu.memory_space<vmem>>, vector<1x16xi32>,
        %get3A_1948 = vector.shape_cast %get3A_1947 : vector<1x16xi32> to vector<16xi32>
        %lt3A_1949 = arith.constant 0 : i32
        %lt3A_1950 = vector.broadcast %lt3A_1949 : i32 to vector<16xi32>
        %lt3A_1951 = arith.cmpi slt, %get3A_1908, %lt3A_1950 : vector<16xi32>
        %ge3A_1952 = arith.constant 119 : i32
        %ge3A_1953 = vector.broadcast %ge3A_1952 : i32 to vector<16xi32>
        %ge3A_1954 = arith.cmpi sge, %get3A_1908, %ge3A_1953 : vector<16xi32>
        %or3A_1955 = arith.ori %lt3A_1951, %ge3A_1954 : vector<16xi1>
        %jit3A_1956 = arith.constant 119 : i32
        %broadcast_in_dim3A_1957 = vector.broadcast %jit3A_1956 : i32 to vector<16xi32>
        %select_n3A_1958 = arith.select %or3A_1955, %broadcast_in_dim3A_1957, %get3A_1908 : vector<16xi1>, vector<16xi32>
        %lt3A_1959 = arith.constant 0 : i32
        %lt3A_1960 = vector.broadcast %lt3A_1959 : i32 to vector<16xi32>
        %lt3A_1961 = arith.cmpi slt, %get3A_1913, %lt3A_1960 : vector<16xi32>
        %ge3A_1962 = arith.constant 9 : i32
        %ge3A_1963 = vector.broadcast %ge3A_1962 : i32 to vector<16xi32>
        %ge3A_1964 = arith.cmpi sge, %get3A_1913, %ge3A_1963 : vector<16xi32>
        %or3A_1965 = arith.ori %lt3A_1961, %ge3A_1964 : vector<16xi1>
        %jit3A_1966 = arith.constant 9 : i32
        %broadcast_in_dim3A_1967 = vector.broadcast %jit3A_1966 : i32 to vector<16xi32>
        %select_n3A_1968 = arith.select %or3A_1965, %broadcast_in_dim3A_1967, %get3A_1913 : vector<16xi1>, vector<16xi32>
        %lt3A_1969 = arith.constant 0 : i32
        %lt3A_1970 = vector.broadcast %lt3A_1969 : i32 to vector<16xi32>
        %lt3A_1971 = arith.cmpi slt, %get3A_1918, %lt3A_1970 : vector<16xi32>
        %ge3A_1972 = arith.constant 12 : i32
        %ge3A_1973 = vector.broadcast %ge3A_1972 : i32 to vector<16xi32>
        %ge3A_1974 = arith.cmpi sge, %get3A_1918, %ge3A_1973 : vector<16xi32>
        %or3A_1975 = arith.ori %lt3A_1971, %ge3A_1974 : vector<16xi1>
        %jit3A_1976 = arith.constant 12 : i32
        %broadcast_in_dim3A_1977 = vector.broadcast %jit3A_1976 : i32 to vector<16xi32>
        %select_n3A_1978 = arith.select %or3A_1975, %broadcast_in_dim3A_1977, %get3A_1918 : vector<16xi1>, vector<16xi32>
        %lt3A_1979 = arith.constant 0 : i32
        %lt3A_1980 = vector.broadcast %lt3A_1979 : i32 to vector<16xi32>
        %lt3A_1981 = arith.cmpi slt, %get3A_1923, %lt3A_1980 : vector<16xi32>
        %ge3A_1982 = arith.constant 12 : i32
        %ge3A_1983 = vector.broadcast %ge3A_1982 : i32 to vector<16xi32>
        %ge3A_1984 = arith.cmpi sge, %get3A_1923, %ge3A_1983 : vector<16xi32>
        %or3A_1985 = arith.ori %lt3A_1981, %ge3A_1984 : vector<16xi1>
        %jit3A_1986 = arith.constant 12 : i32
        %broadcast_in_dim3A_1987 = vector.broadcast %jit3A_1986 : i32 to vector<16xi32>
        %select_n3A_1988 = arith.select %or3A_1985, %broadcast_in_dim3A_1987, %get3A_1923 : vector<16xi1>, vector<16xi32>
        %lt3A_1989 = arith.constant 0 : i32
        %lt3A_1990 = vector.broadcast %lt3A_1989 : i32 to vector<16xi32>
        %lt3A_1991 = arith.cmpi slt, %get3A_1928, %lt3A_1990 : vector<16xi32>
        %ge3A_1992 = arith.constant 10 : i32
        %ge3A_1993 = vector.broadcast %ge3A_1992 : i32 to vector<16xi32>
        %ge3A_1994 = arith.cmpi sge, %get3A_1928, %ge3A_1993 : vector<16xi32>
        %or3A_1995 = arith.ori %lt3A_1991, %ge3A_1994 : vector<16xi1>
        %jit3A_1996 = arith.constant 10 : i32
        %broadcast_in_dim3A_1997 = vector.broadcast %jit3A_1996 : i32 to vector<16xi32>
        %select_n3A_1998 = arith.select %or3A_1995, %broadcast_in_dim3A_1997, %get3A_1928 : vector<16xi1>, vector<16xi32>
        %lt3A_1999 = arith.constant 0 : i32
        %lt3A_2000 = vector.broadcast %lt3A_1999 : i32 to vector<16xi32>
        %lt3A_2001 = arith.cmpi slt, %get3A_1933, %lt3A_2000 : vector<16xi32>
        %ge3A_2002 = arith.constant 6 : i32
        %ge3A_2003 = vector.broadcast %ge3A_2002 : i32 to vector<16xi32>
        %ge3A_2004 = arith.cmpi sge, %get3A_1933, %ge3A_2003 : vector<16xi32>
        %or3A_2005 = arith.ori %lt3A_2001, %ge3A_2004 : vector<16xi1>
        %jit3A_2006 = arith.constant 6 : i32
        %broadcast_in_dim3A_2007 = vector.broadcast %jit3A_2006 : i32 to vector<16xi32>
        %select_n3A_2008 = arith.select %or3A_2005, %broadcast_in_dim3A_2007, %get3A_1933 : vector<16xi1>, vector<16xi32>
        %lt3A_2009 = arith.constant 0 : i32
        %lt3A_2010 = vector.broadcast %lt3A_2009 : i32 to vector<16xi32>
        %lt3A_2011 = arith.cmpi slt, %get3A_1938, %lt3A_2010 : vector<16xi32>
        %ge3A_2012 = arith.constant 6 : i32
        %ge3A_2013 = vector.broadcast %ge3A_2012 : i32 to vector<16xi32>
        %ge3A_2014 = arith.cmpi sge, %get3A_1938, %ge3A_2013 : vector<16xi32>
        %or3A_2015 = arith.ori %lt3A_2011, %ge3A_2014 : vector<16xi1>
        %jit3A_2016 = arith.constant 6 : i32
        %broadcast_in_dim3A_2017 = vector.broadcast %jit3A_2016 : i32 to vector<16xi32>
        %select_n3A_2018 = arith.select %or3A_2015, %broadcast_in_dim3A_2017, %get3A_1938 : vector<16xi1>, vector<16xi32>
        %lt3A_2019 = arith.constant 0 : i32
        %lt3A_2020 = vector.broadcast %lt3A_2019 : i32 to vector<16xi32>
        %lt3A_2021 = arith.cmpi slt, %get3A_1943, %lt3A_2020 : vector<16xi32>
        %ge3A_2022 = arith.constant 2 : i32
        %ge3A_2023 = vector.broadcast %ge3A_2022 : i32 to vector<16xi32>
        %ge3A_2024 = arith.cmpi sge, %get3A_1943, %ge3A_2023 : vector<16xi32>
        %or3A_2025 = arith.ori %lt3A_2021, %ge3A_2024 : vector<16xi1>
        %jit3A_2026 = arith.constant 2 : i32
        %broadcast_in_dim3A_2027 = vector.broadcast %jit3A_2026 : i32 to vector<16xi32>
        %select_n3A_2028 = arith.select %or3A_2025, %broadcast_in_dim3A_2027, %get3A_1943 : vector<16xi1>, vector<16xi32>
        %lt3A_2029 = arith.constant 0 : i32
        %lt3A_2030 = vector.broadcast %lt3A_2029 : i32 to vector<16xi32>
        %lt3A_2031 = arith.cmpi slt, %get3A_1948, %lt3A_2030 : vector<16xi32>
        %ge3A_2032 = arith.constant 2 : i32
        %ge3A_2033 = vector.broadcast %ge3A_2032 : i32 to vector<16xi32>
        %ge3A_2034 = arith.cmpi sge, %get3A_1948, %ge3A_2033 : vector<16xi32>
        %or3A_2035 = arith.ori %lt3A_2031, %ge3A_2034 : vector<16xi1>
        %jit3A_2036 = arith.constant 2 : i32
        %broadcast_in_dim3A_2037 = vector.broadcast %jit3A_2036 : i32 to vector<16xi32>
        %select_n3A_2038 = arith.select %or3A_2035, %broadcast_in_dim3A_2037, %get3A_1948 : vector<16xi1>, vector<16xi32>
        %mul3A_2039 = arith.constant 10 : i32
        %mul3A_2040 = vector.broadcast %mul3A_2039 : i32 to vector<16xi32>
        %mul3A_2041 = arith.muli %select_n3A_1958, %mul3A_2040 : vector<16xi32>
        %add3A_2042 = arith.addi %mul3A_2041, %select_n3A_1968 : vector<16xi32>
        %mul3A_2043 = arith.constant 13 : i32
        %mul3A_2044 = vector.broadcast %mul3A_2043 : i32 to vector<16xi32>
        %mul3A_2045 = arith.muli %select_n3A_1978, %mul3A_2044 : vector<16xi32>
        %add3A_2046 = arith.addi %mul3A_2045, %select_n3A_1988 : vector<16xi32>
        %mul3A_2047 = arith.constant 11 : i32
        %mul3A_2048 = vector.broadcast %mul3A_2047 : i32 to vector<16xi32>
        %mul3A_2049 = arith.muli %add3A_2046, %mul3A_2048 : vector<16xi32>
        %add3A_2050 = arith.addi %mul3A_2049, %select_n3A_1998 : vector<16xi32>
        %add3A_2051 = arith.constant 1200 : i32
        %add3A_2052 = vector.broadcast %add3A_2051 : i32 to vector<16xi32>
        %add3A_2053 = arith.addi %add3A_2050, %add3A_2052 : vector<16xi32>
        %mul3A_2054 = arith.constant 7 : i32
        %mul3A_2055 = vector.broadcast %mul3A_2054 : i32 to vector<16xi32>
        %mul3A_2056 = arith.muli %select_n3A_2008, %mul3A_2055 : vector<16xi32>
        %add3A_2057 = arith.addi %mul3A_2056, %select_n3A_2018 : vector<16xi32>
        %mul3A_2058 = arith.constant 3 : i32
        %mul3A_2059 = vector.broadcast %mul3A_2058 : i32 to vector<16xi32>
        %mul3A_2060 = arith.muli %add3A_2057, %mul3A_2059 : vector<16xi32>
        %add3A_2061 = arith.addi %mul3A_2060, %select_n3A_2028 : vector<16xi32>
        %mul3A_2062 = arith.constant 3 : i32
        %mul3A_2063 = vector.broadcast %mul3A_2062 : i32 to vector<16xi32>
        %mul3A_2064 = arith.muli %add3A_2061, %mul3A_2063 : vector<16xi32>
        %add3A_2065 = arith.addi %mul3A_2064, %select_n3A_2038 : vector<16xi32>
        %add3A_2066 = arith.constant 3059 : i32
        %add3A_2067 = vector.broadcast %add3A_2066 : i32 to vector<16xi32>
        %add3A_2068 = arith.addi %add3A_2065, %add3A_2067 : vector<16xi32>
        %swap3A_2069 = arith.constant 0 : i32
        %swap3A_2070 = arith.index_cast %swap3A_2069 : i32 to index
        %swap3A_2071 = arith.constant 16 : index
        %swap3A_2072 = tpu.vector_load %arg6[%swap3A_2070, %swap3A_2071] {strides = array<i32>} : memref<2x64xi32, #tpu.memory_space<vmem>>, vector<1x16xi32>,
        %swap3A_2073 = vector.shape_cast %swap3A_2072 : vector<1x16xi32> to vector<16xi32>
        %swap3A_2074 = vector.shape_cast %add3A_2042 : vector<16xi32> to vector<1x16xi32>
        tpu.vector_store %arg6[%swap3A_2070, %swap3A_2071], %swap3A_2074 {strides = array<i32>} : memref<2x64xi32, #tpu.memory_space<vmem>>, vector<1x16xi32>,
        %swap3A_2075 = arith.constant 0 : i32
        %swap3A_2076 = arith.index_cast %swap3A_2075 : i32 to index
        %swap3A_2077 = arith.constant 16 : index
        %swap3A_2078 = tpu.vector_load %arg7[%swap3A_2076, %swap3A_2077] {strides = array<i32>} : memref<2x64xi32, #tpu.memory_space<vmem>>, vector<1x16xi32>,
        %swap3A_2079 = vector.shape_cast %swap3A_2078 : vector<1x16xi32> to vector<16xi32>
        %swap3A_2080 = vector.shape_cast %add3A_2053 : vector<16xi32> to vector<1x16xi32>
        tpu.vector_store %arg7[%swap3A_2076, %swap3A_2077], %swap3A_2080 {strides = array<i32>} : memref<2x64xi32, #tpu.memory_space<vmem>>, vector<1x16xi32>,
        %swap3A_2081 = arith.constant 0 : i32
        %swap3A_2082 = arith.index_cast %swap3A_2081 : i32 to index
        %swap3A_2083 = arith.constant 16 : index
        %swap3A_2084 = tpu.vector_load %arg8[%swap3A_2082, %swap3A_2083] {strides = array<i32>} : memref<2x64xi32, #tpu.memory_space<vmem>>, vector<1x16xi32>,
        %swap3A_2085 = vector.shape_cast %swap3A_2084 : vector<1x16xi32> to vector<16xi32>
        %swap3A_2086 = vector.shape_cast %add3A_2068 : vector<16xi32> to vector<1x16xi32>
        tpu.vector_store %arg8[%swap3A_2082, %swap3A_2083], %swap3A_2086 {strides = array<i32>} : memref<2x64xi32, #tpu.memory_space<vmem>>, vector<1x16xi32>,
        %mul3A_2087 = arith.constant 64 : i32
        %mul3A_2088 = arith.muli %add3A_1712, %mul3A_2087 : i32
        %add3A_2089 = arith.constant 32 : i32
        %add3A_2090 = arith.addi %mul3A_2088, %add3A_2089 : i32
        %get3A_2091 = arith.constant 0 : i32
        %get3A_2092 = arith.index_cast %get3A_2091 : i32 to index
        %get3A_2093 = arith.index_cast %add3A_2090 : i32 to index
        %get3A_2094 = tpu.vector_load %arg5[%get3A_2092, %get3A_2093] {strides = array<i32>} : memref<9x3200xi32, #tpu.memory_space<vmem>>, vector<1x16xi32>,
        %get3A_2095 = vector.shape_cast %get3A_2094 : vector<1x16xi32> to vector<16xi32>
        %get3A_2096 = arith.constant 1 : i32
        %get3A_2097 = arith.index_cast %get3A_2096 : i32 to index
        %get3A_2098 = arith.index_cast %add3A_2090 : i32 to index
        %get3A_2099 = tpu.vector_load %arg5[%get3A_2097, %get3A_2098] {strides = array<i32>} : memref<9x3200xi32, #tpu.memory_space<vmem>>, vector<1x16xi32>,
        %get3A_2100 = vector.shape_cast %get3A_2099 : vector<1x16xi32> to vector<16xi32>
        %get3A_2101 = arith.constant 2 : i32
        %get3A_2102 = arith.index_cast %get3A_2101 : i32 to index
        %get3A_2103 = arith.index_cast %add3A_2090 : i32 to index
        %get3A_2104 = tpu.vector_load %arg5[%get3A_2102, %get3A_2103] {strides = array<i32>} : memref<9x3200xi32, #tpu.memory_space<vmem>>, vector<1x16xi32>,
        %get3A_2105 = vector.shape_cast %get3A_2104 : vector<1x16xi32> to vector<16xi32>
        %get3A_2106 = arith.constant 3 : i32
        %get3A_2107 = arith.index_cast %get3A_2106 : i32 to index
        %get3A_2108 = arith.index_cast %add3A_2090 : i32 to index
        %get3A_2109 = tpu.vector_load %arg5[%get3A_2107, %get3A_2108] {strides = array<i32>} : memref<9x3200xi32, #tpu.memory_space<vmem>>, vector<1x16xi32>,
        %get3A_2110 = vector.shape_cast %get3A_2109 : vector<1x16xi32> to vector<16xi32>
        %get3A_2111 = arith.constant 4 : i32
        %get3A_2112 = arith.index_cast %get3A_2111 : i32 to index
        %get3A_2113 = arith.index_cast %add3A_2090 : i32 to index
        %get3A_2114 = tpu.vector_load %arg5[%get3A_2112, %get3A_2113] {strides = array<i32>} : memref<9x3200xi32, #tpu.memory_space<vmem>>, vector<1x16xi32>,
        %get3A_2115 = vector.shape_cast %get3A_2114 : vector<1x16xi32> to vector<16xi32>
        %get3A_2116 = arith.constant 5 : i32
        %get3A_2117 = arith.index_cast %get3A_2116 : i32 to index
        %get3A_2118 = arith.index_cast %add3A_2090 : i32 to index
        %get3A_2119 = tpu.vector_load %arg5[%get3A_2117, %get3A_2118] {strides = array<i32>} : memref<9x3200xi32, #tpu.memory_space<vmem>>, vector<1x16xi32>,
        %get3A_2120 = vector.shape_cast %get3A_2119 : vector<1x16xi32> to vector<16xi32>
        %get3A_2121 = arith.constant 6 : i32
        %get3A_2122 = arith.index_cast %get3A_2121 : i32 to index
        %get3A_2123 = arith.index_cast %add3A_2090 : i32 to index
        %get3A_2124 = tpu.vector_load %arg5[%get3A_2122, %get3A_2123] {strides = array<i32>} : memref<9x3200xi32, #tpu.memory_space<vmem>>, vector<1x16xi32>,
        %get3A_2125 = vector.shape_cast %get3A_2124 : vector<1x16xi32> to vector<16xi32>
        %get3A_2126 = arith.constant 7 : i32
        %get3A_2127 = arith.index_cast %get3A_2126 : i32 to index
        %get3A_2128 = arith.index_cast %add3A_2090 : i32 to index
        %get3A_2129 = tpu.vector_load %arg5[%get3A_2127, %get3A_2128] {strides = array<i32>} : memref<9x3200xi32, #tpu.memory_space<vmem>>, vector<1x16xi32>,
        %get3A_2130 = vector.shape_cast %get3A_2129 : vector<1x16xi32> to vector<16xi32>
        %get3A_2131 = arith.constant 8 : i32
        %get3A_2132 = arith.index_cast %get3A_2131 : i32 to index
        %get3A_2133 = arith.index_cast %add3A_2090 : i32 to index
        %get3A_2134 = tpu.vector_load %arg5[%get3A_2132, %get3A_2133] {strides = array<i32>} : memref<9x3200xi32, #tpu.memory_space<vmem>>, vector<1x16xi32>,
        %get3A_2135 = vector.shape_cast %get3A_2134 : vector<1x16xi32> to vector<16xi32>
        %lt3A_2136 = arith.constant 0 : i32
        %lt3A_2137 = vector.broadcast %lt3A_2136 : i32 to vector<16xi32>
        %lt3A_2138 = arith.cmpi slt, %get3A_2095, %lt3A_2137 : vector<16xi32>
        %ge3A_2139 = arith.constant 119 : i32
        %ge3A_2140 = vector.broadcast %ge3A_2139 : i32 to vector<16xi32>
        %ge3A_2141 = arith.cmpi sge, %get3A_2095, %ge3A_2140 : vector<16xi32>
        %or3A_2142 = arith.ori %lt3A_2138, %ge3A_2141 : vector<16xi1>
        %jit3A_2143 = arith.constant 119 : i32
        %broadcast_in_dim3A_2144 = vector.broadcast %jit3A_2143 : i32 to vector<16xi32>
        %select_n3A_2145 = arith.select %or3A_2142, %broadcast_in_dim3A_2144, %get3A_2095 : vector<16xi1>, vector<16xi32>
        %lt3A_2146 = arith.constant 0 : i32
        %lt3A_2147 = vector.broadcast %lt3A_2146 : i32 to vector<16xi32>
        %lt3A_2148 = arith.cmpi slt, %get3A_2100, %lt3A_2147 : vector<16xi32>
        %ge3A_2149 = arith.constant 9 : i32
        %ge3A_2150 = vector.broadcast %ge3A_2149 : i32 to vector<16xi32>
        %ge3A_2151 = arith.cmpi sge, %get3A_2100, %ge3A_2150 : vector<16xi32>
        %or3A_2152 = arith.ori %lt3A_2148, %ge3A_2151 : vector<16xi1>
        %jit3A_2153 = arith.constant 9 : i32
        %broadcast_in_dim3A_2154 = vector.broadcast %jit3A_2153 : i32 to vector<16xi32>
        %select_n3A_2155 = arith.select %or3A_2152, %broadcast_in_dim3A_2154, %get3A_2100 : vector<16xi1>, vector<16xi32>
        %lt3A_2156 = arith.constant 0 : i32
        %lt3A_2157 = vector.broadcast %lt3A_2156 : i32 to vector<16xi32>
        %lt3A_2158 = arith.cmpi slt, %get3A_2105, %lt3A_2157 : vector<16xi32>
        %ge3A_2159 = arith.constant 12 : i32
        %ge3A_2160 = vector.broadcast %ge3A_2159 : i32 to vector<16xi32>
        %ge3A_2161 = arith.cmpi sge, %get3A_2105, %ge3A_2160 : vector<16xi32>
        %or3A_2162 = arith.ori %lt3A_2158, %ge3A_2161 : vector<16xi1>
        %jit3A_2163 = arith.constant 12 : i32
        %broadcast_in_dim3A_2164 = vector.broadcast %jit3A_2163 : i32 to vector<16xi32>
        %select_n3A_2165 = arith.select %or3A_2162, %broadcast_in_dim3A_2164, %get3A_2105 : vector<16xi1>, vector<16xi32>
        %lt3A_2166 = arith.constant 0 : i32
        %lt3A_2167 = vector.broadcast %lt3A_2166 : i32 to vector<16xi32>
        %lt3A_2168 = arith.cmpi slt, %get3A_2110, %lt3A_2167 : vector<16xi32>
        %ge3A_2169 = arith.constant 12 : i32
        %ge3A_2170 = vector.broadcast %ge3A_2169 : i32 to vector<16xi32>
        %ge3A_2171 = arith.cmpi sge, %get3A_2110, %ge3A_2170 : vector<16xi32>
        %or3A_2172 = arith.ori %lt3A_2168, %ge3A_2171 : vector<16xi1>
        %jit3A_2173 = arith.constant 12 : i32
        %broadcast_in_dim3A_2174 = vector.broadcast %jit3A_2173 : i32 to vector<16xi32>
        %select_n3A_2175 = arith.select %or3A_2172, %broadcast_in_dim3A_2174, %get3A_2110 : vector<16xi1>, vector<16xi32>
        %lt3A_2176 = arith.constant 0 : i32
        %lt3A_2177 = vector.broadcast %lt3A_2176 : i32 to vector<16xi32>
        %lt3A_2178 = arith.cmpi slt, %get3A_2115, %lt3A_2177 : vector<16xi32>
        %ge3A_2179 = arith.constant 10 : i32
        %ge3A_2180 = vector.broadcast %ge3A_2179 : i32 to vector<16xi32>
        %ge3A_2181 = arith.cmpi sge, %get3A_2115, %ge3A_2180 : vector<16xi32>
        %or3A_2182 = arith.ori %lt3A_2178, %ge3A_2181 : vector<16xi1>
        %jit3A_2183 = arith.constant 10 : i32
        %broadcast_in_dim3A_2184 = vector.broadcast %jit3A_2183 : i32 to vector<16xi32>
        %select_n3A_2185 = arith.select %or3A_2182, %broadcast_in_dim3A_2184, %get3A_2115 : vector<16xi1>, vector<16xi32>
        %lt3A_2186 = arith.constant 0 : i32
        %lt3A_2187 = vector.broadcast %lt3A_2186 : i32 to vector<16xi32>
        %lt3A_2188 = arith.cmpi slt, %get3A_2120, %lt3A_2187 : vector<16xi32>
        %ge3A_2189 = arith.constant 6 : i32
        %ge3A_2190 = vector.broadcast %ge3A_2189 : i32 to vector<16xi32>
        %ge3A_2191 = arith.cmpi sge, %get3A_2120, %ge3A_2190 : vector<16xi32>
        %or3A_2192 = arith.ori %lt3A_2188, %ge3A_2191 : vector<16xi1>
        %jit3A_2193 = arith.constant 6 : i32
        %broadcast_in_dim3A_2194 = vector.broadcast %jit3A_2193 : i32 to vector<16xi32>
        %select_n3A_2195 = arith.select %or3A_2192, %broadcast_in_dim3A_2194, %get3A_2120 : vector<16xi1>, vector<16xi32>
        %lt3A_2196 = arith.constant 0 : i32
        %lt3A_2197 = vector.broadcast %lt3A_2196 : i32 to vector<16xi32>
        %lt3A_2198 = arith.cmpi slt, %get3A_2125, %lt3A_2197 : vector<16xi32>
        %ge3A_2199 = arith.constant 6 : i32
        %ge3A_2200 = vector.broadcast %ge3A_2199 : i32 to vector<16xi32>
        %ge3A_2201 = arith.cmpi sge, %get3A_2125, %ge3A_2200 : vector<16xi32>
        %or3A_2202 = arith.ori %lt3A_2198, %ge3A_2201 : vector<16xi1>
        %jit3A_2203 = arith.constant 6 : i32
        %broadcast_in_dim3A_2204 = vector.broadcast %jit3A_2203 : i32 to vector<16xi32>
        %select_n3A_2205 = arith.select %or3A_2202, %broadcast_in_dim3A_2204, %get3A_2125 : vector<16xi1>, vector<16xi32>
        %lt3A_2206 = arith.constant 0 : i32
        %lt3A_2207 = vector.broadcast %lt3A_2206 : i32 to vector<16xi32>
        %lt3A_2208 = arith.cmpi slt, %get3A_2130, %lt3A_2207 : vector<16xi32>
        %ge3A_2209 = arith.constant 2 : i32
        %ge3A_2210 = vector.broadcast %ge3A_2209 : i32 to vector<16xi32>
        %ge3A_2211 = arith.cmpi sge, %get3A_2130, %ge3A_2210 : vector<16xi32>
        %or3A_2212 = arith.ori %lt3A_2208, %ge3A_2211 : vector<16xi1>
        %jit3A_2213 = arith.constant 2 : i32
        %broadcast_in_dim3A_2214 = vector.broadcast %jit3A_2213 : i32 to vector<16xi32>
        %select_n3A_2215 = arith.select %or3A_2212, %broadcast_in_dim3A_2214, %get3A_2130 : vector<16xi1>, vector<16xi32>
        %lt3A_2216 = arith.constant 0 : i32
        %lt3A_2217 = vector.broadcast %lt3A_2216 : i32 to vector<16xi32>
        %lt3A_2218 = arith.cmpi slt, %get3A_2135, %lt3A_2217 : vector<16xi32>
        %ge3A_2219 = arith.constant 2 : i32
        %ge3A_2220 = vector.broadcast %ge3A_2219 : i32 to vector<16xi32>
        %ge3A_2221 = arith.cmpi sge, %get3A_2135, %ge3A_2220 : vector<16xi32>
        %or3A_2222 = arith.ori %lt3A_2218, %ge3A_2221 : vector<16xi1>
        %jit3A_2223 = arith.constant 2 : i32
        %broadcast_in_dim3A_2224 = vector.broadcast %jit3A_2223 : i32 to vector<16xi32>
        %select_n3A_2225 = arith.select %or3A_2222, %broadcast_in_dim3A_2224, %get3A_2135 : vector<16xi1>, vector<16xi32>
        %mul3A_2226 = arith.constant 10 : i32
        %mul3A_2227 = vector.broadcast %mul3A_2226 : i32 to vector<16xi32>
        %mul3A_2228 = arith.muli %select_n3A_2145, %mul3A_2227 : vector<16xi32>
        %add3A_2229 = arith.addi %mul3A_2228, %select_n3A_2155 : vector<16xi32>
        %mul3A_2230 = arith.constant 13 : i32
        %mul3A_2231 = vector.broadcast %mul3A_2230 : i32 to vector<16xi32>
        %mul3A_2232 = arith.muli %select_n3A_2165, %mul3A_2231 : vector<16xi32>
        %add3A_2233 = arith.addi %mul3A_2232, %select_n3A_2175 : vector<16xi32>
        %mul3A_2234 = arith.constant 11 : i32
        %mul3A_2235 = vector.broadcast %mul3A_2234 : i32 to vector<16xi32>
        %mul3A_2236 = arith.muli %add3A_2233, %mul3A_2235 : vector<16xi32>
        %add3A_2237 = arith.addi %mul3A_2236, %select_n3A_2185 : vector<16xi32>
        %add3A_2238 = arith.constant 1200 : i32
        %add3A_2239 = vector.broadcast %add3A_2238 : i32 to vector<16xi32>
        %add3A_2240 = arith.addi %add3A_2237, %add3A_2239 : vector<16xi32>
        %mul3A_2241 = arith.constant 7 : i32
        %mul3A_2242 = vector.broadcast %mul3A_2241 : i32 to vector<16xi32>
        %mul3A_2243 = arith.muli %select_n3A_2195, %mul3A_2242 : vector<16xi32>
        %add3A_2244 = arith.addi %mul3A_2243, %select_n3A_2205 : vector<16xi32>
        %mul3A_2245 = arith.constant 3 : i32
        %mul3A_2246 = vector.broadcast %mul3A_2245 : i32 to vector<16xi32>
        %mul3A_2247 = arith.muli %add3A_2244, %mul3A_2246 : vector<16xi32>
        %add3A_2248 = arith.addi %mul3A_2247, %select_n3A_2215 : vector<16xi32>
        %mul3A_2249 = arith.constant 3 : i32
        %mul3A_2250 = vector.broadcast %mul3A_2249 : i32 to vector<16xi32>
        %mul3A_2251 = arith.muli %add3A_2248, %mul3A_2250 : vector<16xi32>
        %add3A_2252 = arith.addi %mul3A_2251, %select_n3A_2225 : vector<16xi32>
        %add3A_2253 = arith.constant 3059 : i32
        %add3A_2254 = vector.broadcast %add3A_2253 : i32 to vector<16xi32>
        %add3A_2255 = arith.addi %add3A_2252, %add3A_2254 : vector<16xi32>
        %swap3A_2256 = arith.constant 0 : i32
        %swap3A_2257 = arith.index_cast %swap3A_2256 : i32 to index
        %swap3A_2258 = arith.constant 32 : index
        %swap3A_2259 = tpu.vector_load %arg6[%swap3A_2257, %swap3A_2258] {strides = array<i32>} : memref<2x64xi32, #tpu.memory_space<vmem>>, vector<1x16xi32>,
        %swap3A_2260 = vector.shape_cast %swap3A_2259 : vector<1x16xi32> to vector<16xi32>
        %swap3A_2261 = vector.shape_cast %add3A_2229 : vector<16xi32> to vector<1x16xi32>
        tpu.vector_store %arg6[%swap3A_2257, %swap3A_2258], %swap3A_2261 {strides = array<i32>} : memref<2x64xi32, #tpu.memory_space<vmem>>, vector<1x16xi32>,
        %swap3A_2262 = arith.constant 0 : i32
        %swap3A_2263 = arith.index_cast %swap3A_2262 : i32 to index
        %swap3A_2264 = arith.constant 32 : index
        %swap3A_2265 = tpu.vector_load %arg7[%swap3A_2263, %swap3A_2264] {strides = array<i32>} : memref<2x64xi32, #tpu.memory_space<vmem>>, vector<1x16xi32>,
        %swap3A_2266 = vector.shape_cast %swap3A_2265 : vector<1x16xi32> to vector<16xi32>
        %swap3A_2267 = vector.shape_cast %add3A_2240 : vector<16xi32> to vector<1x16xi32>
        tpu.vector_store %arg7[%swap3A_2263, %swap3A_2264], %swap3A_2267 {strides = array<i32>} : memref<2x64xi32, #tpu.memory_space<vmem>>, vector<1x16xi32>,
        %swap3A_2268 = arith.constant 0 : i32
        %swap3A_2269 = arith.index_cast %swap3A_2268 : i32 to index
        %swap3A_2270 = arith.constant 32 : index
        %swap3A_2271 = tpu.vector_load %arg8[%swap3A_2269, %swap3A_2270] {strides = array<i32>} : memref<2x64xi32, #tpu.memory_space<vmem>>, vector<1x16xi32>,
        %swap3A_2272 = vector.shape_cast %swap3A_2271 : vector<1x16xi32> to vector<16xi32>
        %swap3A_2273 = vector.shape_cast %add3A_2255 : vector<16xi32> to vector<1x16xi32>
        tpu.vector_store %arg8[%swap3A_2269, %swap3A_2270], %swap3A_2273 {strides = array<i32>} : memref<2x64xi32, #tpu.memory_space<vmem>>, vector<1x16xi32>,
        %mul3A_2274 = arith.constant 64 : i32
        %mul3A_2275 = arith.muli %add3A_1712, %mul3A_2274 : i32
        %add3A_2276 = arith.constant 48 : i32
        %add3A_2277 = arith.addi %mul3A_2275, %add3A_2276 : i32
        %get3A_2278 = arith.constant 0 : i32
        %get3A_2279 = arith.index_cast %get3A_2278 : i32 to index
        %get3A_2280 = arith.index_cast %add3A_2277 : i32 to index
        %get3A_2281 = tpu.vector_load %arg5[%get3A_2279, %get3A_2280] {strides = array<i32>} : memref<9x3200xi32, #tpu.memory_space<vmem>>, vector<1x16xi32>,
        %get3A_2282 = vector.shape_cast %get3A_2281 : vector<1x16xi32> to vector<16xi32>
        %get3A_2283 = arith.constant 1 : i32
        %get3A_2284 = arith.index_cast %get3A_2283 : i32 to index
        %get3A_2285 = arith.index_cast %add3A_2277 : i32 to index
        %get3A_2286 = tpu.vector_load %arg5[%get3A_2284, %get3A_2285] {strides = array<i32>} : memref<9x3200xi32, #tpu.memory_space<vmem>>, vector<1x16xi32>,
        %get3A_2287 = vector.shape_cast %get3A_2286 : vector<1x16xi32> to vector<16xi32>
        %get3A_2288 = arith.constant 2 : i32
        %get3A_2289 = arith.index_cast %get3A_2288 : i32 to index
        %get3A_2290 = arith.index_cast %add3A_2277 : i32 to index
        %get3A_2291 = tpu.vector_load %arg5[%get3A_2289, %get3A_2290] {strides = array<i32>} : memref<9x3200xi32, #tpu.memory_space<vmem>>, vector<1x16xi32>,
        %get3A_2292 = vector.shape_cast %get3A_2291 : vector<1x16xi32> to vector<16xi32>
        %get3A_2293 = arith.constant 3 : i32
        %get3A_2294 = arith.index_cast %get3A_2293 : i32 to index
        %get3A_2295 = arith.index_cast %add3A_2277 : i32 to index
        %get3A_2296 = tpu.vector_load %arg5[%get3A_2294, %get3A_2295] {strides = array<i32>} : memref<9x3200xi32, #tpu.memory_space<vmem>>, vector<1x16xi32>,
        %get3A_2297 = vector.shape_cast %get3A_2296 : vector<1x16xi32> to vector<16xi32>
        %get3A_2298 = arith.constant 4 : i32
        %get3A_2299 = arith.index_cast %get3A_2298 : i32 to index
        %get3A_2300 = arith.index_cast %add3A_2277 : i32 to index
        %get3A_2301 = tpu.vector_load %arg5[%get3A_2299, %get3A_2300] {strides = array<i32>} : memref<9x3200xi32, #tpu.memory_space<vmem>>, vector<1x16xi32>,
        %get3A_2302 = vector.shape_cast %get3A_2301 : vector<1x16xi32> to vector<16xi32>
        %get3A_2303 = arith.constant 5 : i32
        %get3A_2304 = arith.index_cast %get3A_2303 : i32 to index
        %get3A_2305 = arith.index_cast %add3A_2277 : i32 to index
        %get3A_2306 = tpu.vector_load %arg5[%get3A_2304, %get3A_2305] {strides = array<i32>} : memref<9x3200xi32, #tpu.memory_space<vmem>>, vector<1x16xi32>,
        %get3A_2307 = vector.shape_cast %get3A_2306 : vector<1x16xi32> to vector<16xi32>
        %get3A_2308 = arith.constant 6 : i32
        %get3A_2309 = arith.index_cast %get3A_2308 : i32 to index
        %get3A_2310 = arith.index_cast %add3A_2277 : i32 to index
        %get3A_2311 = tpu.vector_load %arg5[%get3A_2309, %get3A_2310] {strides = array<i32>} : memref<9x3200xi32, #tpu.memory_space<vmem>>, vector<1x16xi32>,
        %get3A_2312 = vector.shape_cast %get3A_2311 : vector<1x16xi32> to vector<16xi32>
        %get3A_2313 = arith.constant 7 : i32
        %get3A_2314 = arith.index_cast %get3A_2313 : i32 to index
        %get3A_2315 = arith.index_cast %add3A_2277 : i32 to index
        %get3A_2316 = tpu.vector_load %arg5[%get3A_2314, %get3A_2315] {strides = array<i32>} : memref<9x3200xi32, #tpu.memory_space<vmem>>, vector<1x16xi32>,
        %get3A_2317 = vector.shape_cast %get3A_2316 : vector<1x16xi32> to vector<16xi32>
        %get3A_2318 = arith.constant 8 : i32
        %get3A_2319 = arith.index_cast %get3A_2318 : i32 to index
        %get3A_2320 = arith.index_cast %add3A_2277 : i32 to index
        %get3A_2321 = tpu.vector_load %arg5[%get3A_2319, %get3A_2320] {strides = array<i32>} : memref<9x3200xi32, #tpu.memory_space<vmem>>, vector<1x16xi32>,
        %get3A_2322 = vector.shape_cast %get3A_2321 : vector<1x16xi32> to vector<16xi32>
        %lt3A_2323 = arith.constant 0 : i32
        %lt3A_2324 = vector.broadcast %lt3A_2323 : i32 to vector<16xi32>
        %lt3A_2325 = arith.cmpi slt, %get3A_2282, %lt3A_2324 : vector<16xi32>
        %ge3A_2326 = arith.constant 119 : i32
        %ge3A_2327 = vector.broadcast %ge3A_2326 : i32 to vector<16xi32>
        %ge3A_2328 = arith.cmpi sge, %get3A_2282, %ge3A_2327 : vector<16xi32>
        %or3A_2329 = arith.ori %lt3A_2325, %ge3A_2328 : vector<16xi1>
        %jit3A_2330 = arith.constant 119 : i32
        %broadcast_in_dim3A_2331 = vector.broadcast %jit3A_2330 : i32 to vector<16xi32>
        %select_n3A_2332 = arith.select %or3A_2329, %broadcast_in_dim3A_2331, %get3A_2282 : vector<16xi1>, vector<16xi32>
        %lt3A_2333 = arith.constant 0 : i32
        %lt3A_2334 = vector.broadcast %lt3A_2333 : i32 to vector<16xi32>
        %lt3A_2335 = arith.cmpi slt, %get3A_2287, %lt3A_2334 : vector<16xi32>
        %ge3A_2336 = arith.constant 9 : i32
        %ge3A_2337 = vector.broadcast %ge3A_2336 : i32 to vector<16xi32>
        %ge3A_2338 = arith.cmpi sge, %get3A_2287, %ge3A_2337 : vector<16xi32>
        %or3A_2339 = arith.ori %lt3A_2335, %ge3A_2338 : vector<16xi1>
        %jit3A_2340 = arith.constant 9 : i32
        %broadcast_in_dim3A_2341 = vector.broadcast %jit3A_2340 : i32 to vector<16xi32>
        %select_n3A_2342 = arith.select %or3A_2339, %broadcast_in_dim3A_2341, %get3A_2287 : vector<16xi1>, vector<16xi32>
        %lt3A_2343 = arith.constant 0 : i32
        %lt3A_2344 = vector.broadcast %lt3A_2343 : i32 to vector<16xi32>
        %lt3A_2345 = arith.cmpi slt, %get3A_2292, %lt3A_2344 : vector<16xi32>
        %ge3A_2346 = arith.constant 12 : i32
        %ge3A_2347 = vector.broadcast %ge3A_2346 : i32 to vector<16xi32>
        %ge3A_2348 = arith.cmpi sge, %get3A_2292, %ge3A_2347 : vector<16xi32>
        %or3A_2349 = arith.ori %lt3A_2345, %ge3A_2348 : vector<16xi1>
        %jit3A_2350 = arith.constant 12 : i32
        %broadcast_in_dim3A_2351 = vector.broadcast %jit3A_2350 : i32 to vector<16xi32>
        %select_n3A_2352 = arith.select %or3A_2349, %broadcast_in_dim3A_2351, %get3A_2292 : vector<16xi1>, vector<16xi32>
        %lt3A_2353 = arith.constant 0 : i32
        %lt3A_2354 = vector.broadcast %lt3A_2353 : i32 to vector<16xi32>
        %lt3A_2355 = arith.cmpi slt, %get3A_2297, %lt3A_2354 : vector<16xi32>
        %ge3A_2356 = arith.constant 12 : i32
        %ge3A_2357 = vector.broadcast %ge3A_2356 : i32 to vector<16xi32>
        %ge3A_2358 = arith.cmpi sge, %get3A_2297, %ge3A_2357 : vector<16xi32>
        %or3A_2359 = arith.ori %lt3A_2355, %ge3A_2358 : vector<16xi1>
        %jit3A_2360 = arith.constant 12 : i32
        %broadcast_in_dim3A_2361 = vector.broadcast %jit3A_2360 : i32 to vector<16xi32>
        %select_n3A_2362 = arith.select %or3A_2359, %broadcast_in_dim3A_2361, %get3A_2297 : vector<16xi1>, vector<16xi32>
        %lt3A_2363 = arith.constant 0 : i32
        %lt3A_2364 = vector.broadcast %lt3A_2363 : i32 to vector<16xi32>
        %lt3A_2365 = arith.cmpi slt, %get3A_2302, %lt3A_2364 : vector<16xi32>
        %ge3A_2366 = arith.constant 10 : i32
        %ge3A_2367 = vector.broadcast %ge3A_2366 : i32 to vector<16xi32>
        %ge3A_2368 = arith.cmpi sge, %get3A_2302, %ge3A_2367 : vector<16xi32>
        %or3A_2369 = arith.ori %lt3A_2365, %ge3A_2368 : vector<16xi1>
        %jit3A_2370 = arith.constant 10 : i32
        %broadcast_in_dim3A_2371 = vector.broadcast %jit3A_2370 : i32 to vector<16xi32>
        %select_n3A_2372 = arith.select %or3A_2369, %broadcast_in_dim3A_2371, %get3A_2302 : vector<16xi1>, vector<16xi32>
        %lt3A_2373 = arith.constant 0 : i32
        %lt3A_2374 = vector.broadcast %lt3A_2373 : i32 to vector<16xi32>
        %lt3A_2375 = arith.cmpi slt, %get3A_2307, %lt3A_2374 : vector<16xi32>
        %ge3A_2376 = arith.constant 6 : i32
        %ge3A_2377 = vector.broadcast %ge3A_2376 : i32 to vector<16xi32>
        %ge3A_2378 = arith.cmpi sge, %get3A_2307, %ge3A_2377 : vector<16xi32>
        %or3A_2379 = arith.ori %lt3A_2375, %ge3A_2378 : vector<16xi1>
        %jit3A_2380 = arith.constant 6 : i32
        %broadcast_in_dim3A_2381 = vector.broadcast %jit3A_2380 : i32 to vector<16xi32>
        %select_n3A_2382 = arith.select %or3A_2379, %broadcast_in_dim3A_2381, %get3A_2307 : vector<16xi1>, vector<16xi32>
        %lt3A_2383 = arith.constant 0 : i32
        %lt3A_2384 = vector.broadcast %lt3A_2383 : i32 to vector<16xi32>
        %lt3A_2385 = arith.cmpi slt, %get3A_2312, %lt3A_2384 : vector<16xi32>
        %ge3A_2386 = arith.constant 6 : i32
        %ge3A_2387 = vector.broadcast %ge3A_2386 : i32 to vector<16xi32>
        %ge3A_2388 = arith.cmpi sge, %get3A_2312, %ge3A_2387 : vector<16xi32>
        %or3A_2389 = arith.ori %lt3A_2385, %ge3A_2388 : vector<16xi1>
        %jit3A_2390 = arith.constant 6 : i32
        %broadcast_in_dim3A_2391 = vector.broadcast %jit3A_2390 : i32 to vector<16xi32>
        %select_n3A_2392 = arith.select %or3A_2389, %broadcast_in_dim3A_2391, %get3A_2312 : vector<16xi1>, vector<16xi32>
        %lt3A_2393 = arith.constant 0 : i32
        %lt3A_2394 = vector.broadcast %lt3A_2393 : i32 to vector<16xi32>
        %lt3A_2395 = arith.cmpi slt, %get3A_2317, %lt3A_2394 : vector<16xi32>
        %ge3A_2396 = arith.constant 2 : i32
        %ge3A_2397 = vector.broadcast %ge3A_2396 : i32 to vector<16xi32>
        %ge3A_2398 = arith.cmpi sge, %get3A_2317, %ge3A_2397 : vector<16xi32>
        %or3A_2399 = arith.ori %lt3A_2395, %ge3A_2398 : vector<16xi1>
        %jit3A_2400 = arith.constant 2 : i32
        %broadcast_in_dim3A_2401 = vector.broadcast %jit3A_2400 : i32 to vector<16xi32>
        %select_n3A_2402 = arith.select %or3A_2399, %broadcast_in_dim3A_2401, %get3A_2317 : vector<16xi1>, vector<16xi32>
        %lt3A_2403 = arith.constant 0 : i32
        %lt3A_2404 = vector.broadcast %lt3A_2403 : i32 to vector<16xi32>
        %lt3A_2405 = arith.cmpi slt, %get3A_2322, %lt3A_2404 : vector<16xi32>
        %ge3A_2406 = arith.constant 2 : i32
        %ge3A_2407 = vector.broadcast %ge3A_2406 : i32 to vector<16xi32>
        %ge3A_2408 = arith.cmpi sge, %get3A_2322, %ge3A_2407 : vector<16xi32>
        %or3A_2409 = arith.ori %lt3A_2405, %ge3A_2408 : vector<16xi1>
        %jit3A_2410 = arith.constant 2 : i32
        %broadcast_in_dim3A_2411 = vector.broadcast %jit3A_2410 : i32 to vector<16xi32>
        %select_n3A_2412 = arith.select %or3A_2409, %broadcast_in_dim3A_2411, %get3A_2322 : vector<16xi1>, vector<16xi32>
        %mul3A_2413 = arith.constant 10 : i32
        %mul3A_2414 = vector.broadcast %mul3A_2413 : i32 to vector<16xi32>
        %mul3A_2415 = arith.muli %select_n3A_2332, %mul3A_2414 : vector<16xi32>
        %add3A_2416 = arith.addi %mul3A_2415, %select_n3A_2342 : vector<16xi32>
        %mul3A_2417 = arith.constant 13 : i32
        %mul3A_2418 = vector.broadcast %mul3A_2417 : i32 to vector<16xi32>
        %mul3A_2419 = arith.muli %select_n3A_2352, %mul3A_2418 : vector<16xi32>
        %add3A_2420 = arith.addi %mul3A_2419, %select_n3A_2362 : vector<16xi32>
        %mul3A_2421 = arith.constant 11 : i32
        %mul3A_2422 = vector.broadcast %mul3A_2421 : i32 to vector<16xi32>
        %mul3A_2423 = arith.muli %add3A_2420, %mul3A_2422 : vector<16xi32>
        %add3A_2424 = arith.addi %mul3A_2423, %select_n3A_2372 : vector<16xi32>
        %add3A_2425 = arith.constant 1200 : i32
        %add3A_2426 = vector.broadcast %add3A_2425 : i32 to vector<16xi32>
        %add3A_2427 = arith.addi %add3A_2424, %add3A_2426 : vector<16xi32>
        %mul3A_2428 = arith.constant 7 : i32
        %mul3A_2429 = vector.broadcast %mul3A_2428 : i32 to vector<16xi32>
        %mul3A_2430 = arith.muli %select_n3A_2382, %mul3A_2429 : vector<16xi32>
        %add3A_2431 = arith.addi %mul3A_2430, %select_n3A_2392 : vector<16xi32>
        %mul3A_2432 = arith.constant 3 : i32
        %mul3A_2433 = vector.broadcast %mul3A_2432 : i32 to vector<16xi32>
        %mul3A_2434 = arith.muli %add3A_2431, %mul3A_2433 : vector<16xi32>
        %add3A_2435 = arith.addi %mul3A_2434, %select_n3A_2402 : vector<16xi32>
        %mul3A_2436 = arith.constant 3 : i32
        %mul3A_2437 = vector.broadcast %mul3A_2436 : i32 to vector<16xi32>
        %mul3A_2438 = arith.muli %add3A_2435, %mul3A_2437 : vector<16xi32>
        %add3A_2439 = arith.addi %mul3A_2438, %select_n3A_2412 : vector<16xi32>
        %add3A_2440 = arith.constant 3059 : i32
        %add3A_2441 = vector.broadcast %add3A_2440 : i32 to vector<16xi32>
        %add3A_2442 = arith.addi %add3A_2439, %add3A_2441 : vector<16xi32>
        %swap3A_2443 = arith.constant 0 : i32
        %swap3A_2444 = arith.index_cast %swap3A_2443 : i32 to index
        %swap3A_2445 = arith.constant 48 : index
        %swap3A_2446 = tpu.vector_load %arg6[%swap3A_2444, %swap3A_2445] {strides = array<i32>} : memref<2x64xi32, #tpu.memory_space<vmem>>, vector<1x16xi32>,
        %swap3A_2447 = vector.shape_cast %swap3A_2446 : vector<1x16xi32> to vector<16xi32>
        %swap3A_2448 = vector.shape_cast %add3A_2416 : vector<16xi32> to vector<1x16xi32>
        tpu.vector_store %arg6[%swap3A_2444, %swap3A_2445], %swap3A_2448 {strides = array<i32>} : memref<2x64xi32, #tpu.memory_space<vmem>>, vector<1x16xi32>,
        %swap3A_2449 = arith.constant 0 : i32
        %swap3A_2450 = arith.index_cast %swap3A_2449 : i32 to index
        %swap3A_2451 = arith.constant 48 : index
        %swap3A_2452 = tpu.vector_load %arg7[%swap3A_2450, %swap3A_2451] {strides = array<i32>} : memref<2x64xi32, #tpu.memory_space<vmem>>, vector<1x16xi32>,
        %swap3A_2453 = vector.shape_cast %swap3A_2452 : vector<1x16xi32> to vector<16xi32>
        %swap3A_2454 = vector.shape_cast %add3A_2427 : vector<16xi32> to vector<1x16xi32>
        tpu.vector_store %arg7[%swap3A_2450, %swap3A_2451], %swap3A_2454 {strides = array<i32>} : memref<2x64xi32, #tpu.memory_space<vmem>>, vector<1x16xi32>,
        %swap3A_2455 = arith.constant 0 : i32
        %swap3A_2456 = arith.index_cast %swap3A_2455 : i32 to index
        %swap3A_2457 = arith.constant 48 : index
        %swap3A_2458 = tpu.vector_load %arg8[%swap3A_2456, %swap3A_2457] {strides = array<i32>} : memref<2x64xi32, #tpu.memory_space<vmem>>, vector<1x16xi32>,
        %swap3A_2459 = vector.shape_cast %swap3A_2458 : vector<1x16xi32> to vector<16xi32>
        %swap3A_2460 = vector.shape_cast %add3A_2442 : vector<16xi32> to vector<1x16xi32>
        tpu.vector_store %arg8[%swap3A_2456, %swap3A_2457], %swap3A_2460 {strides = array<i32>} : memref<2x64xi32, #tpu.memory_space<vmem>>, vector<1x16xi32>,
        %mul3A_2461 = arith.constant 2 : i32
        %mul3A_2462 = arith.muli %mul3A_2461, %scan3A_783 : i32
        %mul3A_2463 = arith.constant 64 : i32
        %mul3A_2464 = arith.muli %mul3A_2462, %mul3A_2463 : i32
        %add3A_2465 = arith.addi %mul3A_2, %mul3A_2464 : i32
        %dma_wait3A_2466 = arith.constant 0 : i32
        %dma_wait3A_2467 = arith.constant 0 : i32
        %dma_wait3A_2468 = arith.constant 0 : i32
        %dma_wait3A_2469 = tpu.memref_slice %arg9[%dma_wait3A_2466, %dma_wait3A_2467, %dma_wait3A_2468] : memref<2x64x128xf32, #tpu.memory_space<vmem>> -> memref<1x64x128xf32, #tpu.memory_space<vmem>>
        %dma_wait3A_2470 = tpu.memref_squeeze %dma_wait3A_2469 : memref<1x64x128xf32, #tpu.memory_space<vmem>> -> memref<64x128xf32, #tpu.memory_space<vmem>>
        %dma_wait3A_2471 = arith.constant 0 : i32
        %dma_wait3A_2472 = tpu.memref_slice %arg4[%add3A_2465, %dma_wait3A_2471] : memref<102400x128xf32, #tpu.memory_space<hbm>> -> memref<64x128xf32, #tpu.memory_space<hbm>>
        %dma_wait3A_2473 = arith.constant 0 : i32
        %dma_wait3A_2474 = tpu.memref_slice %arg4[%add3A_2465, %dma_wait3A_2473] : memref<102400x128xf32, #tpu.memory_space<hbm>> -> memref<64x128xf32, #tpu.memory_space<hbm>>
        %dma_wait3A_2475 = arith.constant 0 : i32
        %dma_wait3A_2476 = arith.constant 0 : i32
        %dma_wait3A_2477 = tpu.memref_slice %arg9[%dma_wait3A_2466, %dma_wait3A_2475, %dma_wait3A_2476] : memref<2x64x128xf32, #tpu.memory_space<vmem>> -> memref<1x64x128xf32, #tpu.memory_space<vmem>>
        %dma_wait3A_2478 = tpu.memref_squeeze %dma_wait3A_2477 : memref<1x64x128xf32, #tpu.memory_space<vmem>> -> memref<64x128xf32, #tpu.memory_space<vmem>>
        tpu.wait_dma2 semaphore(%arg15 : memref<!tpu.dma_semaphore, #tpu.memory_space<semaphore_mem>>) src(%dma_wait3A_2478 : memref<64x128xf32, #tpu.memory_space<vmem>>) dst(%dma_wait3A_2474 : memref<64x128xf32, #tpu.memory_space<hbm>>)
        %dma_start3A_2479 = arith.constant 0 : i32
        %dma_start3A_2480 = arith.constant 0 : i32
        %dma_start3A_2481 = arith.constant 0 : i32
        %dma_start3A_2482 = arith.constant 0 : i32
        %dma_start3A_2483 = tpu.memref_slice %arg9[%dma_start3A_2480, %dma_start3A_2481, %dma_start3A_2482] : memref<2x64x128xf32, #tpu.memory_space<vmem>> -> memref<1x64x128xf32, #tpu.memory_space<vmem>>
        %dma_start3A_2484 = tpu.memref_squeeze %dma_start3A_2483 : memref<1x64x128xf32, #tpu.memory_space<vmem>> -> memref<64x128xf32, #tpu.memory_space<vmem>>
        %dma_start3A_2485 = arith.constant 0 : i32
        %dma_start3A_2486 = tpu.memref_slice %arg6[%dma_start3A_2479, %dma_start3A_2485] : memref<2x64xi32, #tpu.memory_space<vmem>> -> memref<1x64xi32, #tpu.memory_space<vmem>>
        %dma_start3A_2487 = tpu.memref_squeeze %dma_start3A_2486 : memref<1x64xi32, #tpu.memory_space<vmem>> -> memref<64xi32, #tpu.memory_space<vmem>>
        %dma_start3A_2488 = arith.constant 0 : i32
        %dma_start3A_2489 = arith.constant 0 : i32
        %dma_start3A_2490 = tpu.memref_slice %arg12[%dma_start3A_2488, %dma_start3A_2489] : memref<3500x128xf32, #tpu.memory_space<vmem_shared>> -> memref<3500x128xf32, #tpu.memory_space<vmem_shared>>
        tpu.enqueue_indirect_dma source(%dma_start3A_2490 : memref<3500x128xf32, #tpu.memory_space<vmem_shared>>) target(%dma_start3A_2484 : memref<64x128xf32, #tpu.memory_space<vmem>>) offsets(%dma_start3A_2487 : memref<64xi32, #tpu.memory_space<vmem>>) semaphore(%arg13 : memref<!tpu.dma_semaphore, #tpu.memory_space<semaphore_mem>>)
        %dma_start3A_2491 = arith.constant 0 : i32
        %dma_start3A_2492 = arith.constant 0 : i32
        %dma_start3A_2493 = arith.constant 0 : i32
        %dma_start3A_2494 = arith.constant 0 : i32
        %dma_start3A_2495 = tpu.memref_slice %arg10[%dma_start3A_2492, %dma_start3A_2493, %dma_start3A_2494] : memref<2x64x128xf32, #tpu.memory_space<vmem>> -> memref<1x64x128xf32, #tpu.memory_space<vmem>>
        %dma_start3A_2496 = tpu.memref_squeeze %dma_start3A_2495 : memref<1x64x128xf32, #tpu.memory_space<vmem>> -> memref<64x128xf32, #tpu.memory_space<vmem>>
        %dma_start3A_2497 = arith.constant 0 : i32
        %dma_start3A_2498 = tpu.memref_slice %arg7[%dma_start3A_2491, %dma_start3A_2497] : memref<2x64xi32, #tpu.memory_space<vmem>> -> memref<1x64xi32, #tpu.memory_space<vmem>>
        %dma_start3A_2499 = tpu.memref_squeeze %dma_start3A_2498 : memref<1x64xi32, #tpu.memory_space<vmem>> -> memref<64xi32, #tpu.memory_space<vmem>>
        %dma_start3A_2500 = arith.constant 0 : i32
        %dma_start3A_2501 = arith.constant 0 : i32
        %dma_start3A_2502 = tpu.memref_slice %arg12[%dma_start3A_2500, %dma_start3A_2501] : memref<3500x128xf32, #tpu.memory_space<vmem_shared>> -> memref<3500x128xf32, #tpu.memory_space<vmem_shared>>
        tpu.enqueue_indirect_dma source(%dma_start3A_2502 : memref<3500x128xf32, #tpu.memory_space<vmem_shared>>) target(%dma_start3A_2496 : memref<64x128xf32, #tpu.memory_space<vmem>>) offsets(%dma_start3A_2499 : memref<64xi32, #tpu.memory_space<vmem>>) semaphore(%arg13 : memref<!tpu.dma_semaphore, #tpu.memory_space<semaphore_mem>>)
        %dma_start3A_2503 = arith.constant 0 : i32
        %dma_start3A_2504 = arith.constant 0 : i32
        %dma_start3A_2505 = arith.constant 0 : i32
        %dma_start3A_2506 = arith.constant 0 : i32
        %dma_start3A_2507 = tpu.memref_slice %arg11[%dma_start3A_2504, %dma_start3A_2505, %dma_start3A_2506] : memref<2x64x128xf32, #tpu.memory_space<vmem>> -> memref<1x64x128xf32, #tpu.memory_space<vmem>>
        %dma_start3A_2508 = tpu.memref_squeeze %dma_start3A_2507 : memref<1x64x128xf32, #tpu.memory_space<vmem>> -> memref<64x128xf32, #tpu.memory_space<vmem>>
        %dma_start3A_2509 = arith.constant 0 : i32
        %dma_start3A_2510 = tpu.memref_slice %arg8[%dma_start3A_2503, %dma_start3A_2509] : memref<2x64xi32, #tpu.memory_space<vmem>> -> memref<1x64xi32, #tpu.memory_space<vmem>>
        %dma_start3A_2511 = tpu.memref_squeeze %dma_start3A_2510 : memref<1x64xi32, #tpu.memory_space<vmem>> -> memref<64xi32, #tpu.memory_space<vmem>>
        %dma_start3A_2512 = arith.constant 0 : i32
        %dma_start3A_2513 = arith.constant 0 : i32
        %dma_start3A_2514 = tpu.memref_slice %arg12[%dma_start3A_2512, %dma_start3A_2513] : memref<3500x128xf32, #tpu.memory_space<vmem_shared>> -> memref<3500x128xf32, #tpu.memory_space<vmem_shared>>
        tpu.enqueue_indirect_dma source(%dma_start3A_2514 : memref<3500x128xf32, #tpu.memory_space<vmem_shared>>) target(%dma_start3A_2508 : memref<64x128xf32, #tpu.memory_space<vmem>>) offsets(%dma_start3A_2511 : memref<64xi32, #tpu.memory_space<vmem>>) semaphore(%arg13 : memref<!tpu.dma_semaphore, #tpu.memory_space<semaphore_mem>>)
      } else {
      }
      %eq3A_1642 = arith.constant 24 : i32
      %eq3A_1643 = arith.cmpi eq, %scan3A_783, %eq3A_1642 : i32
      %convert_element_type3A_1644 = arith.extui %eq3A_1643 : i1 to i32
      %cond3A_1645 = arith.constant 0 : i32
      %cond3A_1646 = arith.cmpi ne, %convert_element_type3A_1644, %cond3A_1645 : i32
      scf.if %cond3A_1646 {
        %mul3A_1709 = arith.constant 2 : i32
        %mul3A_1710 = arith.muli %mul3A_1709, %scan3A_783 : i32
        %mul3A_1711 = arith.constant 64 : i32
        %mul3A_1712 = arith.muli %mul3A_1710, %mul3A_1711 : i32
        %add3A_1713 = arith.addi %mul3A_2, %mul3A_1712 : i32
        %dma_wait3A_1714 = arith.constant 0 : i32
        %dma_wait3A_1715 = arith.constant 0 : i32
        %dma_wait3A_1716 = arith.constant 0 : i32
        %dma_wait3A_1717 = tpu.memref_slice %arg9[%dma_wait3A_1714, %dma_wait3A_1715, %dma_wait3A_1716] : memref<2x64x128xf32, #tpu.memory_space<vmem>> -> memref<1x64x128xf32, #tpu.memory_space<vmem>>
        %dma_wait3A_1718 = tpu.memref_squeeze %dma_wait3A_1717 : memref<1x64x128xf32, #tpu.memory_space<vmem>> -> memref<64x128xf32, #tpu.memory_space<vmem>>
        %dma_wait3A_1719 = arith.constant 0 : i32
        %dma_wait3A_1720 = tpu.memref_slice %arg4[%add3A_1713, %dma_wait3A_1719] : memref<102400x128xf32, #tpu.memory_space<hbm>> -> memref<64x128xf32, #tpu.memory_space<hbm>>
        %dma_wait3A_1721 = arith.constant 0 : i32
        %dma_wait3A_1722 = tpu.memref_slice %arg4[%add3A_1713, %dma_wait3A_1721] : memref<102400x128xf32, #tpu.memory_space<hbm>> -> memref<64x128xf32, #tpu.memory_space<hbm>>
        %dma_wait3A_1723 = arith.constant 0 : i32
        %dma_wait3A_1724 = arith.constant 0 : i32
        %dma_wait3A_1725 = tpu.memref_slice %arg9[%dma_wait3A_1714, %dma_wait3A_1723, %dma_wait3A_1724] : memref<2x64x128xf32, #tpu.memory_space<vmem>> -> memref<1x64x128xf32, #tpu.memory_space<vmem>>
        %dma_wait3A_1726 = tpu.memref_squeeze %dma_wait3A_1725 : memref<1x64x128xf32, #tpu.memory_space<vmem>> -> memref<64x128xf32, #tpu.memory_space<vmem>>
        tpu.wait_dma2 semaphore(%arg15 : memref<!tpu.dma_semaphore, #tpu.memory_space<semaphore_mem>>) src(%dma_wait3A_1726 : memref<64x128xf32, #tpu.memory_space<vmem>>) dst(%dma_wait3A_1722 : memref<64x128xf32, #tpu.memory_space<hbm>>)
      } else {
      }
      %mul3A_1647 = arith.constant 2 : i32
      %mul3A_1648 = arith.muli %mul3A_1647, %scan3A_783 : i32
      %add3A_1649 = arith.constant 1 : i32
      %add3A_1650 = arith.addi %mul3A_1648, %add3A_1649 : i32
      %dma_wait3A_1651 = arith.constant 1 : i32
      %dma_wait3A_1652 = arith.constant 1 : i32
      %dma_wait3A_1653 = arith.constant 0 : i32
      %dma_wait3A_1654 = arith.constant 0 : i32
      %dma_wait3A_1655 = tpu.memref_slice %arg9[%dma_wait3A_1652, %dma_wait3A_1653, %dma_wait3A_1654] : memref<2x64x128xf32, #tpu.memory_space<vmem>> -> memref<1x64x128xf32, #tpu.memory_space<vmem>>
      %dma_wait3A_1656 = tpu.memref_squeeze %dma_wait3A_1655 : memref<1x64x128xf32, #tpu.memory_space<vmem>> -> memref<64x128xf32, #tpu.memory_space<vmem>>
      %dma_wait3A_1657 = arith.constant 0 : i32
      %dma_wait3A_1658 = tpu.memref_slice %arg6[%dma_wait3A_1651, %dma_wait3A_1657] : memref<2x64xi32, #tpu.memory_space<vmem>> -> memref<1x64xi32, #tpu.memory_space<vmem>>
      %dma_wait3A_1659 = tpu.memref_squeeze %dma_wait3A_1658 : memref<1x64xi32, #tpu.memory_space<vmem>> -> memref<64xi32, #tpu.memory_space<vmem>>
      %dma_wait3A_1660 = arith.constant 0 : i32
      %dma_wait3A_1661 = arith.constant 0 : i32
      %dma_wait3A_1662 = tpu.memref_slice %arg12[%dma_wait3A_1660, %dma_wait3A_1661] : memref<3500x128xf32, #tpu.memory_space<vmem_shared>> -> memref<3500x128xf32, #tpu.memory_space<vmem_shared>>
      tpu.wait_indirect_dma semaphore(%arg14 : memref<!tpu.dma_semaphore, #tpu.memory_space<semaphore_mem>>) src(%dma_wait3A_1662 : memref<3500x128xf32, #tpu.memory_space<vmem_shared>>) dst(%dma_wait3A_1656 : memref<64x128xf32, #tpu.memory_space<vmem>>)
      %dma_wait3A_1663 = arith.constant 1 : i32
      %dma_wait3A_1664 = arith.constant 1 : i32
      %dma_wait3A_1665 = arith.constant 0 : i32
      %dma_wait3A_1666 = arith.constant 0 : i32
      %dma_wait3A_1667 = tpu.memref_slice %arg10[%dma_wait3A_1664, %dma_wait3A_1665, %dma_wait3A_1666] : memref<2x64x128xf32, #tpu.memory_space<vmem>> -> memref<1x64x128xf32, #tpu.memory_space<vmem>>
      %dma_wait3A_1668 = tpu.memref_squeeze %dma_wait3A_1667 : memref<1x64x128xf32, #tpu.memory_space<vmem>> -> memref<64x128xf32, #tpu.memory_space<vmem>>
      %dma_wait3A_1669 = arith.constant 0 : i32
      %dma_wait3A_1670 = tpu.memref_slice %arg7[%dma_wait3A_1663, %dma_wait3A_1669] : memref<2x64xi32, #tpu.memory_space<vmem>> -> memref<1x64xi32, #tpu.memory_space<vmem>>
      %dma_wait3A_1671 = tpu.memref_squeeze %dma_wait3A_1670 : memref<1x64xi32, #tpu.memory_space<vmem>> -> memref<64xi32, #tpu.memory_space<vmem>>
      %dma_wait3A_1672 = arith.constant 0 : i32
      %dma_wait3A_1673 = arith.constant 0 : i32
      %dma_wait3A_1674 = tpu.memref_slice %arg12[%dma_wait3A_1672, %dma_wait3A_1673] : memref<3500x128xf32, #tpu.memory_space<vmem_shared>> -> memref<3500x128xf32, #tpu.memory_space<vmem_shared>>
      tpu.wait_indirect_dma semaphore(%arg14 : memref<!tpu.dma_semaphore, #tpu.memory_space<semaphore_mem>>) src(%dma_wait3A_1674 : memref<3500x128xf32, #tpu.memory_space<vmem_shared>>) dst(%dma_wait3A_1668 : memref<64x128xf32, #tpu.memory_space<vmem>>)
      %dma_wait3A_1675 = arith.constant 1 : i32
      %dma_wait3A_1676 = arith.constant 1 : i32
      %dma_wait3A_1677 = arith.constant 0 : i32
      %dma_wait3A_1678 = arith.constant 0 : i32
      %dma_wait3A_1679 = tpu.memref_slice %arg11[%dma_wait3A_1676, %dma_wait3A_1677, %dma_wait3A_1678] : memref<2x64x128xf32, #tpu.memory_space<vmem>> -> memref<1x64x128xf32, #tpu.memory_space<vmem>>
      %dma_wait3A_1680 = tpu.memref_squeeze %dma_wait3A_1679 : memref<1x64x128xf32, #tpu.memory_space<vmem>> -> memref<64x128xf32, #tpu.memory_space<vmem>>
      %dma_wait3A_1681 = arith.constant 0 : i32
      %dma_wait3A_1682 = tpu.memref_slice %arg8[%dma_wait3A_1675, %dma_wait3A_1681] : memref<2x64xi32, #tpu.memory_space<vmem>> -> memref<1x64xi32, #tpu.memory_space<vmem>>
      %dma_wait3A_1683 = tpu.memref_squeeze %dma_wait3A_1682 : memref<1x64xi32, #tpu.memory_space<vmem>> -> memref<64xi32, #tpu.memory_space<vmem>>
      %dma_wait3A_1684 = arith.constant 0 : i32
      %dma_wait3A_1685 = arith.constant 0 : i32
      %dma_wait3A_1686 = tpu.memref_slice %arg12[%dma_wait3A_1684, %dma_wait3A_1685] : memref<3500x128xf32, #tpu.memory_space<vmem_shared>> -> memref<3500x128xf32, #tpu.memory_space<vmem_shared>>
      tpu.wait_indirect_dma semaphore(%arg14 : memref<!tpu.dma_semaphore, #tpu.memory_space<semaphore_mem>>) src(%dma_wait3A_1686 : memref<3500x128xf32, #tpu.memory_space<vmem_shared>>) dst(%dma_wait3A_1680 : memref<64x128xf32, #tpu.memory_space<vmem>>)
      %scan3A_1687 = arith.constant 0 : i32
      %scan3A_1688 = arith.constant 0 : i32
      %scan3A_1689 = arith.constant 64 : i32
      %scan3A_1690 = arith.addi %scan3A_1688, %scan3A_1689 : i32
      %scan3A_1691 = arith.constant 1 : i32
      scf.for %scan3A_1709 = %scan3A_1688 to %scan3A_1690 step %scan3A_1691  : i32 {
        %get3A_1710 = arith.constant 1 : i32
        %get3A_1711 = arith.index_cast %get3A_1710 : i32 to index
        %get3A_1712 = arith.index_cast %scan3A_1709 : i32 to index
        %get3A_1713 = arith.constant 0 : index
        %get3A_1714 = tpu.vector_load %arg9[%get3A_1711, %get3A_1712, %get3A_1713] {strides = array<i32>} : memref<2x64x128xf32, #tpu.memory_space<vmem>>, vector<1x1x16xf32>,
        %get3A_1715 = vector.shape_cast %get3A_1714 : vector<1x1x16xf32> to vector<16xf32>
        %get3A_1716 = arith.constant 1 : i32
        %get3A_1717 = arith.index_cast %get3A_1716 : i32 to index
        %get3A_1718 = arith.index_cast %scan3A_1709 : i32 to index
        %get3A_1719 = arith.constant 0 : index
        %get3A_1720 = tpu.vector_load %arg10[%get3A_1717, %get3A_1718, %get3A_1719] {strides = array<i32>} : memref<2x64x128xf32, #tpu.memory_space<vmem>>, vector<1x1x16xf32>,
        %get3A_1721 = vector.shape_cast %get3A_1720 : vector<1x1x16xf32> to vector<16xf32>
        %add3A_1722 = arith.addf %get3A_1715, %get3A_1721 : vector<16xf32>
        %get3A_1723 = arith.constant 1 : i32
        %get3A_1724 = arith.index_cast %get3A_1723 : i32 to index
        %get3A_1725 = arith.index_cast %scan3A_1709 : i32 to index
        %get3A_1726 = arith.constant 0 : index
        %get3A_1727 = tpu.vector_load %arg11[%get3A_1724, %get3A_1725, %get3A_1726] {strides = array<i32>} : memref<2x64x128xf32, #tpu.memory_space<vmem>>, vector<1x1x16xf32>,
        %get3A_1728 = vector.shape_cast %get3A_1727 : vector<1x1x16xf32> to vector<16xf32>
        %add3A_1729 = arith.addf %add3A_1722, %get3A_1728 : vector<16xf32>
        %swap3A_1730 = arith.constant 1 : i32
        %swap3A_1731 = arith.index_cast %swap3A_1730 : i32 to index
        %swap3A_1732 = arith.index_cast %scan3A_1709 : i32 to index
        %swap3A_1733 = arith.constant 0 : index
        %swap3A_1734 = tpu.vector_load %arg9[%swap3A_1731, %swap3A_1732, %swap3A_1733] {strides = array<i32>} : memref<2x64x128xf32, #tpu.memory_space<vmem>>, vector<1x1x16xf32>,
        %swap3A_1735 = vector.shape_cast %swap3A_1734 : vector<1x1x16xf32> to vector<16xf32>
        %swap3A_1736 = vector.shape_cast %add3A_1729 : vector<16xf32> to vector<1x1x16xf32>
        tpu.vector_store %arg9[%swap3A_1731, %swap3A_1732, %swap3A_1733], %swap3A_1736 {strides = array<i32>} : memref<2x64x128xf32, #tpu.memory_space<vmem>>, vector<1x1x16xf32>,
        %get3A_1737 = arith.constant 1 : i32
        %get3A_1738 = arith.index_cast %get3A_1737 : i32 to index
        %get3A_1739 = arith.index_cast %scan3A_1709 : i32 to index
        %get3A_1740 = arith.constant 16 : index
        %get3A_1741 = tpu.vector_load %arg9[%get3A_1738, %get3A_1739, %get3A_1740] {strides = array<i32>} : memref<2x64x128xf32, #tpu.memory_space<vmem>>, vector<1x1x16xf32>,
        %get3A_1742 = vector.shape_cast %get3A_1741 : vector<1x1x16xf32> to vector<16xf32>
        %get3A_1743 = arith.constant 1 : i32
        %get3A_1744 = arith.index_cast %get3A_1743 : i32 to index
        %get3A_1745 = arith.index_cast %scan3A_1709 : i32 to index
        %get3A_1746 = arith.constant 16 : index
        %get3A_1747 = tpu.vector_load %arg10[%get3A_1744, %get3A_1745, %get3A_1746] {strides = array<i32>} : memref<2x64x128xf32, #tpu.memory_space<vmem>>, vector<1x1x16xf32>,
        %get3A_1748 = vector.shape_cast %get3A_1747 : vector<1x1x16xf32> to vector<16xf32>
        %add3A_1749 = arith.addf %get3A_1742, %get3A_1748 : vector<16xf32>
        %get3A_1750 = arith.constant 1 : i32
        %get3A_1751 = arith.index_cast %get3A_1750 : i32 to index
        %get3A_1752 = arith.index_cast %scan3A_1709 : i32 to index
        %get3A_1753 = arith.constant 16 : index
        %get3A_1754 = tpu.vector_load %arg11[%get3A_1751, %get3A_1752, %get3A_1753] {strides = array<i32>} : memref<2x64x128xf32, #tpu.memory_space<vmem>>, vector<1x1x16xf32>,
        %get3A_1755 = vector.shape_cast %get3A_1754 : vector<1x1x16xf32> to vector<16xf32>
        %add3A_1756 = arith.addf %add3A_1749, %get3A_1755 : vector<16xf32>
        %swap3A_1757 = arith.constant 1 : i32
        %swap3A_1758 = arith.index_cast %swap3A_1757 : i32 to index
        %swap3A_1759 = arith.index_cast %scan3A_1709 : i32 to index
        %swap3A_1760 = arith.constant 16 : index
        %swap3A_1761 = tpu.vector_load %arg9[%swap3A_1758, %swap3A_1759, %swap3A_1760] {strides = array<i32>} : memref<2x64x128xf32, #tpu.memory_space<vmem>>, vector<1x1x16xf32>,
        %swap3A_1762 = vector.shape_cast %swap3A_1761 : vector<1x1x16xf32> to vector<16xf32>
        %swap3A_1763 = vector.shape_cast %add3A_1756 : vector<16xf32> to vector<1x1x16xf32>
        tpu.vector_store %arg9[%swap3A_1758, %swap3A_1759, %swap3A_1760], %swap3A_1763 {strides = array<i32>} : memref<2x64x128xf32, #tpu.memory_space<vmem>>, vector<1x1x16xf32>,
        %get3A_1764 = arith.constant 1 : i32
        %get3A_1765 = arith.index_cast %get3A_1764 : i32 to index
        %get3A_1766 = arith.index_cast %scan3A_1709 : i32 to index
        %get3A_1767 = arith.constant 32 : index
        %get3A_1768 = tpu.vector_load %arg9[%get3A_1765, %get3A_1766, %get3A_1767] {strides = array<i32>} : memref<2x64x128xf32, #tpu.memory_space<vmem>>, vector<1x1x16xf32>,
        %get3A_1769 = vector.shape_cast %get3A_1768 : vector<1x1x16xf32> to vector<16xf32>
        %get3A_1770 = arith.constant 1 : i32
        %get3A_1771 = arith.index_cast %get3A_1770 : i32 to index
        %get3A_1772 = arith.index_cast %scan3A_1709 : i32 to index
        %get3A_1773 = arith.constant 32 : index
        %get3A_1774 = tpu.vector_load %arg10[%get3A_1771, %get3A_1772, %get3A_1773] {strides = array<i32>} : memref<2x64x128xf32, #tpu.memory_space<vmem>>, vector<1x1x16xf32>,
        %get3A_1775 = vector.shape_cast %get3A_1774 : vector<1x1x16xf32> to vector<16xf32>
        %add3A_1776 = arith.addf %get3A_1769, %get3A_1775 : vector<16xf32>
        %get3A_1777 = arith.constant 1 : i32
        %get3A_1778 = arith.index_cast %get3A_1777 : i32 to index
        %get3A_1779 = arith.index_cast %scan3A_1709 : i32 to index
        %get3A_1780 = arith.constant 32 : index
        %get3A_1781 = tpu.vector_load %arg11[%get3A_1778, %get3A_1779, %get3A_1780] {strides = array<i32>} : memref<2x64x128xf32, #tpu.memory_space<vmem>>, vector<1x1x16xf32>,
        %get3A_1782 = vector.shape_cast %get3A_1781 : vector<1x1x16xf32> to vector<16xf32>
        %add3A_1783 = arith.addf %add3A_1776, %get3A_1782 : vector<16xf32>
        %swap3A_1784 = arith.constant 1 : i32
        %swap3A_1785 = arith.index_cast %swap3A_1784 : i32 to index
        %swap3A_1786 = arith.index_cast %scan3A_1709 : i32 to index
        %swap3A_1787 = arith.constant 32 : index
        %swap3A_1788 = tpu.vector_load %arg9[%swap3A_1785, %swap3A_1786, %swap3A_1787] {strides = array<i32>} : memref<2x64x128xf32, #tpu.memory_space<vmem>>, vector<1x1x16xf32>,
        %swap3A_1789 = vector.shape_cast %swap3A_1788 : vector<1x1x16xf32> to vector<16xf32>
        %swap3A_1790 = vector.shape_cast %add3A_1783 : vector<16xf32> to vector<1x1x16xf32>
        tpu.vector_store %arg9[%swap3A_1785, %swap3A_1786, %swap3A_1787], %swap3A_1790 {strides = array<i32>} : memref<2x64x128xf32, #tpu.memory_space<vmem>>, vector<1x1x16xf32>,
        %get3A_1791 = arith.constant 1 : i32
        %get3A_1792 = arith.index_cast %get3A_1791 : i32 to index
        %get3A_1793 = arith.index_cast %scan3A_1709 : i32 to index
        %get3A_1794 = arith.constant 48 : index
        %get3A_1795 = tpu.vector_load %arg9[%get3A_1792, %get3A_1793, %get3A_1794] {strides = array<i32>} : memref<2x64x128xf32, #tpu.memory_space<vmem>>, vector<1x1x16xf32>,
        %get3A_1796 = vector.shape_cast %get3A_1795 : vector<1x1x16xf32> to vector<16xf32>
        %get3A_1797 = arith.constant 1 : i32
        %get3A_1798 = arith.index_cast %get3A_1797 : i32 to index
        %get3A_1799 = arith.index_cast %scan3A_1709 : i32 to index
        %get3A_1800 = arith.constant 48 : index
        %get3A_1801 = tpu.vector_load %arg10[%get3A_1798, %get3A_1799, %get3A_1800] {strides = array<i32>} : memref<2x64x128xf32, #tpu.memory_space<vmem>>, vector<1x1x16xf32>,
        %get3A_1802 = vector.shape_cast %get3A_1801 : vector<1x1x16xf32> to vector<16xf32>
        %add3A_1803 = arith.addf %get3A_1796, %get3A_1802 : vector<16xf32>
        %get3A_1804 = arith.constant 1 : i32
        %get3A_1805 = arith.index_cast %get3A_1804 : i32 to index
        %get3A_1806 = arith.index_cast %scan3A_1709 : i32 to index
        %get3A_1807 = arith.constant 48 : index
        %get3A_1808 = tpu.vector_load %arg11[%get3A_1805, %get3A_1806, %get3A_1807] {strides = array<i32>} : memref<2x64x128xf32, #tpu.memory_space<vmem>>, vector<1x1x16xf32>,
        %get3A_1809 = vector.shape_cast %get3A_1808 : vector<1x1x16xf32> to vector<16xf32>
        %add3A_1810 = arith.addf %add3A_1803, %get3A_1809 : vector<16xf32>
        %swap3A_1811 = arith.constant 1 : i32
        %swap3A_1812 = arith.index_cast %swap3A_1811 : i32 to index
        %swap3A_1813 = arith.index_cast %scan3A_1709 : i32 to index
        %swap3A_1814 = arith.constant 48 : index
        %swap3A_1815 = tpu.vector_load %arg9[%swap3A_1812, %swap3A_1813, %swap3A_1814] {strides = array<i32>} : memref<2x64x128xf32, #tpu.memory_space<vmem>>, vector<1x1x16xf32>,
        %swap3A_1816 = vector.shape_cast %swap3A_1815 : vector<1x1x16xf32> to vector<16xf32>
        %swap3A_1817 = vector.shape_cast %add3A_1810 : vector<16xf32> to vector<1x1x16xf32>
        tpu.vector_store %arg9[%swap3A_1812, %swap3A_1813, %swap3A_1814], %swap3A_1817 {strides = array<i32>} : memref<2x64x128xf32, #tpu.memory_space<vmem>>, vector<1x1x16xf32>,
        %get3A_1818 = arith.constant 1 : i32
        %get3A_1819 = arith.index_cast %get3A_1818 : i32 to index
        %get3A_1820 = arith.index_cast %scan3A_1709 : i32 to index
        %get3A_1821 = arith.constant 64 : index
        %get3A_1822 = tpu.vector_load %arg9[%get3A_1819, %get3A_1820, %get3A_1821] {strides = array<i32>} : memref<2x64x128xf32, #tpu.memory_space<vmem>>, vector<1x1x16xf32>,
        %get3A_1823 = vector.shape_cast %get3A_1822 : vector<1x1x16xf32> to vector<16xf32>
        %get3A_1824 = arith.constant 1 : i32
        %get3A_1825 = arith.index_cast %get3A_1824 : i32 to index
        %get3A_1826 = arith.index_cast %scan3A_1709 : i32 to index
        %get3A_1827 = arith.constant 64 : index
        %get3A_1828 = tpu.vector_load %arg10[%get3A_1825, %get3A_1826, %get3A_1827] {strides = array<i32>} : memref<2x64x128xf32, #tpu.memory_space<vmem>>, vector<1x1x16xf32>,
        %get3A_1829 = vector.shape_cast %get3A_1828 : vector<1x1x16xf32> to vector<16xf32>
        %add3A_1830 = arith.addf %get3A_1823, %get3A_1829 : vector<16xf32>
        %get3A_1831 = arith.constant 1 : i32
        %get3A_1832 = arith.index_cast %get3A_1831 : i32 to index
        %get3A_1833 = arith.index_cast %scan3A_1709 : i32 to index
        %get3A_1834 = arith.constant 64 : index
        %get3A_1835 = tpu.vector_load %arg11[%get3A_1832, %get3A_1833, %get3A_1834] {strides = array<i32>} : memref<2x64x128xf32, #tpu.memory_space<vmem>>, vector<1x1x16xf32>,
        %get3A_1836 = vector.shape_cast %get3A_1835 : vector<1x1x16xf32> to vector<16xf32>
        %add3A_1837 = arith.addf %add3A_1830, %get3A_1836 : vector<16xf32>
        %swap3A_1838 = arith.constant 1 : i32
        %swap3A_1839 = arith.index_cast %swap3A_1838 : i32 to index
        %swap3A_1840 = arith.index_cast %scan3A_1709 : i32 to index
        %swap3A_1841 = arith.constant 64 : index
        %swap3A_1842 = tpu.vector_load %arg9[%swap3A_1839, %swap3A_1840, %swap3A_1841] {strides = array<i32>} : memref<2x64x128xf32, #tpu.memory_space<vmem>>, vector<1x1x16xf32>,
        %swap3A_1843 = vector.shape_cast %swap3A_1842 : vector<1x1x16xf32> to vector<16xf32>
        %swap3A_1844 = vector.shape_cast %add3A_1837 : vector<16xf32> to vector<1x1x16xf32>
        tpu.vector_store %arg9[%swap3A_1839, %swap3A_1840, %swap3A_1841], %swap3A_1844 {strides = array<i32>} : memref<2x64x128xf32, #tpu.memory_space<vmem>>, vector<1x1x16xf32>,
        %get3A_1845 = arith.constant 1 : i32
        %get3A_1846 = arith.index_cast %get3A_1845 : i32 to index
        %get3A_1847 = arith.index_cast %scan3A_1709 : i32 to index
        %get3A_1848 = arith.constant 80 : index
        %get3A_1849 = tpu.vector_load %arg9[%get3A_1846, %get3A_1847, %get3A_1848] {strides = array<i32>} : memref<2x64x128xf32, #tpu.memory_space<vmem>>, vector<1x1x16xf32>,
        %get3A_1850 = vector.shape_cast %get3A_1849 : vector<1x1x16xf32> to vector<16xf32>
        %get3A_1851 = arith.constant 1 : i32
        %get3A_1852 = arith.index_cast %get3A_1851 : i32 to index
        %get3A_1853 = arith.index_cast %scan3A_1709 : i32 to index
        %get3A_1854 = arith.constant 80 : index
        %get3A_1855 = tpu.vector_load %arg10[%get3A_1852, %get3A_1853, %get3A_1854] {strides = array<i32>} : memref<2x64x128xf32, #tpu.memory_space<vmem>>, vector<1x1x16xf32>,
        %get3A_1856 = vector.shape_cast %get3A_1855 : vector<1x1x16xf32> to vector<16xf32>
        %add3A_1857 = arith.addf %get3A_1850, %get3A_1856 : vector<16xf32>
        %get3A_1858 = arith.constant 1 : i32
        %get3A_1859 = arith.index_cast %get3A_1858 : i32 to index
        %get3A_1860 = arith.index_cast %scan3A_1709 : i32 to index
        %get3A_1861 = arith.constant 80 : index
        %get3A_1862 = tpu.vector_load %arg11[%get3A_1859, %get3A_1860, %get3A_1861] {strides = array<i32>} : memref<2x64x128xf32, #tpu.memory_space<vmem>>, vector<1x1x16xf32>,
        %get3A_1863 = vector.shape_cast %get3A_1862 : vector<1x1x16xf32> to vector<16xf32>
        %add3A_1864 = arith.addf %add3A_1857, %get3A_1863 : vector<16xf32>
        %swap3A_1865 = arith.constant 1 : i32
        %swap3A_1866 = arith.index_cast %swap3A_1865 : i32 to index
        %swap3A_1867 = arith.index_cast %scan3A_1709 : i32 to index
        %swap3A_1868 = arith.constant 80 : index
        %swap3A_1869 = tpu.vector_load %arg9[%swap3A_1866, %swap3A_1867, %swap3A_1868] {strides = array<i32>} : memref<2x64x128xf32, #tpu.memory_space<vmem>>, vector<1x1x16xf32>,
        %swap3A_1870 = vector.shape_cast %swap3A_1869 : vector<1x1x16xf32> to vector<16xf32>
        %swap3A_1871 = vector.shape_cast %add3A_1864 : vector<16xf32> to vector<1x1x16xf32>
        tpu.vector_store %arg9[%swap3A_1866, %swap3A_1867, %swap3A_1868], %swap3A_1871 {strides = array<i32>} : memref<2x64x128xf32, #tpu.memory_space<vmem>>, vector<1x1x16xf32>,
        %get3A_1872 = arith.constant 1 : i32
        %get3A_1873 = arith.index_cast %get3A_1872 : i32 to index
        %get3A_1874 = arith.index_cast %scan3A_1709 : i32 to index
        %get3A_1875 = arith.constant 96 : index
        %get3A_1876 = tpu.vector_load %arg9[%get3A_1873, %get3A_1874, %get3A_1875] {strides = array<i32>} : memref<2x64x128xf32, #tpu.memory_space<vmem>>, vector<1x1x16xf32>,
        %get3A_1877 = vector.shape_cast %get3A_1876 : vector<1x1x16xf32> to vector<16xf32>
        %get3A_1878 = arith.constant 1 : i32
        %get3A_1879 = arith.index_cast %get3A_1878 : i32 to index
        %get3A_1880 = arith.index_cast %scan3A_1709 : i32 to index
        %get3A_1881 = arith.constant 96 : index
        %get3A_1882 = tpu.vector_load %arg10[%get3A_1879, %get3A_1880, %get3A_1881] {strides = array<i32>} : memref<2x64x128xf32, #tpu.memory_space<vmem>>, vector<1x1x16xf32>,
        %get3A_1883 = vector.shape_cast %get3A_1882 : vector<1x1x16xf32> to vector<16xf32>
        %add3A_1884 = arith.addf %get3A_1877, %get3A_1883 : vector<16xf32>
        %get3A_1885 = arith.constant 1 : i32
        %get3A_1886 = arith.index_cast %get3A_1885 : i32 to index
        %get3A_1887 = arith.index_cast %scan3A_1709 : i32 to index
        %get3A_1888 = arith.constant 96 : index
        %get3A_1889 = tpu.vector_load %arg11[%get3A_1886, %get3A_1887, %get3A_1888] {strides = array<i32>} : memref<2x64x128xf32, #tpu.memory_space<vmem>>, vector<1x1x16xf32>,
        %get3A_1890 = vector.shape_cast %get3A_1889 : vector<1x1x16xf32> to vector<16xf32>
        %add3A_1891 = arith.addf %add3A_1884, %get3A_1890 : vector<16xf32>
        %swap3A_1892 = arith.constant 1 : i32
        %swap3A_1893 = arith.index_cast %swap3A_1892 : i32 to index
        %swap3A_1894 = arith.index_cast %scan3A_1709 : i32 to index
        %swap3A_1895 = arith.constant 96 : index
        %swap3A_1896 = tpu.vector_load %arg9[%swap3A_1893, %swap3A_1894, %swap3A_1895] {strides = array<i32>} : memref<2x64x128xf32, #tpu.memory_space<vmem>>, vector<1x1x16xf32>,
        %swap3A_1897 = vector.shape_cast %swap3A_1896 : vector<1x1x16xf32> to vector<16xf32>
        %swap3A_1898 = vector.shape_cast %add3A_1891 : vector<16xf32> to vector<1x1x16xf32>
        tpu.vector_store %arg9[%swap3A_1893, %swap3A_1894, %swap3A_1895], %swap3A_1898 {strides = array<i32>} : memref<2x64x128xf32, #tpu.memory_space<vmem>>, vector<1x1x16xf32>,
        %get3A_1899 = arith.constant 1 : i32
        %get3A_1900 = arith.index_cast %get3A_1899 : i32 to index
        %get3A_1901 = arith.index_cast %scan3A_1709 : i32 to index
        %get3A_1902 = arith.constant 112 : index
        %get3A_1903 = tpu.vector_load %arg9[%get3A_1900, %get3A_1901, %get3A_1902] {strides = array<i32>} : memref<2x64x128xf32, #tpu.memory_space<vmem>>, vector<1x1x16xf32>,
        %get3A_1904 = vector.shape_cast %get3A_1903 : vector<1x1x16xf32> to vector<16xf32>
        %get3A_1905 = arith.constant 1 : i32
        %get3A_1906 = arith.index_cast %get3A_1905 : i32 to index
        %get3A_1907 = arith.index_cast %scan3A_1709 : i32 to index
        %get3A_1908 = arith.constant 112 : index
        %get3A_1909 = tpu.vector_load %arg10[%get3A_1906, %get3A_1907, %get3A_1908] {strides = array<i32>} : memref<2x64x128xf32, #tpu.memory_space<vmem>>, vector<1x1x16xf32>,
        %get3A_1910 = vector.shape_cast %get3A_1909 : vector<1x1x16xf32> to vector<16xf32>
        %add3A_1911 = arith.addf %get3A_1904, %get3A_1910 : vector<16xf32>
        %get3A_1912 = arith.constant 1 : i32
        %get3A_1913 = arith.index_cast %get3A_1912 : i32 to index
        %get3A_1914 = arith.index_cast %scan3A_1709 : i32 to index
        %get3A_1915 = arith.constant 112 : index
        %get3A_1916 = tpu.vector_load %arg11[%get3A_1913, %get3A_1914, %get3A_1915] {strides = array<i32>} : memref<2x64x128xf32, #tpu.memory_space<vmem>>, vector<1x1x16xf32>,
        %get3A_1917 = vector.shape_cast %get3A_1916 : vector<1x1x16xf32> to vector<16xf32>
        %add3A_1918 = arith.addf %add3A_1911, %get3A_1917 : vector<16xf32>
        %swap3A_1919 = arith.constant 1 : i32
        %swap3A_1920 = arith.index_cast %swap3A_1919 : i32 to index
        %swap3A_1921 = arith.index_cast %scan3A_1709 : i32 to index
        %swap3A_1922 = arith.constant 112 : index
        %swap3A_1923 = tpu.vector_load %arg9[%swap3A_1920, %swap3A_1921, %swap3A_1922] {strides = array<i32>} : memref<2x64x128xf32, #tpu.memory_space<vmem>>, vector<1x1x16xf32>,
        %swap3A_1924 = vector.shape_cast %swap3A_1923 : vector<1x1x16xf32> to vector<16xf32>
        %swap3A_1925 = vector.shape_cast %add3A_1918 : vector<16xf32> to vector<1x1x16xf32>
        tpu.vector_store %arg9[%swap3A_1920, %swap3A_1921, %swap3A_1922], %swap3A_1925 {strides = array<i32>} : memref<2x64x128xf32, #tpu.memory_space<vmem>>, vector<1x1x16xf32>,
      }
      %scan3A_1692 = arith.constant 64 : i32
      %mul3A_1693 = arith.constant 64 : i32
      %mul3A_1694 = arith.muli %add3A_1650, %mul3A_1693 : i32
      %add3A_1695 = arith.addi %mul3A_2, %mul3A_1694 : i32
      %dma_start3A_1696 = arith.constant 1 : i32
      %dma_start3A_1697 = arith.constant 0 : i32
      %dma_start3A_1698 = arith.constant 0 : i32
      %dma_start3A_1699 = tpu.memref_slice %arg9[%dma_start3A_1696, %dma_start3A_1697, %dma_start3A_1698] : memref<2x64x128xf32, #tpu.memory_space<vmem>> -> memref<1x64x128xf32, #tpu.memory_space<vmem>>
      %dma_start3A_1700 = tpu.memref_squeeze %dma_start3A_1699 : memref<1x64x128xf32, #tpu.memory_space<vmem>> -> memref<64x128xf32, #tpu.memory_space<vmem>>
      %dma_start3A_1701 = arith.constant 0 : i32
      %dma_start3A_1702 = tpu.memref_slice %arg4[%add3A_1695, %dma_start3A_1701] : memref<102400x128xf32, #tpu.memory_space<hbm>> -> memref<64x128xf32, #tpu.memory_space<hbm>>
      %dma_start3A_1703 = arith.constant 0 : i32
      %dma_start3A_1704 = tpu.memref_slice %arg4[%add3A_1695, %dma_start3A_1703] : memref<102400x128xf32, #tpu.memory_space<hbm>> -> memref<64x128xf32, #tpu.memory_space<hbm>>
      %dma_start3A_1705 = arith.constant 0 : i32
      %dma_start3A_1706 = arith.constant 0 : i32
      %dma_start3A_1707 = tpu.memref_slice %arg9[%dma_start3A_1696, %dma_start3A_1705, %dma_start3A_1706] : memref<2x64x128xf32, #tpu.memory_space<vmem>> -> memref<1x64x128xf32, #tpu.memory_space<vmem>>
      %dma_start3A_1708 = tpu.memref_squeeze %dma_start3A_1707 : memref<1x64x128xf32, #tpu.memory_space<vmem>> -> memref<64x128xf32, #tpu.memory_space<vmem>>
      tpu.enqueue_dma source(%dma_start3A_1708 : memref<64x128xf32, #tpu.memory_space<vmem>>) target(%dma_start3A_1704 : memref<64x128xf32, #tpu.memory_space<hbm>>) target_semaphore(%arg16 : memref<!tpu.dma_semaphore, #tpu.memory_space<semaphore_mem>>)
    }
    %scan3A_768 = arith.constant 25 : i32
    %add3A_769 = arith.constant 3136 : i32
    %add3A_770 = arith.addi %mul3A_2, %add3A_769 : i32
    %dma_wait3A = arith.constant 1 : i32
    %dma_wait3A_771 = arith.constant 0 : i32
    %dma_wait3A_772 = arith.constant 0 : i32
    %dma_wait3A_773 = tpu.memref_slice %arg9[%dma_wait3A, %dma_wait3A_771, %dma_wait3A_772] : memref<2x64x128xf32, #tpu.memory_space<vmem>> -> memref<1x64x128xf32, #tpu.memory_space<vmem>>
    %dma_wait3A_774 = tpu.memref_squeeze %dma_wait3A_773 : memref<1x64x128xf32, #tpu.memory_space<vmem>> -> memref<64x128xf32, #tpu.memory_space<vmem>>
    %dma_wait3A_775 = arith.constant 0 : i32
    %dma_wait3A_776 = tpu.memref_slice %arg4[%add3A_770, %dma_wait3A_775] : memref<102400x128xf32, #tpu.memory_space<hbm>> -> memref<64x128xf32, #tpu.memory_space<hbm>>
    %dma_wait3A_777 = arith.constant 0 : i32
    %dma_wait3A_778 = tpu.memref_slice %arg4[%add3A_770, %dma_wait3A_777] : memref<102400x128xf32, #tpu.memory_space<hbm>> -> memref<64x128xf32, #tpu.memory_space<hbm>>
    %dma_wait3A_779 = arith.constant 0 : i32
    %dma_wait3A_780 = arith.constant 0 : i32
    %dma_wait3A_781 = tpu.memref_slice %arg9[%dma_wait3A, %dma_wait3A_779, %dma_wait3A_780] : memref<2x64x128xf32, #tpu.memory_space<vmem>> -> memref<1x64x128xf32, #tpu.memory_space<vmem>>
    %dma_wait3A_782 = tpu.memref_squeeze %dma_wait3A_781 : memref<1x64x128xf32, #tpu.memory_space<vmem>> -> memref<64x128xf32, #tpu.memory_space<vmem>>
    tpu.wait_dma2 semaphore(%arg16 : memref<!tpu.dma_semaphore, #tpu.memory_space<semaphore_mem>>) src(%dma_wait3A_782 : memref<64x128xf32, #tpu.memory_space<vmem>>) dst(%dma_wait3A_778 : memref<64x128xf32, #tpu.memory_space<hbm>>)
    return
  }
}

module attributes {stable_mosaic.version = 14 : i64} {
  func.func @_tc_body(%arg0: i32, %arg1: memref<800x128xf32, #tpu.memory_space<vmem>>, %arg2: memref<800x128xf32, #tpu.memory_space<vmem>>, %arg3: memref<128x128xf32, #tpu.memory_space<vmem>>, %arg4: memref<1x128xf32, #tpu.memory_space<vmem>>, %arg5: memref<800x128xf32, #tpu.memory_space<vmem>>) attributes {dimension_semantics = [#tpu.dimension_semantics<arbitrary>], iteration_bounds = array<i64: 125>, scalar_prefetch = 0 : i64, scratch_operands = 0 : i64, tpu.core_type = #tpu.core_type<tc>, window_params = [{transform_indices = @transform_0, window_bounds = array<i64: 800, 128>}, {transform_indices = @transform_1, window_bounds = array<i64: 800, 128>}, {pipeline_mode = #tpu.pipeline_mode<synchronous>, transform_indices = @transform_2, window_bounds = array<i64: 128, 128>}, {pipeline_mode = #tpu.pipeline_mode<synchronous>, transform_indices = @transform_3, window_bounds = array<i64: 1, 128>}, {transform_indices = @transform_4, window_bounds = array<i64: 800, 128>}]} {
    %get3A = arith.constant 0 : index
    %get3A_0 = arith.constant 0 : index
    %get3A_1 = vector.load %arg1[%get3A, %get3A_0] : memref<800x128xf32, #tpu.memory_space<vmem>>, vector<800x128xf32>
    %get3A_2 = arith.constant 0 : index
    %get3A_3 = arith.constant 0 : index
    %get3A_4 = vector.load %arg2[%get3A_2, %get3A_3] : memref<800x128xf32, #tpu.memory_space<vmem>>, vector<800x128xf32>
    %get3A_5 = arith.constant 0 : index
    %get3A_6 = arith.constant 0 : index
    %get3A_7 = vector.load %arg3[%get3A_5, %get3A_6] : memref<128x128xf32, #tpu.memory_space<vmem>>, vector<128x128xf32>
    %dot_general3A = arith.constant dense<0.000000e+00> : vector<800x128xf32>
    %dot_general3A_8 = tpu.matmul %get3A_4, %get3A_7, %dot_general3A {dimension_numbers = #tpu.dot_dimension_numbers<[1], [0], [0], [1], [0, 0, 1, 1], [], []>, transpose_lhs_hint = false} : vector<800x128xf32>, vector<128x128xf32>, vector<800x128xf32> -> vector<800x128xf32>
    %add3A = arith.addf %get3A_1, %dot_general3A_8 : vector<800x128xf32>
    %get3A_9 = arith.constant 0 : index
    %get3A_10 = arith.constant 0 : index
    %get3A_11 = vector.load %arg4[%get3A_9, %get3A_10] : memref<1x128xf32, #tpu.memory_space<vmem>>, vector<1x128xf32>
    %add3A_12 = vector.broadcast %get3A_11 : vector<1x128xf32> to vector<800x128xf32>
    %add3A_13 = arith.addf %add3A, %add3A_12 : vector<800x128xf32>
    %swap3A = arith.constant 0 : index
    %swap3A_14 = arith.constant 0 : index
    %swap3A_15 = vector.load %arg5[%swap3A, %swap3A_14] : memref<800x128xf32, #tpu.memory_space<vmem>>, vector<800x128xf32>
    tpu.vector_store %arg5[%swap3A, %swap3A_14], %add3A_13 {strides = array<i32>} : memref<800x128xf32, #tpu.memory_space<vmem>>, vector<800x128xf32>,
    return
  }
  func.func @transform_0(%arg0: i32) -> (i32, i32) {
    %c0_i32 = arith.constant 0 : i32
    %c0_i32_0 = arith.constant 0 : i32
    return %arg0, %c0_i32 : i32, i32
  }
  func.func @transform_1(%arg0: i32) -> (i32, i32) {
    %c0_i32 = arith.constant 0 : i32
    %c0_i32_0 = arith.constant 0 : i32
    return %arg0, %c0_i32 : i32, i32
  }
  func.func @transform_2(%arg0: i32) -> (i32, i32) {
    %c0_i32 = arith.constant 0 : i32
    %c0_i32_0 = arith.constant 0 : i32
    %c0_i32_1 = arith.constant 0 : i32
    return %c0_i32, %c0_i32_0 : i32, i32
  }
  func.func @transform_3(%arg0: i32) -> (i32, i32) {
    %c0_i32 = arith.constant 0 : i32
    %c0_i32_0 = arith.constant 0 : i32
    %c0_i32_1 = arith.constant 0 : i32
    return %c0_i32, %c0_i32_0 : i32, i32
  }
  func.func @transform_4(%arg0: i32) -> (i32, i32) {
    %c0_i32 = arith.constant 0 : i32
    %c0_i32_0 = arith.constant 0 : i32
    return %arg0, %c0_i32 : i32, i32
  }
}

</mosaic_0001>

<sc_bundles>
// kernel: kernel.4.cloned.1.call-start
scs
__scs_entry_jumppad:
0x0: {  	(pc) =	sbr.rel $0x88, $3  }
0x1: {  	(tag) =	ssettag $0x0;
	lr =	simm.s32 $0x1  }
0x2: {  	[smem:$0x3F94] =	sst lr;
	_ =	strace $0xD0000000  }
0x3: {  	_ = 	snop  }
0x4: {  	_ = 	snop  }
0x5: {  	_ = 	snop  }
0x6: {  	_ = 	snop  }
0x7: {  	_ = 	snop  }
__scs_overlays_trampoline_lowered:
0x8: {  	[smem:$0x3FA3] =	sst s0  }
0x9: {  	[smem:$0x3FA4] =	sst s1  }
0xa: {  	[smem:$0x3FA5] =	sst s2  }
0xb: {  	[smem:$0x3FA6] =	sst s3  }
0xc: {  	[smem:$0x3FA7] =	sst s4  }
0xd: {  	[smem:$0x3FA8] =	sst s5  }
0xe: {  	[smem:$0x3FA9] =	sst s6  }
0xf: {  	[smem:$0x3FAA] =	sst s7  }
0x10: {  	[smem:$0x3FAB] =	sst s8  }
0x11: {  	[smem:$0x3FAC] =	sst s9;
	s0 =	simm.s32 @!p0 $0x0  }
0x12: {  	s1 =	sld [smem:$0x3F92];
	s0 =	simm.s32 @p0 $0x1  }
0x13: {  	[smem:$0x3FAD] =	sst s0;
	s0 =	simm.s32 @!p1 $0x0  }
0x14: {  	s2 =	sld [smem:$0x3F91];
	s0 =	simm.s32 @p1 $0x1  }
0x15: {  	[smem:$0x3FAE] =	sst s0;
	s0 =	simm.s32 @!p2 $0x0  }
0x16: {  	s3 =	sld [smem:$0x3FDB];
	s0 =	simm.s32 @p2 $0x1  }
0x17: {  	s4 =	simm.s32 $0x1BF5;
	[smem:$0x3FB0] =	sst s0  }
0x18: {  	s0 =	sld [smem:$0x3F93];
	_ =	swait.ge [sflag:s4], $0x0  }
0x19: {  	s7 =	sld [smem:$0x3F94]  }
0x1a: {  	s8 =	sadd.s32 $0xFFFFE003, lr  }
0x1b: {  	s9 =	sadd.s32 $0xFFFFFEF7, lr;
	s5 =	simm.s32 $0xFFFFFFFF;
	p2 =	slt.u32 s8, $0xFFFFF086  }
0x1c: {  	p1 =	slt.u32 s9, $0xF7A;
	s5 =	simm.s32 @!p2 $0x0  }
0x1d: {  	s5 =	simm.s32 @p1 $0x1;
	p0 =	seq.s32 s7, s2  }
0x1e: {  	s7 =	smul.u32 @!p0 $0xF7A, s2;
	p2 =	seq.s32 @!p0 s5, $0x0  }
0x1f: {  	s9 =	smul.u32 $0xF7A, s1;
	s8 =	simm.s32 @!p0 $0x1BF5;
	p2 =	por !p2, p0  }
0x20: {  	[sflag:s8] =	ssyncset.s32 @!p0 $0xFFFFF086;
	s6 =	sadd.s32 @!p0 s3, s7;
	s7 =	simm.s32 @!p0 $0x108  }
0x21: {  	s3 =	sadd.s32 s3, s9;
	s6 =	sadd.s32 @!p0 $0x88, s6;
	s7 =	simm.s32 @p2 $0x1082  }
0x22: {  	[simem:s7], [sflag:s8] =	dma.local @!p0 [hbm:s6], $0xF7A  }
0x23: {  	s9 =	sor.u32 $0xD0000000, s2;
	s6 =	simm.s32 $0x108;
	_ =	swait.ge @!p0 [sflag:s8], $0x0  }
0x24: {  	s3 =	sadd.s32 $0x88, s3;
	s6 =	simm.s32 @!p1 $0x1082;
	[sflag:s4] =	ssyncset.s32 $0xFFFFF086  }
0x25: {  	[simem:s6], [sflag:s4] =	dma.local [hbm:s3], $0xF7A  }
0x26: {  	[smem:$0x3F94] =	sst s1;
	(tag) =	ssettag s2;
	_ =	strace s9  }
0x27: {  	s1 =	sld [smem:$0x3FA4]  }
0x28: {  	s2 =	sld [smem:$0x3FA5]  }
0x29: {  	s4 =	sld [smem:$0x3FA7]  }
0x2a: {  	p0 =	seq.s32 s5, $0x0;
	s5 =	sld [smem:$0x3FA8]  }
0x2b: {  	s6 =	sld [smem:$0x3FA9]  }
0x2c: {  	s7 =	sld [smem:$0x3FAA]  }
0x2d: {  	s3 =	simm.s32 $0x108;
	s8 =	sld [smem:$0x3FAB]  }
0x2e: {  	s3 =	simm.s32 @!p0 $0x1082;
	s9 =	sld [smem:$0x3FAC]  }
0x2f: {  	lr =	sadd.s32 s0, s3;
	s0 =	sld [smem:$0x3FA3]  }
0x30: {  	s3 =	sld [smem:$0x3FA6]  }
0x31: {  	[smem:$0x3FAF] =	sst s10  }
0x32: {  	s10 =	sld [smem:$0x3FAD];
	_ =	sdelay $0x3  }
0x33: {  	p0 =	seq.s32 s10, $0x1;
	s10 =	sld [smem:$0x3FAF];
	_ =	sdelay $0x3  }
0x34: {  	[smem:$0x3FAF] =	sst s10  }
0x35: {  	s10 =	sld [smem:$0x3FAE];
	_ =	sdelay $0x3  }
0x36: {  	p1 =	seq.s32 s10, $0x1;
	s10 =	sld [smem:$0x3FAF];
	_ =	sdelay $0x3  }
0x37: {  	[smem:$0x3FAF] =	sst s10  }
0x38: {  	s10 =	sld [smem:$0x3FB0]  }
0x39: {  	_ = 	snop;
	(pc) =	sbr.ind lr, $3  }
0x3a: {  	_ = 	snop  }
0x3b: {  	_ = 	snop  }
0x3c: {  	p2 =	seq.s32 s10, $0x1;
	s10 =	sld [smem:$0x3FAF]  }
0x3d: {  	_ =	shalt  }
0x3e: {  	_ =	shalt  }
0x3f: {  	_ =	shalt  }
0x40: {  	_ =	shalt  }
0x41: {  	_ =	shalt  }
0x42: {  	_ =	shalt  }
0x43: {  	_ =	shalt  }
0x44: {  	_ =	shalt  }
0x45: {  	_ =	shalt  }
0x46: {  	_ =	shalt  }
0x47: {  	_ =	shalt  }
0x48: {  	_ =	shalt  }
0x49: {  	_ =	shalt  }
0x4a: {  	_ =	shalt  }
0x4b: {  	_ =	shalt  }
0x4c: {  	_ =	shalt  }
0x4d: {  	_ =	shalt  }
0x4e: {  	_ =	shalt  }
0x4f: {  	_ =	shalt  }
0x50: {  	_ =	shalt  }
0x51: {  	_ =	shalt  }
0x52: {  	_ =	shalt  }
0x53: {  	_ =	shalt  }
0x54: {  	_ =	shalt  }
0x55: {  	_ =	shalt  }
0x56: {  	_ =	shalt  }
0x57: {  	_ =	shalt  }
0x58: {  	_ =	shalt  }
0x59: {  	_ =	shalt  }
0x5a: {  	_ =	shalt  }
0x5b: {  	_ =	shalt  }
0x5c: {  	_ =	shalt  }
0x5d: {  	_ =	shalt  }
0x5e: {  	_ =	shalt  }
0x5f: {  	_ =	shalt  }
0x60: {  	_ =	shalt  }
0x61: {  	_ =	shalt  }
0x62: {  	_ =	shalt  }
0x63: {  	_ =	shalt  }
0x64: {  	_ =	shalt  }
0x65: {  	_ =	shalt  }
0x66: {  	_ =	shalt  }
0x67: {  	_ =	shalt  }
0x68: {  	_ =	shalt  }
0x69: {  	_ =	shalt  }
0x6a: {  	_ =	shalt  }
0x6b: {  	_ =	shalt  }
0x6c: {  	_ =	shalt  }
0x6d: {  	_ =	shalt  }
0x6e: {  	_ =	shalt  }
0x6f: {  	_ =	shalt  }
0x70: {  	_ =	shalt  }
0x71: {  	_ =	shalt  }
0x72: {  	_ =	shalt  }
0x73: {  	_ =	shalt  }
0x74: {  	_ =	shalt  }
0x75: {  	_ =	shalt  }
0x76: {  	_ =	shalt  }
0x77: {  	_ =	shalt  }
0x78: {  	_ =	shalt  }
0x79: {  	_ =	shalt  }
0x7a: {  	_ =	shalt  }
0x7b: {  	_ =	shalt  }
0x7c: {  	_ =	shalt  }
0x7d: {  	_ =	shalt  }
0x7e: {  	_ =	shalt  }
0x7f: {  	_ =	shalt  }
0x80: {  	_ =	shalt  }
0x81: {  	_ =	shalt  }
0x82: {  	_ =	shalt  }
0x83: {  	_ =	shalt  }
0x84: {  	_ =	shalt  }
0x85: {  	_ =	shalt  }
0x86: {  	_ =	shalt  }
0x87: {  	_ =	shalt  }
.Lfunc_end0:
.L_simem_size_0:
called_computation_lowered:
.L_overlay_start_0:
0x88: {  	s2 =	sld [smem:$0x3FD9]  }
0x89: {  	s3 =	sld [smem:$0x3FFE];
	_ =	sdelay $0x1  }
0x8a: {  	s1 =	srdreg.scid  }
0x8b: {  	s0 =	sand.u32 $0x1, s1  }
0x8c: {  	s17 =	sshll.u32 s0, $0xA;
	s2 =	sadd.s32 s3, s2  }
0x8d: {  	s2 =	sadd.s32 s2, s17  }
0x8e: {  	[smem:$0x3FBB] =	sst s2  }
0x8f: {  	_ = 	snop  }
0x90: {  	s2 =	sld [smem:$0x3FD0];
	(tm) =	ssettm $0x1  }
0x91: {  	s18 =	sld [smem:$0x3FFB];
	_ =	sdelay $0x3  }
0x92: {  	_ =	strace s18  }
0x93: {  	s3 =	sld [smem:$0x3FFC];
	_ =	sdelay $0x3  }
0x94: {  	_ =	strace s3  }
0x95: {  	s3 =	sld [smem:$0x3FFD];
	_ =	sdelay $0x3  }
0x96: {  	_ =	strace s3  }
0x97: {  	_ =	strace $0x8FFFFFFF  }
0x98: {  	s19 =	sld [smem:$0x3FDB];
	_ =	sdelay $0x1  }
0x99: {  	s4 =	simm.s32 $_scs_section_size  }
0x9a: {  	s5 =	simm.s32 $_size__tile_overlayer_lowered;
	s6 =	simm.s32 $_tile_overlayer_lowered  }
0x9b: {  	s22 =	simm.s32 $0x1BFF;
	s21 =	sshll.u32 s6, $0x1;
	s3 =	sadd.s32 s4, s19  }
0x9c: {  	s7 =	simm.s32 $0x0;
	s20 =	sshll.u32 s5, $0x1;
	s5 =	sadd.s32 s21, s3  }
0x9d: {  	[timem:s7], [sflag:s22] =	dma.local [hbm:s5], s20  }
0x9e: {  	_ =	swait.ge [sflag:s22], s20  }
0x9f: {  	s4 =	ssub.s32 $0x0, s20;
	[sflag:s22] =	ssyncset.done $0x0  }
0xa0: {  	[sflag:s22] =	ssyncadd.s32 s4;
	_ =	sdelay $0x1  }
0xa1: {  	s23 =	simm.s32 $0x1B8B  }
0xa2: {  	_ =	swait.ge [sflag:s23], $0x1  }
0xa3: {  	[sflag:s23] =	ssyncset.done $0x0  }
0xa4: {  	s25 =	simm.s32 $0x1B8E;
	s24 =	sld [smem:$0x3FFE];
	[sflag:s23] =	ssyncadd.s32 $0xFFFFFFFF  }
0xa5: {  	s26 =	simm.s32 $execute0_lowered;
	[smem:$0x3FD2] =	sst s25  }
0xa6: {  	s5 =	sshll.u32 s26, $0x1;
	_ =	strace $0x80000046;
	[dreg:$0x1] =	wrdreg $0xFFFFFFFF  }
0xa7: {  	s28 =	simm.s32 $_size_execute0_lowered;
	s3 =	sadd.s32 s3, s5;
	[dreg:$0x0] =	wrdreg $0x0  }
0xa8: {  	s5 =	sshll.u32 s28, $0x1;
	[dreg:$0x2] =	wrdreg s3  }
0xa9: {  	[dreg:$0x3] =	wrdreg s5  }
0xaa: {  	[dreg:$0x4] =	wrdreg $0xC0  }
0xab: {  	_ =	task [dreg:s7], $0x5FFFF  }
0xac: {  	[dreg:$0x1] =	wrdreg $0xFFFFFFFF  }
0xad: {  	[dreg:$0x0] =	wrdreg $0x60  }
0xae: {  	[dreg:$0x2] =	wrdreg s2  }
0xaf: {  	[dreg:$0x3] =	wrdreg s24  }
0xb0: {  	[dreg:$0x4] =	wrdreg $0x18B000  }
0xb1: {  	[dreg:$0x5] =	wrdreg $0x9  }
0xb2: {  	_ =	task.clear_ibuf [dreg:s7], $0x6FFFF;
	_ =	strace $0x90000046  }
0xb3: {  	s29 =	simm.s32 $0x9;
	_ =	strace $0x80000048  }
0xb4: {  	_ =	swait.ge [sflag:s29], $0x1  }
0xb5: {  	[sflag:s29] =	ssyncadd.s32 $0xFFFFFFFF  }
0xb6: {  	_ =	strace $0x90000048  }
0xb7: {  	_ =	sfence  }
0xb8: {  	s30 =	sld [smem:$0x0];
	_ =	sdelay $0x2  }
0xb9: {  	s31 =	sshll.u32 s1, $0xD;
	s1 =	sshrl.u32 s1, $0x2  }
0xba: {  	s3 =	sand.u32 $0x4000, s31;
	s1 =	sadd.s32 s1, s30  }
0xbb: {  	s0 =	sor.u32 s3, s0;
	s1 =	sshll.u32 s1, $0x11  }
0xbc: {  	s0 =	sor.u32 s1, s0  }
0xbd: {  	s0 =	sadd.s32 $0x8F2B, s0  }
0xbe: {  	[sflag:s0] =	ssyncadd.remote.s32 $0x1  }
0xbf: {  	_ =	sfence.sel $0xFFFF  }
0xc0: {  	[dreg:$0x0] =	wrdreg $0xFFFFFFFF;
	(pc) =	sbr.abs _section_cstart, $3  }
0xc1: {  	[dreg:$0x1] =	wrdreg $0xFFFFFFFF  }
0xc2: {  	_ =	task.clear_ibuf [dreg:s7], $0x2FFFF;
	_ =	strace $0x9FFFFFFF  }
0xc3: {  	(tm) =	ssettm $0x7FFFFFFF  }
tec
execute0_lowered:
.L_overlay_start_1:
0x0: {  	(tag) =	ssettag $0x1  }
0x1: {  	s0 =	rddreg [dreg:$0x0]  }
0x2: {  	s3 =	rddreg [dreg:$0x1]  }
0x3: {  	s1 =	rddreg [dreg:$0x2];
	s4 =	srdreg.scid  }
0x4: {  	s7 =	stileid.u32;
	s2 =	simm.s32 $0x0;
	s12 =	simm.s32 $0x5  }
0x5: {  	s13 =	simm.s32 $0x40;
	s14 =	simm.s32 $0xC800;
	s15 =	simm.s32 $0xCB00  }
0x6: {  	s16 =	simm.s32 $0xC900;
	s17 =	simm.s32 $0x10B00;
	s18 =	simm.s32 $0xCA00  }
0x7: {  	s19 =	simm.s32 $0x14B00;
	s20 =	simm.s32 $0xC880;
	s21 =	simm.s32 $0xEB00  }
0x8: {  	s22 =	simm.s32 $0xC980;
	s28 =	simm.s32 $0x3;
	s29 =	simm.s32 $0x2  }
0x9: {  	s30 =	simm.s32 $0x4;
	s31 =	simm.s32 $0x0;
	s4 =	sand.u32 $0x1, s4  }
0xa: {  	s5 =	sshll.u32 s7, $0x1;
	[smem:$0x7FF] =	sst s2;
	s24 =	sadd.s32 $0x800, s3  }
0xb: {  	p0 =	sne.s32 s7, $0x0;
	s6 =	sor.u32 s4, s5;
	_ =	strace $0x80000047  }
0xc: {  	s23 =	ssub.s32 $0x2, s4;
	[dreg:$0x4] =	wrdreg s24;
	s8 =	smul.u32 $0xC80, s6  }
0xd: {  	s4 =	sadd.s32 $0xE400, s3;
	s9 =	sshrl.u32 s23, $0x1;
	s10 =	smul.u32 $0xC800, s6  }
0xe: {  	s24 =	simm.s32 $0xCA80;
	s6 =	smul.u32 $0x64000, s6;
	s25 =	ssub.s32 s23, s9  }
0xf: {  	s9 =	sshrl.u32 @!p0 s1, $0x3;
	s23 =	simm.s32 $0x12B00;
	s0 =	sadd.s32 s0, s8  }
0x10: {  	s26 =	sadd.s32 s10, s4;
	s7 =	smax.u32 s25, $0x1;
	s25 =	simm.s32 $0x16B00  }
0x11: {  	[dreg:$0x5] =	wrdreg s0;
	s8 =	sadd.s32 $0x400, s26;
	s26 =	simm.s32 $0x1  }
.LBB2_1:
0x12: {  	s0 =	simm.s32 @!p0 $0x1C05;
	s3 =	rddreg [dreg:$0x4]  }
0x13: {  	[spmem:s9], [sflag:s0] =	dma.local @!p0 [hbm:s3], $0xDAC0  }
0x14: {  	s0 =	simm.s32 @!p0 $0x5  }
0x15: {  	_ =	swait.ge @!p0 [sflag:s0], $0xDAC0  }
0x16: {  	s11 =	simm.s32 $0x6400;
	[sflag:s0] =	ssyncset.done @!p0 $0x0  }
0x17: {  	s5 =	simm.s32 $0xC8000;
	s10 =	rddreg [dreg:$0x5];
	[sflag:s0] =	ssyncadd.s32 @!p0 $0xFFFF2540  }
0x18: {  	[tilespmem:s2], [sflag:$0x5] =	stream.strided.gather [hbm4b:s10+s11], $0xC800, s5, s11, $0x38;
	[tilespmem:$0x1F860] =	vst v63  }
0x19: {  	_ =	swait.ge [sflag:s12], $0xC800  }
0x1a: {  	[sflag:s12] =	ssyncset.done $0x0  }
0x1b: {  	[sflag:s12] =	ssyncadd.s32 $0xFFFF3800  }
0x1c: {  	[bflag:$0x0] =	sbarrier.arrive $0xFFFF  }
0x1d: {  	v0 =	vld [tilespmem:$0x0]  }
0x1e: {  	v1 =	vld [tilespmem:$0x80]  }
0x1f: {  	v2 =	vld [tilespmem:$0x100]  }
0x20: {  	v3 =	vld [tilespmem:$0x180]  }
0x21: {  	v4 =	vld [tilespmem:$0x200]  }
0x22: {  	v5 =	vld [tilespmem:$0x280]  }
0x23: {  	v6 =	vld [tilespmem:$0x300]  }
0x24: {  	v7 =	vld [tilespmem:$0x380]  }
0x25: {  	v8 =	vld [tilespmem:$0x6400]  }
0x26: {  	v9 =	vld [tilespmem:$0x10]  }
0x27: {  	v10 =	vld [tilespmem:$0x90]  }
0x28: {  	v11 =	vld [tilespmem:$0x110]  }
0x29: {  	v12 =	vld [tilespmem:$0x290]  }
0x2a: {  	v13 =	vld [tilespmem:$0x190]  }
0x2b: {  	v14 =	vld [tilespmem:$0x310]  }
0x2c: {  	v15 =	vld [tilespmem:$0x390]  }
0x2d: {  	v32 =	vld [tilespmem:$0xA0]  }
0x2e: {  	v36 =	vld [tilespmem:$0x2A0]  }
0x2f: {  	v39 =	vld [tilespmem:$0x320]  }
0x30: {  	v40 =	vld [tilespmem:$0x220]  }
0x31: {  	v44 =	vld [tilespmem:$0x130]  }
0x32: {  	v16 =	vld [tilespmem:$0x2B0];
	v0 =	vmin.u32 v0, $0x77;
	v5 =	vmin.u32 v5, $0x6  }
0x33: {  	v45 =	vld [tilespmem:$0x1B0];
	v1 =	vmin.u32 v1, $0x9;
	v2 =	vmin.u32 v2, $0xC;
	v3 =	vmin.u32 v3, $0xC  }
0x34: {  	v48 =	vld [tilespmem:$0x30];
	v4 =	vmin.u32 v4, $0xA;
	v6 =	vmin.u32 v6, $0x6;
	v7 =	vmin.u32 v7, $0x2  }
0x35: {  	v53 =	vld [tilespmem:$0xB0];
	v8 =	vmin.u32 v8, $0x2;
	v29 =	vmin.u32 v12, $0x6;
	v11 =	vmin.u32 v11, $0xC  }
0x36: {  	v31 =	vmin.u32 v14, $0x6;
	v35 =	vmin.u32 v13, $0xC;
	v9 =	vmin.u32 v9, $0x77  }
0x37: {  	v34 =	vld [tilespmem:$0x120];
	v37 =	vmin.u32 v15, $0x2;
	v10 =	vmin.u32 v10, $0x9;
	v43 =	vmin.u32 v36, $0x6  }
0x38: {  	v14 =	vmin.u32 v32, $0x9;
	v13 =	vmin.u32 v39, $0x6;
	v47 =	vmin.u32 v40, $0xA  }
0x39: {  	v12 =	vmin.u32 v44, $0xC;
	v51 =	vmin.u32 v16, $0x6;
	v56 =	vmin.u32 v45, $0xC  }
0x3a: {  	v26 =	vld [tilespmem:$0x210];
	v60 =	vmin.u32 v48, $0x77;
	v61 =	vmin.u32 v53, $0x9;
	v5 =	vmul.u32 $0x7, v5  }
0x3b: {  	v28 =	vld [tilespmem:$0x6410];
	v0 =	vmul.u32 $0xA, v0;
	v2 =	vmul.u32 $0xD, v2;
	v33 =	vmul.u32 $0xD, v11  }
0x3c: {  	v9 =	vmul.u32 $0xA, v9;
	v11 =	vmin.u32 v34, $0xC;
	v12 =	vmul.u32 $0xD, v12  }
0x3d: {  	v54 =	vmul.u32 $0x7, v51;
	v11 =	vmul.u32 $0xD, v11;
	v5 =	vadd.s32 v6, v5  }
0x3e: {  	v30 =	vld [tilespmem:$0x20];
	v0 =	vadd.s32 v1, v0;
	v27 =	vadd.s32 v3, v2;
	v3 =	vmul.u32 $0x7, v29  }
0x3f: {  	v9 =	vadd.s32 v10, v9;
	v10 =	vmul.u32 $0x7, v43;
	v5 =	vmul.u32 $0x3, v5  }
0x40: {  	v6 =	vmin.u32 v26, $0xA;
	v2 =	vmin.u32 v28, $0x2;
	v1 =	vmul.u32 $0xB, v27  }
0x41: {  	v38 =	vld [tilespmem:$0x1A0];
	v3 =	vadd.s32 v31, v3;
	v10 =	vadd.s32 v13, v10;
	v5 =	vadd.s32 v7, v5  }
0x42: {  	v41 =	vld [tilespmem:$0x3A0];
	v1 =	vadd.s32 v4, v1;
	v3 =	vmul.u32 $0x3, v3;
	v4 =	vadd.s32 v35, v33  }
0x43: {  	v46 =	vld [tilespmem:$0x330];
	v7 =	vmin.u32 v30, $0x77;
	v10 =	vmul.u32 $0x3, v10;
	v5 =	vmul.u32 $0x3, v5  }
0x44: {  	v42 =	vld [tilespmem:$0x6420];
	v4 =	vmul.u32 $0xB, v4;
	v7 =	vmul.u32 $0xA, v7;
	v3 =	vadd.s32 v37, v3  }
0x45: {  	v1 =	vadd.s32 $0x4B0, v1;
	v5 =	vadd.s32 v5, v8;
	v3 =	vmul.u32 $0x3, v3  }
0x46: {  	v50 =	vld [tilespmem:$0x3B0];
	v4 =	vadd.s32 v6, v4;
	v7 =	vadd.s32 v14, v7;
	v8 =	vmin.u32 v38, $0xC  }
0x47: {  	[tilespmem:$0xC800] =	vst v0;
	v6 =	vmin.u32 v41, $0x2;
	v8 =	vadd.s32 v8, v11;
	v5 =	vadd.s32 $0xBF3, v5  }
0x48: {  	[tilespmem:$0xC810] =	vst v9;
	v6 =	vadd.s32 v6, v10;
	v11 =	vmin.u32 v46, $0x6;
	v4 =	vadd.s32 $0x4B0, v4  }
0x49: {  	v55 =	vld [tilespmem:$0x230];
	[tilespmem:$0xC900] =	vst v1;
	v2 =	vadd.s32 v3, v2;
	v3 =	vmin.u32 v42, $0x2;
	v8 =	vmul.u32 $0xB, v8  }
0x4a: {  	v58 =	vld [tilespmem:$0x6430];
	v49 =	vmul.u32 $0x3, v6;
	[tilespmem:$0xCA00] =	vst v5;
	v5 =	vadd.s32 v56, v12;
	v57 =	vadd.s32 v11, v54  }
0x4b: {  	[tilespmem:$0xC820] =	vst v7;
	v6 =	vmin.u32 v50, $0x2;
	v2 =	vadd.s32 $0xBF3, v2;
	v59 =	vmul.u32 $0x3, v57  }
0x4c: {  	[tilespmem:$0xC910] =	vst v4;
	v5 =	vmul.u32 $0xB, v5;
	v52 =	vadd.s32 v47, v8;
	v0 =	vadd.s32 v49, v3  }
0x4d: {  	[tilespmem:$0xCA10] =	vst v2;
	v2 =	vmul.u32 $0xA, v60;
	v1 =	vadd.s32 $0x4B0, v52;
	v4 =	vadd.s32 v6, v59  }
0x4e: {  	v3 =	vmin.u32 v55, $0xA;
	v0 =	vadd.s32 $0xBF3, v0;
	[tilespmem:$0xC920] =	vst v1;
	v4 =	vmul.u32 $0x3, v4  }
0x4f: {  	v62 =	vmin.u32 v58, $0x2;
	v63 =	vadd.s32 v3, v5;
	[tilespmem:$0xCA20] =	vst v0;
	v1 =	vadd.s32 v61, v2  }
0x50: {  	v2 =	vadd.s32 $0x4B0, v63;
	[tilespmem:$0xC830] =	vst v1;
	v0 =	vadd.s32 v4, v62  }
0x51: {  	[tilespmem:$0xC930] =	vst v2;
	v0 =	vadd.s32 $0xBF3, v0  }
0x52: {  	[tilespmem:$0xCA30] =	vst v0  }
0x53: {  	[tilespmem:s15], [sflag:$0x1] =	stream.indirect.gather [spmem:s1], $0x80, s14, s13, $0xb8;
	[tilespmem:$0x1F860] =	vst v63  }
0x54: {  	_ = 	snop  }
0x55: {  	[tilespmem:s17], [sflag:$0x1] =	stream.indirect.gather [spmem:s1], $0x80, s16, s13, $0xb8;
	[tilespmem:$0x1F860] =	vst v63  }
0x56: {  	s0 =	simm.s32 $0x0  }
0x57: {  	[tilespmem:s19], [sflag:$0x1] =	stream.indirect.gather [spmem:s1], $0x80, s18, s13, $0xb8;
	[tilespmem:$0x1F860] =	vst v63  }
.LBB2_2:
0x58: {  	s3 =	sshll.u32 s0, $0xC  }
0x59: {  	s10 =	sshra.s32 s3, $0x2  }
0x5a: {  	v0 =	vld [tilespmem:s10+$0x2C0]  }
0x5b: {  	v1 =	vld [tilespmem:s10+$0x140]  }
0x5c: {  	v2 =	vld [tilespmem:s10+$0x340]  }
0x5d: {  	v3 =	vld [tilespmem:s10+$0x40]  }
0x5e: {  	v4 =	vld [tilespmem:s10+$0x1C0]  }
0x5f: {  	v5 =	vld [tilespmem:s10+$0x3C0];
	v0 =	vmin.u32 v0, $0x6  }
0x60: {  	v6 =	vld [tilespmem:s10+$0xC0];
	v0 =	vmul.u32 $0x7, v0  }
0x61: {  	v7 =	vld [tilespmem:s10+$0x240];
	v1 =	vmin.u32 v1, $0xC;
	v2 =	vmin.u32 v2, $0x6  }
0x62: {  	v8 =	vld [tilespmem:s10+$0x6440];
	v1 =	vmul.u32 $0xD, v1;
	v0 =	vadd.s32 v2, v0  }
0x63: {  	v2 =	vmin.u32 v4, $0xC;
	v0 =	vmul.u32 $0x3, v0  }
0x64: {  	v3 =	vmin.u32 v3, $0x77;
	v4 =	vmin.u32 v5, $0x2;
	v1 =	vadd.s32 v2, v1  }
0x65: {  	v2 =	vmul.u32 $0xA, v3;
	v1 =	vmul.u32 $0xB, v1;
	v0 =	vadd.s32 v4, v0  }
0x66: {  	v3 =	vmin.u32 v6, $0x9;
	v4 =	vmin.u32 v7, $0xA;
	v0 =	vmul.u32 $0x3, v0  }
0x67: {  	v5 =	vmin.u32 v8, $0x2;
	v2 =	vadd.s32 v3, v2;
	v1 =	vadd.s32 v4, v1  }
0x68: {  	[tilespmem:$0xC880] =	vst v2;
	v1 =	vadd.s32 $0x4B0, v1;
	v0 =	vadd.s32 v0, v5  }
0x69: {  	[tilespmem:$0xC980] =	vst v1;
	v0 =	vadd.s32 $0xBF3, v0  }
0x6a: {  	[tilespmem:$0xCA80] =	vst v0  }
0x6b: {  	v0 =	vld [tilespmem:s10+$0x2D0]  }
0x6c: {  	v1 =	vld [tilespmem:s10+$0x150]  }
0x6d: {  	v2 =	vld [tilespmem:s10+$0x350]  }
0x6e: {  	v3 =	vld [tilespmem:s10+$0x50]  }
0x6f: {  	v4 =	vld [tilespmem:s10+$0x1D0]  }
0x70: {  	v5 =	vld [tilespmem:s10+$0x3D0];
	v0 =	vmin.u32 v0, $0x6  }
0x71: {  	v6 =	vld [tilespmem:s10+$0xD0];
	v0 =	vmul.u32 $0x7, v0  }
0x72: {  	v7 =	vld [tilespmem:s10+$0x250];
	v1 =	vmin.u32 v1, $0xC;
	v2 =	vmin.u32 v2, $0x6  }
0x73: {  	v8 =	vld [tilespmem:s10+$0x6450];
	v1 =	vmul.u32 $0xD, v1;
	v0 =	vadd.s32 v2, v0  }
0x74: {  	v2 =	vmin.u32 v4, $0xC;
	v0 =	vmul.u32 $0x3, v0  }
0x75: {  	v3 =	vmin.u32 v3, $0x77;
	v4 =	vmin.u32 v5, $0x2;
	v1 =	vadd.s32 v2, v1  }
0x76: {  	v2 =	vmul.u32 $0xA, v3;
	v1 =	vmul.u32 $0xB, v1;
	v0 =	vadd.s32 v4, v0  }
0x77: {  	v3 =	vmin.u32 v6, $0x9;
	v4 =	vmin.u32 v7, $0xA;
	v0 =	vmul.u32 $0x3, v0  }
0x78: {  	v5 =	vmin.u32 v8, $0x2;
	v2 =	vadd.s32 v3, v2;
	v1 =	vadd.s32 v4, v1  }
0x79: {  	[tilespmem:$0xC890] =	vst v2;
	v1 =	vadd.s32 $0x4B0, v1;
	v0 =	vadd.s32 v0, v5  }
0x7a: {  	[tilespmem:$0xC990] =	vst v1;
	v0 =	vadd.s32 $0xBF3, v0  }
0x7b: {  	[tilespmem:$0xCA90] =	vst v0  }
0x7c: {  	v0 =	vld [tilespmem:s10+$0x2E0]  }
0x7d: {  	v1 =	vld [tilespmem:s10+$0x160]  }
0x7e: {  	v2 =	vld [tilespmem:s10+$0x360]  }
0x7f: {  	v3 =	vld [tilespmem:s10+$0x60]  }
0x80: {  	v4 =	vld [tilespmem:s10+$0x1E0]  }
0x81: {  	v5 =	vld [tilespmem:s10+$0x3E0];
	v0 =	vmin.u32 v0, $0x6  }
0x82: {  	v6 =	vld [tilespmem:s10+$0xE0];
	v0 =	vmul.u32 $0x7, v0  }
0x83: {  	v7 =	vld [tilespmem:s10+$0x260];
	v1 =	vmin.u32 v1, $0xC;
	v2 =	vmin.u32 v2, $0x6  }
0x84: {  	v8 =	vld [tilespmem:s10+$0x6460];
	v1 =	vmul.u32 $0xD, v1;
	v0 =	vadd.s32 v2, v0  }
0x85: {  	v2 =	vmin.u32 v4, $0xC;
	v0 =	vmul.u32 $0x3, v0  }
0x86: {  	v3 =	vmin.u32 v3, $0x77;
	v4 =	vmin.u32 v5, $0x2;
	v1 =	vadd.s32 v2, v1  }
0x87: {  	v2 =	vmul.u32 $0xA, v3;
	v1 =	vmul.u32 $0xB, v1;
	v0 =	vadd.s32 v4, v0  }
0x88: {  	v3 =	vmin.u32 v6, $0x9;
	v4 =	vmin.u32 v7, $0xA;
	v0 =	vmul.u32 $0x3, v0  }
0x89: {  	v5 =	vmin.u32 v8, $0x2;
	v2 =	vadd.s32 v3, v2;
	v1 =	vadd.s32 v4, v1  }
0x8a: {  	[tilespmem:$0xC8A0] =	vst v2;
	v1 =	vadd.s32 $0x4B0, v1;
	v0 =	vadd.s32 v0, v5  }
0x8b: {  	[tilespmem:$0xC9A0] =	vst v1;
	v0 =	vadd.s32 $0xBF3, v0  }
0x8c: {  	[tilespmem:$0xCAA0] =	vst v0  }
0x8d: {  	v0 =	vld [tilespmem:s10+$0x2F0]  }
0x8e: {  	v1 =	vld [tilespmem:s10+$0x170]  }
0x8f: {  	v2 =	vld [tilespmem:s10+$0x370]  }
0x90: {  	v3 =	vld [tilespmem:s10+$0x70]  }
0x91: {  	v4 =	vld [tilespmem:s10+$0x1F0]  }
0x92: {  	v5 =	vld [tilespmem:s10+$0x3F0];
	v0 =	vmin.u32 v0, $0x6  }
0x93: {  	v6 =	vld [tilespmem:s10+$0xF0];
	v0 =	vmul.u32 $0x7, v0  }
0x94: {  	v7 =	vld [tilespmem:s10+$0x270];
	v1 =	vmin.u32 v1, $0xC;
	v2 =	vmin.u32 v2, $0x6  }
0x95: {  	v8 =	vld [tilespmem:s10+$0x6470];
	v1 =	vmul.u32 $0xD, v1;
	v0 =	vadd.s32 v2, v0  }
0x96: {  	v2 =	vmin.u32 v4, $0xC;
	v0 =	vmul.u32 $0x3, v0  }
0x97: {  	v3 =	vmin.u32 v3, $0x77;
	v4 =	vmin.u32 v5, $0x2;
	v1 =	vadd.s32 v2, v1  }
0x98: {  	v2 =	vmul.u32 $0xA, v3;
	v1 =	vmul.u32 $0xB, v1;
	v0 =	vadd.s32 v4, v0  }
0x99: {  	v3 =	vmin.u32 v6, $0x9;
	v4 =	vmin.u32 v7, $0xA;
	v0 =	vmul.u32 $0x3, v0  }
0x9a: {  	v5 =	vmin.u32 v8, $0x2;
	v2 =	vadd.s32 v3, v2;
	v1 =	vadd.s32 v4, v1  }
0x9b: {  	[tilespmem:$0xC8B0] =	vst v2;
	v1 =	vadd.s32 $0x4B0, v1;
	v0 =	vadd.s32 v0, v5  }
0x9c: {  	p1 =	seq.s32 s0, $0x0;
	[tilespmem:$0xC9B0] =	vst v1;
	v0 =	vadd.s32 $0xBF3, v0  }
0x9d: {  	s3 =	simm.s32 @!p1 $0x4;
	[tilespmem:$0xCAB0] =	vst v0  }
0x9e: {  	_ =	swait.ge @!p1 [sflag:s3], $0x2000  }
0x9f: {  	[sflag:s3] =	ssyncset.done @!p1 $0x0  }
0xa0: {  	[sflag:s3] =	ssyncadd.s32 @!p1 $0xFFFFE000  }
0xa1: {  	[tilespmem:s21], [sflag:$0x2] =	stream.indirect.gather [spmem:s1], $0x80, s20, s13, $0xb8;
	[tilespmem:$0x1F860] =	vst v63  }
0xa2: {  	_ = 	snop  }
0xa3: {  	[tilespmem:s23], [sflag:$0x2] =	stream.indirect.gather [spmem:s1], $0x80, s22, s13, $0xb8;
	[tilespmem:$0x1F860] =	vst v63  }
0xa4: {  	_ = 	snop  }
0xa5: {  	[tilespmem:s25], [sflag:$0x2] =	stream.indirect.gather [spmem:s1], $0x80, s24, s13, $0xb8;
	[tilespmem:$0x1F860] =	vst v63  }
0xa6: {  	_ =	swait.ge [sflag:s26], $0x2000  }
0xa7: {  	[sflag:s26] =	ssyncset.done $0x0  }
0xa8: {  	[sflag:s26] =	ssyncadd.s32 $0xFFFFE000  }
0xa9: {  	_ =	swait.ge [sflag:s26], $0x2000  }
0xaa: {  	[sflag:s26] =	ssyncset.done $0x0  }
0xab: {  	[sflag:s26] =	ssyncadd.s32 $0xFFFFE000  }
0xac: {  	_ =	swait.ge [sflag:s26], $0x2000  }
0xad: {  	[sflag:s26] =	ssyncset.done $0x0  }
0xae: {  	s11 =	simm.s32 $0x0;
	[sflag:s26] =	ssyncadd.s32 $0xFFFFE000  }
0xaf: {  	v5 =	vld [tilespmem:s11+$0x14B00]  }
0xb0: {  	v4 =	vld [tilespmem:s11+$0x14B10]  }
0xb1: {  	v3 =	vld [tilespmem:s11+$0x14B20]  }
0xb2: {  	v2 =	vld [tilespmem:s11+$0x14B30]  }
0xb3: {  	v1 =	vld [tilespmem:s11+$0x14B40]  }
0xb4: {  	v0 =	vld [tilespmem:s11+$0x14B50]  }
0xb5: {  	v12 =	vld [tilespmem:s11+$0x10B00]  }
0xb6: {  	v17 =	vld [tilespmem:s11+$0x10B10]  }
0xb7: {  	v11 =	vld [tilespmem:s11+$0x10B20]  }
0xb8: {  	v10 =	vld [tilespmem:s11+$0x10B30]  }
0xb9: {  	v9 =	vld [tilespmem:s11+$0x10B40]  }
0xba: {  	v8 =	vld [tilespmem:s11+$0x10B50]  }
0xbb: {  	v7 =	vld [tilespmem:s11+$0x10B60]  }
0xbc: {  	v6 =	vld [tilespmem:s11+$0x10B70]  }
0xbd: {  	v18 =	vld [tilespmem:s11+$0xCB00]  }
0xbe: {  	v19 =	vld [tilespmem:s11+$0xCB10]  }
0xbf: {  	v16 =	vld [tilespmem:s11+$0xCB20]  }
0xc0: {  	v15 =	vld [tilespmem:s11+$0xCB30]  }
0xc1: {  	v14 =	vld [tilespmem:s11+$0xCB40]  }
0xc2: {  	v13 =	vld [tilespmem:s11+$0xCB50];
	v18 =	vadd.f32 v12, v18  }
0xc3: {  	s3 =	simm.s32 $0x200;
	v17 =	vadd.f32 v17, v19;
	v12 =	vld [tilespmem:s11+$0xCB60]  }
.LBB2_3:
0xc4: {  	p1 =	sne.s32 s3, $0x7E00;
	v5 =	vadd.f32 v5, v18;
	v11 =	vadd.f32 v11, v16;
	v16 =	vld [tilespmem:s11+$0xCB70]  }
0xc5: {  	v4 =	vadd.f32 v4, v17;
	v10 =	vadd.f32 v10, v15;
	v15 =	vld [tilespmem:s11+$0x14B60]  }
0xc6: {  	s5 =	sshra.s32 s3, $0x2;
	[tilespmem:s11+$0xCB00] =	vst v5;
	v3 =	vadd.f32 v3, v11;
	v9 =	vadd.f32 v9, v14;
	v11 =	vld [tilespmem:s11+$0x14B70]  }
0xc7: {  	v5 =	vld [tilespmem:s5+$0x14B00];
	[tilespmem:s11+$0xCB10] =	vst v4;
	v2 =	vadd.f32 v2, v10;
	v8 =	vadd.f32 v8, v13  }
0xc8: {  	v4 =	vld [tilespmem:s5+$0x14B10];
	[tilespmem:s11+$0xCB20] =	vst v3;
	v1 =	vadd.f32 v1, v9;
	v7 =	vadd.f32 v7, v12  }
0xc9: {  	v3 =	vld [tilespmem:s5+$0x14B20];
	[tilespmem:s11+$0xCB30] =	vst v2;
	v0 =	vadd.f32 v0, v8;
	v6 =	vadd.f32 v6, v16  }
0xca: {  	v2 =	vld [tilespmem:s5+$0x14B30];
	[tilespmem:s11+$0xCB40] =	vst v1;
	v7 =	vadd.f32 v15, v7  }
0xcb: {  	v1 =	vld [tilespmem:s5+$0x14B40];
	[tilespmem:s11+$0xCB50] =	vst v0;
	v6 =	vadd.f32 v11, v6  }
0xcc: {  	v0 =	vld [tilespmem:s5+$0x14B50];
	[tilespmem:s11+$0xCB60] =	vst v7  }
0xcd: {  	v12 =	vld [tilespmem:s5+$0x10B00];
	[tilespmem:s11+$0xCB70] =	vst v6;
	s11 =	smov.u32 s5  }
0xce: {  	v17 =	vld [tilespmem:s11+$0x10B10]  }
0xcf: {  	v11 =	vld [tilespmem:s11+$0x10B20]  }
0xd0: {  	v10 =	vld [tilespmem:s11+$0x10B30]  }
0xd1: {  	v9 =	vld [tilespmem:s11+$0x10B40]  }
0xd2: {  	v8 =	vld [tilespmem:s11+$0x10B50]  }
0xd3: {  	v7 =	vld [tilespmem:s11+$0x10B60]  }
0xd4: {  	v6 =	vld [tilespmem:s11+$0x10B70]  }
0xd5: {  	v13 =	vld [tilespmem:s11+$0xCB00]  }
0xd6: {  	v19 =	vld [tilespmem:s11+$0xCB10]  }
.Ltmp0:
0xd7: {  	v16 =	vld [tilespmem:s11+$0xCB20];
	(pc) =	sbr.rel @p1 .LBB2_3-.Ltmp0, $4  }
0xd8: {  	v15 =	vld [tilespmem:s11+$0xCB30]  }
0xd9: {  	v14 =	vld [tilespmem:s11+$0xCB40]  }
0xda: {  	v18 =	vadd.f32 v12, v13;
	v13 =	vld [tilespmem:s11+$0xCB50]  }
0xdb: {  	s3 =	sadd.s32 $0x200, s3;
	v17 =	vadd.f32 v17, v19;
	v12 =	vld [tilespmem:s11+$0xCB60]  }
0xdc: {  	v5 =	vadd.f32 v5, v18;
	v55 =	vld [tilespmem:s11+$0xCB70];
	v11 =	vadd.f32 v11, v16  }
0xdd: {  	v56 =	vld [tilespmem:s11+$0x14B60];
	v4 =	vadd.f32 v4, v17;
	v10 =	vadd.f32 v10, v15  }
0xde: {  	v58 =	vld [tilespmem:s11+$0x14B70];
	[tilespmem:s11+$0xCB00] =	vst v5;
	v3 =	vadd.f32 v3, v11;
	v57 =	vadd.f32 v9, v14  }
0xdf: {  	[tilespmem:s11+$0xCB10] =	vst v4;
	v2 =	vadd.f32 v2, v10;
	v59 =	vadd.f32 v8, v13  }
0xe0: {  	[tilespmem:s11+$0xCB20] =	vst v3;
	v1 =	vadd.f32 v1, v57;
	v60 =	vadd.f32 v7, v12  }
0xe1: {  	p1 =	seq.s32 s0, $0x18;
	[tilespmem:s11+$0xCB30] =	vst v2;
	v0 =	vadd.f32 v0, v59;
	v61 =	vadd.f32 v6, v55  }
.Ltmp1:
0xe2: {  	s3 =	sshll.u32 s0, $0xE;
	[tilespmem:s11+$0xCB40] =	vst v1;
	v62 =	vadd.f32 v56, v60;
	(pc) =	sbr.rel @!p1 .LBB2_5-.Ltmp1, $4  }
0xe3: {  	s3 =	sadd.s32 s6, s3;
	[tilespmem:s11+$0xCB50] =	vst v0;
	v63 =	vadd.f32 v58, v61  }
0xe4: {  	s3 =	sshrl.u32 s3, $0x3;
	[tilespmem:s11+$0xCB60] =	vst v62  }
0xe5: {  	s3 =	sadd.s32 s4, s3;
	[tilespmem:s11+$0xCB70] =	vst v63  }
0xe6: {  	[hbm4b:s3+s2] =	stream.linear.scatter [tilespmem:s15], [sflag:$0x3], $0x2000, $0x38;
	[tilespmem:$0x1F860] =	vst v63  }
.Ltmp2:
0xe7: {  	(pc) =	sbr.rel .LBB2_7-.Ltmp2, $4  }
0xe8: {  	_ = 	snop  }
0xe9: {  	_ =	swait.ge [sflag:s28], $0x2000  }
0xea: {  	[sflag:s28] =	ssyncset.done $0x0  }
0xeb: {  	[sflag:s28] =	ssyncadd.s32 $0xFFFFE000  }
.LBB2_5:
0xec: {  	v0 =	vld [tilespmem:s10+$0x680]  }
0xed: {  	v1 =	vld [tilespmem:s10+$0x500]  }
0xee: {  	v2 =	vld [tilespmem:s10+$0x700]  }
0xef: {  	v3 =	vld [tilespmem:s10+$0x400]  }
0xf0: {  	v4 =	vld [tilespmem:s10+$0x580]  }
0xf1: {  	v5 =	vld [tilespmem:s10+$0x780];
	v0 =	vmin.u32 v0, $0x6  }
0xf2: {  	v6 =	vld [tilespmem:s10+$0x480];
	v0 =	vmul.u32 $0x7, v0  }
0xf3: {  	v7 =	vld [tilespmem:s10+$0x600];
	v1 =	vmin.u32 v1, $0xC;
	v2 =	vmin.u32 v2, $0x6  }
0xf4: {  	v8 =	vld [tilespmem:s10+$0x6800];
	v1 =	vmul.u32 $0xD, v1;
	v0 =	vadd.s32 v2, v0  }
0xf5: {  	v22 =	vmin.u32 v4, $0xC;
	v0 =	vmul.u32 $0x3, v0  }
0xf6: {  	v3 =	vmin.u32 v3, $0x77;
	v23 =	vmin.u32 v5, $0x2;
	v1 =	vadd.s32 v22, v1  }
0xf7: {  	v24 =	vmul.u32 $0xA, v3;
	v1 =	vmul.u32 $0xB, v1;
	v0 =	vadd.s32 v23, v0  }
0xf8: {  	v25 =	vmin.u32 v6, $0x9;
	v26 =	vmin.u32 v7, $0xA;
	v0 =	vmul.u32 $0x3, v0  }
0xf9: {  	v27 =	vmin.u32 v8, $0x2;
	v2 =	vadd.s32 v25, v24;
	v1 =	vadd.s32 v26, v1  }
0xfa: {  	[tilespmem:$0xC800] =	vst v2;
	v1 =	vadd.s32 $0x4B0, v1;
	v0 =	vadd.s32 v0, v27  }
0xfb: {  	[tilespmem:$0xC900] =	vst v1;
	v0 =	vadd.s32 $0xBF3, v0  }
0xfc: {  	[tilespmem:$0xCA00] =	vst v0  }
0xfd: {  	v0 =	vld [tilespmem:s10+$0x690]  }
0xfe: {  	v1 =	vld [tilespmem:s10+$0x510]  }
0xff: {  	v2 =	vld [tilespmem:s10+$0x710]  }
0x100: {  	v28 =	vld [tilespmem:s10+$0x410]  }
0x101: {  	v29 =	vld [tilespmem:s10+$0x590]  }
0x102: {  	v30 =	vld [tilespmem:s10+$0x790];
	v0 =	vmin.u32 v0, $0x6  }
0x103: {  	v31 =	vld [tilespmem:s10+$0x490];
	v0 =	vmul.u32 $0x7, v0  }
0x104: {  	v32 =	vld [tilespmem:s10+$0x610];
	v1 =	vmin.u32 v1, $0xC;
	v2 =	vmin.u32 v2, $0x6  }
0x105: {  	v33 =	vld [tilespmem:s10+$0x6810];
	v1 =	vmul.u32 $0xD, v1;
	v0 =	vadd.s32 v2, v0  }
0x106: {  	v34 =	vmin.u32 v29, $0xC;
	v0 =	vmul.u32 $0x3, v0  }
0x107: {  	v3 =	vmin.u32 v28, $0x77;
	v35 =	vmin.u32 v30, $0x2;
	v1 =	vadd.s32 v34, v1  }
0x108: {  	v36 =	vmul.u32 $0xA, v3;
	v1 =	vmul.u32 $0xB, v1;
	v0 =	vadd.s32 v35, v0  }
0x109: {  	v37 =	vmin.u32 v31, $0x9;
	v38 =	vmin.u32 v32, $0xA;
	v0 =	vmul.u32 $0x3, v0  }
0x10a: {  	v39 =	vmin.u32 v33, $0x2;
	v2 =	vadd.s32 v37, v36;
	v1 =	vadd.s32 v38, v1  }
0x10b: {  	[tilespmem:$0xC810] =	vst v2;
	v1 =	vadd.s32 $0x4B0, v1;
	v0 =	vadd.s32 v0, v39  }
0x10c: {  	[tilespmem:$0xC910] =	vst v1;
	v0 =	vadd.s32 $0xBF3, v0  }
0x10d: {  	[tilespmem:$0xCA10] =	vst v0  }
0x10e: {  	v0 =	vld [tilespmem:s10+$0x6A0]  }
0x10f: {  	v1 =	vld [tilespmem:s10+$0x520]  }
0x110: {  	v2 =	vld [tilespmem:s10+$0x720]  }
0x111: {  	v40 =	vld [tilespmem:s10+$0x420]  }
0x112: {  	v41 =	vld [tilespmem:s10+$0x5A0]  }
0x113: {  	v42 =	vld [tilespmem:s10+$0x7A0];
	v0 =	vmin.u32 v0, $0x6  }
0x114: {  	v43 =	vld [tilespmem:s10+$0x4A0];
	v0 =	vmul.u32 $0x7, v0  }
0x115: {  	v44 =	vld [tilespmem:s10+$0x620];
	v1 =	vmin.u32 v1, $0xC;
	v2 =	vmin.u32 v2, $0x6  }
0x116: {  	v45 =	vld [tilespmem:s10+$0x6820];
	v1 =	vmul.u32 $0xD, v1;
	v0 =	vadd.s32 v2, v0  }
0x117: {  	v46 =	vmin.u32 v41, $0xC;
	v0 =	vmul.u32 $0x3, v0  }
0x118: {  	v3 =	vmin.u32 v40, $0x77;
	v47 =	vmin.u32 v42, $0x2;
	v1 =	vadd.s32 v46, v1  }
0x119: {  	v48 =	vmul.u32 $0xA, v3;
	v1 =	vmul.u32 $0xB, v1;
	v0 =	vadd.s32 v47, v0  }
0x11a: {  	v49 =	vmin.u32 v43, $0x9;
	v50 =	vmin.u32 v44, $0xA;
	v0 =	vmul.u32 $0x3, v0  }
0x11b: {  	v51 =	vmin.u32 v45, $0x2;
	v2 =	vadd.s32 v49, v48;
	v1 =	vadd.s32 v50, v1  }
0x11c: {  	[tilespmem:$0xC820] =	vst v2;
	v1 =	vadd.s32 $0x4B0, v1;
	v0 =	vadd.s32 v0, v51  }
0x11d: {  	[tilespmem:$0xC920] =	vst v1;
	v0 =	vadd.s32 $0xBF3, v0  }
0x11e: {  	[tilespmem:$0xCA20] =	vst v0  }
0x11f: {  	v0 =	vld [tilespmem:s10+$0x6B0]  }
0x120: {  	v1 =	vld [tilespmem:s10+$0x530]  }
0x121: {  	v2 =	vld [tilespmem:s10+$0x730]  }
0x122: {  	v52 =	vld [tilespmem:s10+$0x430]  }
0x123: {  	v53 =	vld [tilespmem:s10+$0x5B0]  }
0x124: {  	v54 =	vld [tilespmem:s10+$0x7B0];
	v0 =	vmin.u32 v0, $0x6  }
0x125: {  	v55 =	vld [tilespmem:s10+$0x4B0];
	v0 =	vmul.u32 $0x7, v0  }
0x126: {  	v56 =	vld [tilespmem:s10+$0x630];
	v1 =	vmin.u32 v1, $0xC;
	v2 =	vmin.u32 v2, $0x6  }
0x127: {  	v57 =	vld [tilespmem:s10+$0x6830];
	v1 =	vmul.u32 $0xD, v1;
	v0 =	vadd.s32 v2, v0  }
0x128: {  	v58 =	vmin.u32 v53, $0xC;
	v0 =	vmul.u32 $0x3, v0  }
0x129: {  	v3 =	vmin.u32 v52, $0x77;
	v59 =	vmin.u32 v54, $0x2;
	v1 =	vadd.s32 v58, v1  }
0x12a: {  	v60 =	vmul.u32 $0xA, v3;
	v1 =	vmul.u32 $0xB, v1;
	v0 =	vadd.s32 v59, v0  }
0x12b: {  	v61 =	vmin.u32 v55, $0x9;
	v62 =	vmin.u32 v56, $0xA;
	v0 =	vmul.u32 $0x3, v0  }
0x12c: {  	v63 =	vmin.u32 v57, $0x2;
	v2 =	vadd.s32 v61, v60;
	v1 =	vadd.s32 v62, v1  }
0x12d: {  	[tilespmem:$0xC830] =	vst v2;
	v1 =	vadd.s32 $0x4B0, v1;
	v0 =	vadd.s32 v0, v63  }
0x12e: {  	[tilespmem:$0xC930] =	vst v1;
	v0 =	vadd.s32 $0xBF3, v0  }
0x12f: {  	[tilespmem:$0xCA30] =	vst v0  }
0x130: {  	_ =	swait.ge [sflag:s28], $0x2000  }
0x131: {  	[sflag:s28] =	ssyncset.done $0x0  }
0x132: {  	[sflag:s28] =	ssyncadd.s32 $0xFFFFE000  }
0x133: {  	[tilespmem:s15], [sflag:$0x1] =	stream.indirect.gather [spmem:s1], $0x80, s14, s13, $0xb8;
	[tilespmem:$0x1F860] =	vst v63  }
0x134: {  	_ = 	snop  }
0x135: {  	[tilespmem:s17], [sflag:$0x1] =	stream.indirect.gather [spmem:s1], $0x80, s16, s13, $0xb8;
	[tilespmem:$0x1F860] =	vst v63  }
0x136: {  	_ = 	snop  }
0x137: {  	[tilespmem:s19], [sflag:$0x1] =	stream.indirect.gather [spmem:s1], $0x80, s18, s13, $0xb8;
	[tilespmem:$0x1F860] =	vst v63  }
.LBB2_7:
0x138: {  	_ =	swait.ge [sflag:s29], $0x2000  }
0x139: {  	[sflag:s29] =	ssyncset.done $0x0  }
0x13a: {  	[sflag:s29] =	ssyncadd.s32 $0xFFFFE000  }
0x13b: {  	_ =	swait.ge [sflag:s29], $0x2000  }
0x13c: {  	[sflag:s29] =	ssyncset.done $0x0  }
0x13d: {  	[sflag:s29] =	ssyncadd.s32 $0xFFFFE000  }
0x13e: {  	_ =	swait.ge [sflag:s29], $0x2000  }
0x13f: {  	[sflag:s29] =	ssyncset.done $0x0  }
0x140: {  	s10 =	simm.s32 $0x0;
	[sflag:s29] =	ssyncadd.s32 $0xFFFFE000  }
0x141: {  	v5 =	vld [tilespmem:s10+$0x16B00]  }
0x142: {  	v4 =	vld [tilespmem:s10+$0x16B10]  }
0x143: {  	v3 =	vld [tilespmem:s10+$0x16B20]  }
0x144: {  	v2 =	vld [tilespmem:s10+$0x16B30]  }
0x145: {  	v1 =	vld [tilespmem:s10+$0x16B40]  }
0x146: {  	v0 =	vld [tilespmem:s10+$0x16B50]  }
0x147: {  	v12 =	vld [tilespmem:s10+$0x12B00]  }
0x148: {  	v17 =	vld [tilespmem:s10+$0x12B10]  }
0x149: {  	v11 =	vld [tilespmem:s10+$0x12B20]  }
0x14a: {  	v10 =	vld [tilespmem:s10+$0x12B30]  }
0x14b: {  	v9 =	vld [tilespmem:s10+$0x12B40]  }
0x14c: {  	v8 =	vld [tilespmem:s10+$0x12B50]  }
0x14d: {  	v7 =	vld [tilespmem:s10+$0x12B60]  }
0x14e: {  	v6 =	vld [tilespmem:s10+$0x12B70]  }
0x14f: {  	v18 =	vld [tilespmem:s10+$0xEB00]  }
0x150: {  	v19 =	vld [tilespmem:s10+$0xEB10]  }
0x151: {  	v16 =	vld [tilespmem:s10+$0xEB20]  }
0x152: {  	v15 =	vld [tilespmem:s10+$0xEB30]  }
0x153: {  	v14 =	vld [tilespmem:s10+$0xEB40]  }
0x154: {  	v13 =	vld [tilespmem:s10+$0xEB50];
	v18 =	vadd.f32 v12, v18  }
0x155: {  	s3 =	simm.s32 $0x200;
	v17 =	vadd.f32 v17, v19;
	v12 =	vld [tilespmem:s10+$0xEB60]  }
.LBB2_8:
0x156: {  	p1 =	sne.s32 s3, $0x7E00;
	v5 =	vadd.f32 v5, v18;
	v11 =	vadd.f32 v11, v16;
	v16 =	vld [tilespmem:s10+$0xEB70]  }
0x157: {  	v4 =	vadd.f32 v4, v17;
	v10 =	vadd.f32 v10, v15;
	v15 =	vld [tilespmem:s10+$0x16B60]  }
0x158: {  	s5 =	sshra.s32 s3, $0x2;
	[tilespmem:s10+$0xEB00] =	vst v5;
	v3 =	vadd.f32 v3, v11;
	v9 =	vadd.f32 v9, v14;
	v11 =	vld [tilespmem:s10+$0x16B70]  }
0x159: {  	v5 =	vld [tilespmem:s5+$0x16B00];
	[tilespmem:s10+$0xEB10] =	vst v4;
	v2 =	vadd.f32 v2, v10;
	v8 =	vadd.f32 v8, v13  }
0x15a: {  	v4 =	vld [tilespmem:s5+$0x16B10];
	[tilespmem:s10+$0xEB20] =	vst v3;
	v1 =	vadd.f32 v1, v9;
	v7 =	vadd.f32 v7, v12  }
0x15b: {  	v3 =	vld [tilespmem:s5+$0x16B20];
	[tilespmem:s10+$0xEB30] =	vst v2;
	v0 =	vadd.f32 v0, v8;
	v6 =	vadd.f32 v6, v16  }
0x15c: {  	v2 =	vld [tilespmem:s5+$0x16B30];
	[tilespmem:s10+$0xEB40] =	vst v1;
	v7 =	vadd.f32 v15, v7  }
0x15d: {  	v1 =	vld [tilespmem:s5+$0x16B40];
	[tilespmem:s10+$0xEB50] =	vst v0;
	v6 =	vadd.f32 v11, v6  }
0x15e: {  	v0 =	vld [tilespmem:s5+$0x16B50];
	[tilespmem:s10+$0xEB60] =	vst v7  }
0x15f: {  	v12 =	vld [tilespmem:s5+$0x12B00];
	[tilespmem:s10+$0xEB70] =	vst v6;
	s10 =	smov.u32 s5  }
0x160: {  	v17 =	vld [tilespmem:s10+$0x12B10]  }
0x161: {  	v11 =	vld [tilespmem:s10+$0x12B20]  }
0x162: {  	v10 =	vld [tilespmem:s10+$0x12B30]  }
0x163: {  	v9 =	vld [tilespmem:s10+$0x12B40]  }
0x164: {  	v8 =	vld [tilespmem:s10+$0x12B50]  }
0x165: {  	v7 =	vld [tilespmem:s10+$0x12B60]  }
0x166: {  	v6 =	vld [tilespmem:s10+$0x12B70]  }
0x167: {  	v13 =	vld [tilespmem:s10+$0xEB00]  }
0x168: {  	v19 =	vld [tilespmem:s10+$0xEB10]  }
.Ltmp3:
0x169: {  	v16 =	vld [tilespmem:s10+$0xEB20];
	(pc) =	sbr.rel @p1 .LBB2_8-.Ltmp3, $4  }
0x16a: {  	v15 =	vld [tilespmem:s10+$0xEB30]  }
0x16b: {  	v14 =	vld [tilespmem:s10+$0xEB40]  }
0x16c: {  	v18 =	vadd.f32 v12, v13;
	v13 =	vld [tilespmem:s10+$0xEB50]  }
0x16d: {  	s3 =	sadd.s32 $0x200, s3;
	v17 =	vadd.f32 v17, v19;
	v12 =	vld [tilespmem:s10+$0xEB60]  }
0x16e: {  	v5 =	vadd.f32 v5, v18;
	v55 =	vld [tilespmem:s10+$0xEB70];
	v11 =	vadd.f32 v11, v16  }
0x16f: {  	v56 =	vld [tilespmem:s10+$0x16B60];
	v4 =	vadd.f32 v4, v17;
	v10 =	vadd.f32 v10, v15  }
0x170: {  	v58 =	vld [tilespmem:s10+$0x16B70];
	[tilespmem:s10+$0xEB00] =	vst v5;
	v3 =	vadd.f32 v3, v11;
	v57 =	vadd.f32 v9, v14  }
0x171: {  	[tilespmem:s10+$0xEB10] =	vst v4;
	v2 =	vadd.f32 v2, v10;
	v59 =	vadd.f32 v8, v13  }
0x172: {  	s3 =	sshll.u32 s0, $0xB;
	s0 =	sadd.s32 $0x1, s0;
	[tilespmem:s10+$0xEB20] =	vst v3;
	v1 =	vadd.f32 v1, v57;
	v60 =	vadd.f32 v7, v12  }
0x173: {  	p1 =	sne.s32 s0, $0x19;
	[tilespmem:s10+$0xEB30] =	vst v2;
	v0 =	vadd.f32 v0, v59;
	v61 =	vadd.f32 v6, v55  }
.Ltmp4:
0x174: {  	[tilespmem:s10+$0xEB40] =	vst v1;
	v62 =	vadd.f32 v56, v60;
	(pc) =	sbr.rel @p1 .LBB2_2-.Ltmp4, $4  }
0x175: {  	[tilespmem:s10+$0xEB50] =	vst v0;
	v63 =	vadd.f32 v58, v61  }
0x176: {  	[tilespmem:s10+$0xEB60] =	vst v62  }
0x177: {  	s3 =	sadd.s32 s8, s3;
	[tilespmem:s10+$0xEB70] =	vst v63  }
0x178: {  	[hbm4b:s3+s2] =	stream.linear.scatter [tilespmem:s21], [sflag:$0x4], $0x2000, $0x38;
	[tilespmem:$0x1F860] =	vst v63  }
0x179: {  	s31 =	sadd.s32 $0x1, s31  }
0x17a: {  	p1 =	sne.s32 s31, s7  }
.Ltmp5:
0x17b: {  	_ = 	snop;
	(pc) =	sbr.rel @p1 .LBB2_1-.Ltmp5, $4  }
0x17c: {  	_ = 	snop  }
0x17d: {  	_ =	swait.ge [sflag:s30], $0x2000  }
0x17e: {  	[sflag:s30] =	ssyncset.done $0x0  }
0x17f: {  	[sflag:s30] =	ssyncadd.s32 $0xFFFFE000  }
0x180: {  	_ =	sfence.sel $0x180000  }
0x181: {  	[bflag:$0x0] =	sbarrier.arrive $0xFFFF  }
0x182: {  	_ =	strace $0x90000047  }
0x183: {  	[bflag:$0x2] =	sbarrier.arrive $0xFFFF  }
0x184: {  	s0 =	rddreg [dreg:$0x3]  }
0x185: {  	s0 =	sadd.s32 @!p0 $0x100000, s0  }
0x186: {  	[sflag:s0] =	ssyncadd.tile.s32 @!p0 $0x1;
	_ =	shalt  }
.Lfunc_end2:
_tile_overlayer_lowered:
.L_overlay_start_2:
0x187: {  	(tag) =	ssettag $0x2  }
0x188: {  	s0 =	rddreg [dreg:$0x0];
	s2 =	stileid.u32  }
0x189: {  	s1 =	rddreg [dreg:$0x1];
	p0 =	sne.s32 s2, $0x0  }
0x18a: {  	s3 =	rddreg [dreg:$0x2];
	[bflag:$0x3] =	sbarrier.arrive $0xFFFF;
	s2 =	simm.s32 @!p0 $0x1C05  }
0x18b: {  	[timem:s3], [sflag:s2] =	dma.local @!p0 [hbm:s0], s1  }
0x18c: {  	s0 =	simm.s32 @!p0 $0x5  }
0x18d: {  	_ =	swait.ge @!p0 [sflag:s0], s1  }
0x18e: {  	s1 =	ssub.s32 @!p0 $0x0, s1;
	[sflag:s0] =	ssyncset.done @!p0 $0x0  }
0x18f: {  	[sflag:s0] =	ssyncadd.s32 @!p0 s1  }
0x190: {  	[bflag:$0x3] =	sbarrier.arrive $0xFFFF  }
0x191: {  	_ =	shalt  }

</sc_bundles>
